<compile_context>
chip_gen: v7x
topology: tpu7x:2x2x1
jax: 0.10.2.dev20260603
libtpu: 0.0.44.dev20260713+nightly
codegen_flags: <defaults>
</compile_context>

<pallas_src>
import functools

import jax
import jax.numpy as jnp
from jax import lax
from jax.experimental import pallas as pl
from jax.experimental.pallas import tpu as pltpu
from jax.experimental.pallas import tpu_sc as plsc

N = 10000
E = 320000
D = 128
H = 8
C = 16

NC = 2
NS = 16
NW = NC * NS
EPT = E // NW
CH = 80
NCHUNK = EPT // CH

BLK = 400
GRID = N // BLK

_f32 = jnp.float32
_i32 = jnp.int32
_HI = jax.lax.Precision.HIGHEST



def _tc_dense_body(x_ref, w_ref, pa_ref, pd_ref,
                   h_ref, av_ref, dv_ref, mav_ref, mdv_ref):
    i = pl.program_id(0)
    h = jnp.dot(x_ref[...], w_ref[...], preferred_element_type=_f32)
    h_ref[...] = h
    av = jnp.dot(h, pa_ref[...], preferred_element_type=_f32, precision=_HI)
    dv = jnp.dot(h, pd_ref[...], preferred_element_type=_f32, precision=_HI)
    av_ref[...] = av
    dv_ref[...] = dv

    @pl.when(i == 0)
    def _():
        mav_ref[...] = jnp.full((1, D), -3e38, _f32)
        mdv_ref[...] = jnp.full((1, D), -3e38, _f32)

    mav_ref[...] = jnp.maximum(mav_ref[...], jnp.max(av, axis=0, keepdims=True))
    mdv_ref[...] = jnp.maximum(mdv_ref[...], jnp.max(dv, axis=0, keepdims=True))


def _tc_dense(x, w, pa, pd):
    return pl.pallas_call(
        _tc_dense_body,
        grid=(GRID,),
        in_specs=[
            pl.BlockSpec((BLK, D), lambda i: (i, 0)),
            pl.BlockSpec((D, D), lambda i: (0, 0)),
            pl.BlockSpec((D, D), lambda i: (0, 0)),
            pl.BlockSpec((D, D), lambda i: (0, 0)),
        ],
        out_specs=[
            pl.BlockSpec((BLK, D), lambda i: (i, 0)),
            pl.BlockSpec((BLK, D), lambda i: (i, 0)),
            pl.BlockSpec((BLK, D), lambda i: (i, 0)),
            pl.BlockSpec((1, D), lambda i: (0, 0)),
            pl.BlockSpec((1, D), lambda i: (0, 0)),
        ],
        out_shape=[
            jax.ShapeDtypeStruct((N, D), _f32),
            jax.ShapeDtypeStruct((N, D), _f32),
            jax.ShapeDtypeStruct((N, D), _f32),
            jax.ShapeDtypeStruct((1, D), _f32),
            jax.ShapeDtypeStruct((1, D), _f32),
        ],
        compiler_params=pltpu.CompilerParams(
            dimension_semantics=("arbitrary",)),
    )(x, w, pa, pd)


def _tc_dvrd_body(d0_ref, d1_ref, dv_ref, o_ref):
    rd = 1.0 / (d0_ref[...][:, :H] + d1_ref[...][:, :H] + 1e-16)
    o_ref[...] = jnp.concatenate(
        [dv_ref[...][:, :H], rd, jnp.zeros((BLK, D - 2 * H), _f32)], axis=1)


def _tc_dvrd(d0, d1, dv):
    return pl.pallas_call(
        _tc_dvrd_body,
        grid=(GRID,),
        in_specs=[
            pl.BlockSpec((BLK, D), lambda i: (i, 0)),
            pl.BlockSpec((BLK, D), lambda i: (i, 0)),
            pl.BlockSpec((BLK, D), lambda i: (i, 0)),
        ],
        out_specs=pl.BlockSpec((BLK, D), lambda i: (i, 0)),
        out_shape=jax.ShapeDtypeStruct((N, D), _f32),
        compiler_params=pltpu.CompilerParams(
            dimension_semantics=("arbitrary",)),
    )(d0, d1, dv)


def _tc_mid_body(a0_ref, a1_ref, b_ref, w_ref, pa_ref, pd_ref,
                 hp_ref, h_ref, av_ref, dv_ref, mav_ref, mdv_ref):
    i = pl.program_id(0)
    hp = jnp.maximum(a0_ref[...] + a1_ref[...] + b_ref[...], 0.0)
    hp_ref[...] = hp
    h = jnp.dot(hp, w_ref[...], preferred_element_type=_f32)
    h_ref[...] = h
    av = jnp.dot(h, pa_ref[...], preferred_element_type=_f32, precision=_HI)
    dv = jnp.dot(h, pd_ref[...], preferred_element_type=_f32, precision=_HI)
    av_ref[...] = av
    dv_ref[...] = dv

    @pl.when(i == 0)
    def _():
        mav_ref[...] = jnp.full((1, D), -3e38, _f32)
        mdv_ref[...] = jnp.full((1, D), -3e38, _f32)

    mav_ref[...] = jnp.maximum(mav_ref[...], jnp.max(av, axis=0, keepdims=True))
    mdv_ref[...] = jnp.maximum(mdv_ref[...], jnp.max(dv, axis=0, keepdims=True))


def _tc_mid(a0, a1, b, w, pa, pd):
    return pl.pallas_call(
        _tc_mid_body,
        grid=(GRID,),
        in_specs=[
            pl.BlockSpec((BLK, D), lambda i: (i, 0)),
            pl.BlockSpec((BLK, D), lambda i: (i, 0)),
            pl.BlockSpec((1, D), lambda i: (0, 0)),
            pl.BlockSpec((D, D), lambda i: (0, 0)),
            pl.BlockSpec((D, D), lambda i: (0, 0)),
            pl.BlockSpec((D, D), lambda i: (0, 0)),
        ],
        out_specs=[
            pl.BlockSpec((BLK, D), lambda i: (i, 0)),
            pl.BlockSpec((BLK, D), lambda i: (i, 0)),
            pl.BlockSpec((BLK, D), lambda i: (i, 0)),
            pl.BlockSpec((BLK, D), lambda i: (i, 0)),
            pl.BlockSpec((1, D), lambda i: (0, 0)),
            pl.BlockSpec((1, D), lambda i: (0, 0)),
        ],
        out_shape=[
            jax.ShapeDtypeStruct((N, D), _f32),
            jax.ShapeDtypeStruct((N, D), _f32),
            jax.ShapeDtypeStruct((N, D), _f32),
            jax.ShapeDtypeStruct((N, D), _f32),
            jax.ShapeDtypeStruct((1, D), _f32),
            jax.ShapeDtypeStruct((1, D), _f32),
        ],
        compiler_params=pltpu.CompilerParams(
            dimension_semantics=("arbitrary",)),
    )(a0, a1, b, w, pa, pd)


def _tc_final_body(x_ref, hp_ref, a0_ref, a1_ref, b_ref, o_ref):
    h2 = jnp.maximum(a0_ref[...] + a1_ref[...] + b_ref[...], 0.0)
    o_ref[...] = x_ref[...] + hp_ref[...] + h2


def _tc_final(x, hp, a0, a1, b):
    return pl.pallas_call(
        _tc_final_body,
        grid=(GRID,),
        in_specs=[
            pl.BlockSpec((BLK, D), lambda i: (i, 0)),
            pl.BlockSpec((BLK, D), lambda i: (i, 0)),
            pl.BlockSpec((BLK, D), lambda i: (i, 0)),
            pl.BlockSpec((BLK, D), lambda i: (i, 0)),
            pl.BlockSpec((1, D), lambda i: (0, 0)),
        ],
        out_specs=pl.BlockSpec((BLK, D), lambda i: (i, 0)),
        out_shape=jax.ShapeDtypeStruct((N, D), _f32),
        compiler_params=pltpu.CompilerParams(
            dimension_semantics=("arbitrary",)),
    )(x, hp, a0, a1, b)



RPS = 624
RLAST = N - (NS - 1) * RPS


def _stage_rows(body_fn):
    s = lax.axis_index("s")

    @pl.when(s < NS - 1)
    def _():
        body_fn(pl.multiple_of(s * RPS, 8), RPS)

    @pl.when(s == NS - 1)
    def _():
        body_fn(pl.multiple_of((NS - 1) * RPS, 8), RLAST)


def _sc_denom_kernel(src_h, dst_h, av_h, dv_h, msub_h, z_h, dpart_h,
                     dacc, sidx, didx, avb, dvb, exb, msub_v):
    c = lax.axis_index("c")
    s = lax.axis_index("s")
    wid = c * NS + s

    _stage_rows(lambda r0, nr: pltpu.sync_copy(
        z_h.at[pl.ds(r0, nr), :], dacc.at[pl.ds(r0, nr), :]))
    pltpu.sync_copy(z_h.at[pl.ds(0, CH), :], exb)
    pltpu.sync_copy(msub_h, msub_v)
    plsc.subcore_barrier()

    m16 = msub_v[...]
    base = wid * EPT

    @pl.loop(0, NCHUNK)
    def _chunk(k):
        e0 = pl.multiple_of(base + k * CH, 8)
        pltpu.sync_copy(src_h.at[pl.ds(e0, CH)], sidx)
        pltpu.sync_copy(dst_h.at[pl.ds(e0, CH)], didx)
        pltpu.sync_copy(av_h.at[sidx], avb)
        pltpu.sync_copy(dv_h.at[didx], dvb)

        @pl.loop(0, CH)
        def _e(e):
            t = avb[e, pl.ds(0, 16)] + dvb[e, pl.ds(0, 16)]
            t = jnp.where(t > 0.0, t, 0.2 * t)
            exb[e, pl.ds(0, 16)] = jnp.exp(t - m16)

        pltpu.sync_copy(exb, dacc.at[didx], add=True)

    plsc.subcore_barrier()
    _stage_rows(lambda r0, nr: pltpu.sync_copy(
        dacc.at[pl.ds(r0, nr), :], dpart_h.at[c, pl.ds(r0, nr), :]))


def _sc_denom(src, dst, av, dv, msub, z):
    mesh = plsc.VectorSubcoreMesh(core_axis_name="c", subcore_axis_name="s")
    kern = functools.partial(
        pl.kernel,
        out_type=jax.ShapeDtypeStruct((NC, N, D), _f32),
        mesh=mesh,
        scratch_types=[
            pltpu.VMEM_SHARED((N, D), _f32),
            pltpu.VMEM((CH,), _i32),
            pltpu.VMEM((CH,), _i32),
            pltpu.VMEM((CH, D), _f32),
            pltpu.VMEM((CH, D), _f32),
            pltpu.VMEM((CH, D), _f32),
            pltpu.VMEM((16,), _f32),
        ],
    )(_sc_denom_kernel)
    return kern(src, dst, av, dv, msub, z)


def _sc_msg_kernel(src_h, dst_h, av_h, dvrd_h, msub_h, h_h, z_h,
                   aggp_h,
                   acc, sidx, didx, avb, ddb, hb, msub_v):
    c = lax.axis_index("c")
    s = lax.axis_index("s")
    wid = c * NS + s

    _stage_rows(lambda r0, nr: pltpu.sync_copy(
        z_h.at[pl.ds(r0, nr), :], acc.at[pl.ds(r0, nr), :]))
    pltpu.sync_copy(msub_h, msub_v)
    plsc.subcore_barrier()

    m16 = msub_v[...]
    base = wid * EPT

    @pl.loop(0, NCHUNK)
    def _chunk(k):
        e0 = pl.multiple_of(base + k * CH, 8)
        pltpu.sync_copy(src_h.at[pl.ds(e0, CH)], sidx)
        pltpu.sync_copy(dst_h.at[pl.ds(e0, CH)], didx)
        pltpu.sync_copy(h_h.at[sidx], hb)
        pltpu.sync_copy(av_h.at[sidx], avb)
        pltpu.sync_copy(dvrd_h.at[didx], ddb)

        @pl.loop(0, CH)
        def _e(e):
            dd = ddb[e, pl.ds(0, 16)]
            u = avb[e, pl.ds(0, 16)] + dd
            t = jnp.where(u > 0.0, u, 0.2 * u)
            ex = jnp.exp(t - m16)
            for hi in range(H):
                hv = hb[e, pl.ds(hi * 16, 16)]
                hb[e, pl.ds(hi * 16, 16)] = hv * (ex[hi] * dd[H + hi])

        pltpu.sync_copy(hb, acc.at[didx], add=True)

    plsc.subcore_barrier()
    _stage_rows(lambda r0, nr: pltpu.sync_copy(
        acc.at[pl.ds(r0, nr), :], aggp_h.at[c, pl.ds(r0, nr), :]))


def _sc_msg(src, dst, av, dvrd, msub, h, z):
    mesh = plsc.VectorSubcoreMesh(core_axis_name="c", subcore_axis_name="s")
    kern = functools.partial(
        pl.kernel,
        out_type=jax.ShapeDtypeStruct((NC, N, D), _f32),
        mesh=mesh,
        scratch_types=[
            pltpu.VMEM_SHARED((N, D), _f32),
            pltpu.VMEM((CH,), _i32),
            pltpu.VMEM((CH,), _i32),
            pltpu.VMEM((CH, D), _f32),
            pltpu.VMEM((CH, D), _f32),
            pltpu.VMEM((CH, D), _f32),
            pltpu.VMEM((16,), _f32),
        ],
    )(_sc_msg_kernel)
    return kern(src, dst, av, dvrd, msub, h, z)



def _head_proj(att):
    d = jnp.arange(D)
    hh = jnp.arange(D) % H
    mask = ((d[:, None] // C == hh[None, :]) &
            (jnp.arange(D)[None, :] < 16)).astype(_f32)
    return mask * att.reshape(-1)[:, None]


def _mshift(mav, mdv):
    m = mav[0, :16] + mdv[0, :16]
    return jnp.where(m > 0.0, m, 0.2 * m)


def kernel(x, edge_index, pos, Wd, bd, W1, as1, ad1, b1, W2, as2, ad2, b2):
    del pos, Wd, bd
    src = edge_index[0]
    dst = edge_index[1]
    z = jnp.zeros((N, D), _f32)

    pa1, pd1 = _head_proj(as1), _head_proj(ad1)
    pa2, pd2 = _head_proj(as2), _head_proj(ad2)

    h1, av1, dv1, mav1, mdv1 = _tc_dense(x, W1, pa1, pd1)
    msub1 = _mshift(mav1, mdv1)
    d1p = _sc_denom(src, dst, av1, dv1, msub1, z)
    dvrd1 = _tc_dvrd(d1p[0], d1p[1], dv1)
    a1p = _sc_msg(src, dst, av1, dvrd1, msub1, h1, z)

    hpost, h2, av2, dv2, mav2, mdv2 = _tc_mid(
        a1p[0], a1p[1], b1.reshape(1, D), W2, pa2, pd2)
    msub2 = _mshift(mav2, mdv2)
    d2p = _sc_denom(src, dst, av2, dv2, msub2, z)
    dvrd2 = _tc_dvrd(d2p[0], d2p[1], dv2)
    a2p = _sc_msg(src, dst, av2, dvrd2, msub2, h2, z)

    return _tc_final(x, hpost, a2p[0], a2p[1], b2.reshape(1, D))

# --- scband reference (transcript-rebuilt; emitter-appended) ---
"""Pipeline reference for scband-structural-encoder-84928683311673 (READ-ONLY COPY).

The authoritative reference and input builder live on the scoring server;
editing this copy changes nothing except your own understanding.
"""

import jax, jax.numpy as jnp
import numpy as np

N = 10000
E = 320000
D = 128
H = 8
C = D // H


def setup_inputs(seed: int = 0) -> dict:
    key = jax.random.key(seed)
    ks = jax.random.split(key, 16)
    sc = lambda fan: 1.0 / np.sqrt(fan)
    x = jax.random.normal(ks[0], (N, D), jnp.float32)
    edge_index = jax.random.randint(ks[1], (2, E), 0, N, jnp.int32)
    pos = jax.random.normal(ks[2], (N, 3), jnp.float32)
    # dist_proj: Linear(1 -> d_model)
    Wd = jax.random.normal(ks[3], (1, D), jnp.float32) * sc(1)
    bd = jnp.zeros((D,), jnp.float32)
    # GATConv 1: in=D, heads=H, out-per-head=C, concat
    W1 = jax.random.normal(ks[4], (D, H * C), jnp.float32) * sc(D)
    as1 = jax.random.normal(ks[5], (H, C), jnp.float32) * sc(C)
    ad1 = jax.random.normal(ks[6], (H, C), jnp.float32) * sc(C)
    b1 = jnp.zeros((H * C,), jnp.float32)
    # GATConv 2: in=D (=H*C), heads=H, out-per-head=C, concat
    W2 = jax.random.normal(ks[7], (D, H * C), jnp.float32) * sc(D)
    as2 = jax.random.normal(ks[8], (H, C), jnp.float32) * sc(C)
    ad2 = jax.random.normal(ks[9], (H, C), jnp.float32) * sc(C)
    b2 = jnp.zeros((H * C,), jnp.float32)
    return {"x": x, "edge_index": edge_index, "pos": pos, "Wd": Wd, "bd": bd,
            "W1": W1, "as1": as1, "ad1": ad1, "b1": b1,
            "W2": W2, "as2": as2, "ad2": ad2, "b2": b2}


def _gat_conv(x, src, dst, W, att_s, att_d, b):
    h = (x @ W).reshape(-1, H, C)                       # [N, H, C]
    a_s = jnp.sum(h * att_s[None], axis=-1)              # [N, H]
    a_d = jnp.sum(h * att_d[None], axis=-1)              # [N, H]
    alpha = a_s[src] + a_d[dst]                          # [E, H] gather
    alpha = jax.nn.leaky_relu(alpha, negative_slope=0.2)
    amax = jax.ops.segment_max(alpha, dst, num_segments=N)
    amax = jnp.where(jnp.isfinite(amax), amax, 0.0)
    ex = jnp.exp(alpha - amax[dst])
    denom = jax.ops.segment_sum(ex, dst, num_segments=N)
    coef = ex / (denom[dst] + 1e-16)                     # softmax over incoming edges of dst
    msg = h[src] * coef[:, :, None]                      # [E, H, C] gather
    out = jax.ops.segment_sum(msg, dst, num_segments=N)  # scatter-add
    return out.reshape(-1, H * C) + b


def reference(x, edge_index, pos, Wd, bd, W1, as1, ad1, b1, W2, as2, ad2, b2):
    src = edge_index[0]
    dst = edge_index[1]
    diff = pos[src] - pos[dst]
    dist = jnp.sqrt(jnp.sum(diff * diff, axis=1))[:, None]      # [E, 1]
    dist_emb = jax.nn.relu(dist @ Wd + bd)                      # computed but unused (faithful to torch)
    h1 = jax.nn.relu(_gat_conv(x, src, dst, W1, as1, ad1, b1))
    h2 = jax.nn.relu(_gat_conv(h1, src, dst, W2, as2, ad2, b2))
    del dist_emb
    return x + h1 + h2

if __name__ == "__main__":
    import jax
    _d = setup_inputs()
    print(jax.jit(kernel)(*tuple(_d.values())))

</pallas_src>

<mosaic_0001>
#map = affine_map<(d0, d1) -> (0)>
#map1 = affine_map<(d0, d1) -> (0, 0)>
#map2 = affine_map<(d0, d1) -> (0, 0, 0)>
module attributes {stable_mosaic.version = 14 : i64} {
  func.func @_sc_denom_kernel(%arg0: i32, %arg1: i32, %arg2: memref<320000xi32, #tpu.memory_space<hbm>>, %arg3: memref<320000xi32, #tpu.memory_space<hbm>>, %arg4: memref<10000x128xf32, #tpu.memory_space<hbm>>, %arg5: memref<10000x128xf32, #tpu.memory_space<hbm>>, %arg6: memref<16xf32, #tpu.memory_space<hbm>>, %arg7: memref<10000x128xf32, #tpu.memory_space<hbm>>, %arg8: memref<2x10000x128xf32, #tpu.memory_space<hbm>>, %arg9: memref<10000x128xf32, #tpu.memory_space<vmem_shared>>, %arg10: memref<80xi32, #tpu.memory_space<vmem>>, %arg11: memref<80xi32, #tpu.memory_space<vmem>>, %arg12: memref<80x128xf32, #tpu.memory_space<vmem>>, %arg13: memref<80x128xf32, #tpu.memory_space<vmem>>, %arg14: memref<80x128xf32, #tpu.memory_space<vmem>>, %arg15: memref<16xf32, #tpu.memory_space<vmem>>) attributes {dimension_semantics = [#tpu.dimension_semantics<core_parallel>, #tpu.dimension_semantics<subcore_parallel>], iteration_bounds = array<i64: 2, 16>, scalar_prefetch = 0 : i64, scratch_operands = 7 : i64, tpu.core_type = #tpu.core_type<sc_vector_subcore>, window_params = [{transform_indices = #map}, {transform_indices = #map}, {transform_indices = #map1}, {transform_indices = #map1}, {transform_indices = #map}, {transform_indices = #map1}, {transform_indices = #map2}]} {
    %mul3A = arith.constant 16 : i32
    %mul3A_0 = arith.muli %arg0, %mul3A : i32
    %add3A = arith.addi %mul3A_0, %arg1 : i32
    %lt3A = arith.constant 15 : i32
    %lt3A_1 = arith.cmpi slt, %arg1, %lt3A : i32
    %convert_element_type3A = arith.extui %lt3A_1 : i1 to i32
    %cond3A = arith.constant 0 : i32
    %cond3A_2 = arith.cmpi ne, %convert_element_type3A, %cond3A : i32
    scf.if %cond3A_2 {
      %mul3A_26 = arith.constant 624 : i32
      %mul3A_27 = arith.muli %arg1, %mul3A_26 : i32
      %multiple_of3A = tpu.assume_multiple %mul3A_27, 8 : i32
      "tpu.region"() ({
        %run_scoped3A = tpu.sem_alloc : memref<!tpu.dma_semaphore, #tpu.memory_space<semaphore_mem>>
        %dma_start3A = arith.constant 0 : i32
        %dma_start3A_28 = tpu.memref_slice %arg9[%multiple_of3A, %dma_start3A] : memref<10000x128xf32, #tpu.memory_space<vmem_shared>> -> memref<624x128xf32, #tpu.memory_space<vmem_shared>>
        %dma_start3A_29 = arith.constant 0 : i32
        %dma_start3A_30 = tpu.memref_slice %arg7[%multiple_of3A, %dma_start3A_29] : memref<10000x128xf32, #tpu.memory_space<hbm>> -> memref<624x128xf32, #tpu.memory_space<hbm>>
        tpu.enqueue_dma source(%dma_start3A_30 : memref<624x128xf32, #tpu.memory_space<hbm>>) target(%dma_start3A_28 : memref<624x128xf32, #tpu.memory_space<vmem_shared>>) target_semaphore(%run_scoped3A : memref<!tpu.dma_semaphore, #tpu.memory_space<semaphore_mem>>)
        %dma_wait3A = arith.constant 0 : i32
        %dma_wait3A_31 = tpu.memref_slice %arg9[%multiple_of3A, %dma_wait3A] : memref<10000x128xf32, #tpu.memory_space<vmem_shared>> -> memref<624x128xf32, #tpu.memory_space<vmem_shared>>
        %dma_wait3A_32 = arith.constant 0 : i32
        %dma_wait3A_33 = tpu.memref_slice %arg7[%multiple_of3A, %dma_wait3A_32] : memref<10000x128xf32, #tpu.memory_space<hbm>> -> memref<624x128xf32, #tpu.memory_space<hbm>>
        tpu.wait_dma2 semaphore(%run_scoped3A : memref<!tpu.dma_semaphore, #tpu.memory_space<semaphore_mem>>) src(%dma_wait3A_33 : memref<624x128xf32, #tpu.memory_space<hbm>>) dst(%dma_wait3A_31 : memref<624x128xf32, #tpu.memory_space<vmem_shared>>)
        tpu.yield
      }) : () -> ()
    } else {
    }
    %eq3A = arith.constant 15 : i32
    %eq3A_3 = arith.cmpi eq, %arg1, %eq3A : i32
    %convert_element_type3A_4 = arith.extui %eq3A_3 : i1 to i32
    %cond3A_5 = arith.constant 0 : i32
    %cond3A_6 = arith.cmpi ne, %convert_element_type3A_4, %cond3A_5 : i32
    scf.if %cond3A_6 {
      %multiple_of3A = arith.constant 9360 : i32
      %multiple_of3A_26 = tpu.assume_multiple %multiple_of3A, 8 : i32
      "tpu.region"() ({
        %run_scoped3A = tpu.sem_alloc : memref<!tpu.dma_semaphore, #tpu.memory_space<semaphore_mem>>
        %dma_start3A = arith.constant 0 : i32
        %dma_start3A_27 = tpu.memref_slice %arg9[%multiple_of3A_26, %dma_start3A] : memref<10000x128xf32, #tpu.memory_space<vmem_shared>> -> memref<640x128xf32, #tpu.memory_space<vmem_shared>>
        %dma_start3A_28 = arith.constant 0 : i32
        %dma_start3A_29 = tpu.memref_slice %arg7[%multiple_of3A_26, %dma_start3A_28] : memref<10000x128xf32, #tpu.memory_space<hbm>> -> memref<640x128xf32, #tpu.memory_space<hbm>>
        tpu.enqueue_dma source(%dma_start3A_29 : memref<640x128xf32, #tpu.memory_space<hbm>>) target(%dma_start3A_27 : memref<640x128xf32, #tpu.memory_space<vmem_shared>>) target_semaphore(%run_scoped3A : memref<!tpu.dma_semaphore, #tpu.memory_space<semaphore_mem>>)
        %dma_wait3A = arith.constant 0 : i32
        %dma_wait3A_30 = tpu.memref_slice %arg9[%multiple_of3A_26, %dma_wait3A] : memref<10000x128xf32, #tpu.memory_space<vmem_shared>> -> memref<640x128xf32, #tpu.memory_space<vmem_shared>>
        %dma_wait3A_31 = arith.constant 0 : i32
        %dma_wait3A_32 = tpu.memref_slice %arg7[%multiple_of3A_26, %dma_wait3A_31] : memref<10000x128xf32, #tpu.memory_space<hbm>> -> memref<640x128xf32, #tpu.memory_space<hbm>>
        tpu.wait_dma2 semaphore(%run_scoped3A : memref<!tpu.dma_semaphore, #tpu.memory_space<semaphore_mem>>) src(%dma_wait3A_32 : memref<640x128xf32, #tpu.memory_space<hbm>>) dst(%dma_wait3A_30 : memref<640x128xf32, #tpu.memory_space<vmem_shared>>)
        tpu.yield
      }) : () -> ()
    } else {
    }
    "tpu.region"() ({
      %run_scoped3A = tpu.sem_alloc : memref<!tpu.dma_semaphore, #tpu.memory_space<semaphore_mem>>
      %dma_start3A = arith.constant 0 : i32
      %dma_start3A_26 = arith.constant 0 : i32
      %dma_start3A_27 = tpu.memref_slice %arg7[%dma_start3A, %dma_start3A_26] : memref<10000x128xf32, #tpu.memory_space<hbm>> -> memref<80x128xf32, #tpu.memory_space<hbm>>
      %dma_start3A_28 = arith.constant 0 : i32
      %dma_start3A_29 = arith.constant 0 : i32
      %dma_start3A_30 = tpu.memref_slice %arg7[%dma_start3A_28, %dma_start3A_29] : memref<10000x128xf32, #tpu.memory_space<hbm>> -> memref<80x128xf32, #tpu.memory_space<hbm>>
      tpu.enqueue_dma source(%dma_start3A_30 : memref<80x128xf32, #tpu.memory_space<hbm>>) target(%arg14 : memref<80x128xf32, #tpu.memory_space<vmem>>) target_semaphore(%run_scoped3A : memref<!tpu.dma_semaphore, #tpu.memory_space<semaphore_mem>>)
      %dma_wait3A = arith.constant 0 : i32
      %dma_wait3A_31 = arith.constant 0 : i32
      %dma_wait3A_32 = tpu.memref_slice %arg7[%dma_wait3A, %dma_wait3A_31] : memref<10000x128xf32, #tpu.memory_space<hbm>> -> memref<80x128xf32, #tpu.memory_space<hbm>>
      %dma_wait3A_33 = arith.constant 0 : i32
      %dma_wait3A_34 = arith.constant 0 : i32
      %dma_wait3A_35 = tpu.memref_slice %arg7[%dma_wait3A_33, %dma_wait3A_34] : memref<10000x128xf32, #tpu.memory_space<hbm>> -> memref<80x128xf32, #tpu.memory_space<hbm>>
      tpu.wait_dma2 semaphore(%run_scoped3A : memref<!tpu.dma_semaphore, #tpu.memory_space<semaphore_mem>>) src(%dma_wait3A_35 : memref<80x128xf32, #tpu.memory_space<hbm>>) dst(%arg14 : memref<80x128xf32, #tpu.memory_space<vmem>>)
      tpu.yield
    }) : () -> ()
    "tpu.region"() ({
      %run_scoped3A = tpu.sem_alloc : memref<!tpu.dma_semaphore, #tpu.memory_space<semaphore_mem>>
      tpu.enqueue_dma source(%arg6 : memref<16xf32, #tpu.memory_space<hbm>>) target(%arg15 : memref<16xf32, #tpu.memory_space<vmem>>) target_semaphore(%run_scoped3A : memref<!tpu.dma_semaphore, #tpu.memory_space<semaphore_mem>>)
      tpu.wait_dma2 semaphore(%run_scoped3A : memref<!tpu.dma_semaphore, #tpu.memory_space<semaphore_mem>>) src(%arg6 : memref<16xf32, #tpu.memory_space<hbm>>) dst(%arg15 : memref<16xf32, #tpu.memory_space<vmem>>)
      tpu.yield
    }) : () -> ()
    %barrier3A = arith.constant 0 : index
    tpu.barrier barrier_id(%barrier3A)
    %get3A = arith.constant 0 : index
    %get3A_7 = tpu.vector_load %arg15[%get3A] {strides = array<i32>} : memref<16xf32, #tpu.memory_space<vmem>>, vector<16xf32>,
    %get3A_8 = vector.shape_cast %get3A_7 : vector<16xf32> to vector<16xf32>
    %mul3A_9 = arith.constant 10000 : i32
    %mul3A_10 = arith.muli %add3A, %mul3A_9 : i32
    %scan3A = arith.constant 0 : i32
    %scan3A_11 = arith.constant 125 : i32
    %scan3A_12 = arith.addi %scan3A, %scan3A_11 : i32
    %scan3A_13 = arith.constant 1 : i32
    scf.for %scan3A_26 = %scan3A to %scan3A_12 step %scan3A_13  : i32 {
      %mul3A_27 = arith.constant 1 : i32
      %mul3A_28 = arith.muli %scan3A_26, %mul3A_27 : i32
      %add3A_29 = arith.constant 0 : i32
      %add3A_30 = arith.addi %add3A_29, %mul3A_28 : i32
      %mul3A_31 = arith.constant 80 : i32
      %mul3A_32 = arith.muli %add3A_30, %mul3A_31 : i32
      %add3A_33 = arith.addi %mul3A_10, %mul3A_32 : i32
      %multiple_of3A = tpu.assume_multiple %add3A_33, 8 : i32
      "tpu.region"() ({
        %run_scoped3A = tpu.sem_alloc : memref<!tpu.dma_semaphore, #tpu.memory_space<semaphore_mem>>
        %dma_start3A = tpu.memref_slice %arg2[%multiple_of3A] : memref<320000xi32, #tpu.memory_space<hbm>> -> memref<80xi32, #tpu.memory_space<hbm>>
        %dma_start3A_39 = tpu.memref_slice %arg2[%multiple_of3A] : memref<320000xi32, #tpu.memory_space<hbm>> -> memref<80xi32, #tpu.memory_space<hbm>>
        tpu.enqueue_dma source(%dma_start3A_39 : memref<80xi32, #tpu.memory_space<hbm>>) target(%arg10 : memref<80xi32, #tpu.memory_space<vmem>>) target_semaphore(%run_scoped3A : memref<!tpu.dma_semaphore, #tpu.memory_space<semaphore_mem>>)
        %dma_wait3A = tpu.memref_slice %arg2[%multiple_of3A] : memref<320000xi32, #tpu.memory_space<hbm>> -> memref<80xi32, #tpu.memory_space<hbm>>
        %dma_wait3A_40 = tpu.memref_slice %arg2[%multiple_of3A] : memref<320000xi32, #tpu.memory_space<hbm>> -> memref<80xi32, #tpu.memory_space<hbm>>
        tpu.wait_dma2 semaphore(%run_scoped3A : memref<!tpu.dma_semaphore, #tpu.memory_space<semaphore_mem>>) src(%dma_wait3A_40 : memref<80xi32, #tpu.memory_space<hbm>>) dst(%arg10 : memref<80xi32, #tpu.memory_space<vmem>>)
        tpu.yield
      }) : () -> ()
      "tpu.region"() ({
        %run_scoped3A = tpu.sem_alloc : memref<!tpu.dma_semaphore, #tpu.memory_space<semaphore_mem>>
        %dma_start3A = tpu.memref_slice %arg3[%multiple_of3A] : memref<320000xi32, #tpu.memory_space<hbm>> -> memref<80xi32, #tpu.memory_space<hbm>>
        %dma_start3A_39 = tpu.memref_slice %arg3[%multiple_of3A] : memref<320000xi32, #tpu.memory_space<hbm>> -> memref<80xi32, #tpu.memory_space<hbm>>
        tpu.enqueue_dma source(%dma_start3A_39 : memref<80xi32, #tpu.memory_space<hbm>>) target(%arg11 : memref<80xi32, #tpu.memory_space<vmem>>) target_semaphore(%run_scoped3A : memref<!tpu.dma_semaphore, #tpu.memory_space<semaphore_mem>>)
        %dma_wait3A = tpu.memref_slice %arg3[%multiple_of3A] : memref<320000xi32, #tpu.memory_space<hbm>> -> memref<80xi32, #tpu.memory_space<hbm>>
        %dma_wait3A_40 = tpu.memref_slice %arg3[%multiple_of3A] : memref<320000xi32, #tpu.memory_space<hbm>> -> memref<80xi32, #tpu.memory_space<hbm>>
        tpu.wait_dma2 semaphore(%run_scoped3A : memref<!tpu.dma_semaphore, #tpu.memory_space<semaphore_mem>>) src(%dma_wait3A_40 : memref<80xi32, #tpu.memory_space<hbm>>) dst(%arg11 : memref<80xi32, #tpu.memory_space<vmem>>)
        tpu.yield
      }) : () -> ()
      "tpu.region"() ({
        %run_scoped3A = tpu.sem_alloc : memref<!tpu.dma_semaphore, #tpu.memory_space<semaphore_mem>>
        %dma_start3A = arith.constant 0 : i32
        %dma_start3A_39 = arith.constant 0 : i32
        %dma_start3A_40 = tpu.memref_slice %arg4[%dma_start3A, %dma_start3A_39] : memref<10000x128xf32, #tpu.memory_space<hbm>> -> memref<10000x128xf32, #tpu.memory_space<hbm>>
        tpu.enqueue_indirect_dma source(%dma_start3A_40 : memref<10000x128xf32, #tpu.memory_space<hbm>>) target(%arg12 : memref<80x128xf32, #tpu.memory_space<vmem>>) offsets(%arg10 : memref<80xi32, #tpu.memory_space<vmem>>) semaphore(%run_scoped3A : memref<!tpu.dma_semaphore, #tpu.memory_space<semaphore_mem>>)
        %dma_wait3A = arith.constant 0 : i32
        %dma_wait3A_41 = arith.constant 0 : i32
        %dma_wait3A_42 = tpu.memref_slice %arg4[%dma_wait3A, %dma_wait3A_41] : memref<10000x128xf32, #tpu.memory_space<hbm>> -> memref<10000x128xf32, #tpu.memory_space<hbm>>
        tpu.wait_indirect_dma semaphore(%run_scoped3A : memref<!tpu.dma_semaphore, #tpu.memory_space<semaphore_mem>>) src(%dma_wait3A_42 : memref<10000x128xf32, #tpu.memory_space<hbm>>) dst(%arg12 : memref<80x128xf32, #tpu.memory_space<vmem>>)
        tpu.yield
      }) : () -> ()
      "tpu.region"() ({
        %run_scoped3A = tpu.sem_alloc : memref<!tpu.dma_semaphore, #tpu.memory_space<semaphore_mem>>
        %dma_start3A = arith.constant 0 : i32
        %dma_start3A_39 = arith.constant 0 : i32
        %dma_start3A_40 = tpu.memref_slice %arg5[%dma_start3A, %dma_start3A_39] : memref<10000x128xf32, #tpu.memory_space<hbm>> -> memref<10000x128xf32, #tpu.memory_space<hbm>>
        tpu.enqueue_indirect_dma source(%dma_start3A_40 : memref<10000x128xf32, #tpu.memory_space<hbm>>) target(%arg13 : memref<80x128xf32, #tpu.memory_space<vmem>>) offsets(%arg11 : memref<80xi32, #tpu.memory_space<vmem>>) semaphore(%run_scoped3A : memref<!tpu.dma_semaphore, #tpu.memory_space<semaphore_mem>>)
        %dma_wait3A = arith.constant 0 : i32
        %dma_wait3A_41 = arith.constant 0 : i32
        %dma_wait3A_42 = tpu.memref_slice %arg5[%dma_wait3A, %dma_wait3A_41] : memref<10000x128xf32, #tpu.memory_space<hbm>> -> memref<10000x128xf32, #tpu.memory_space<hbm>>
        tpu.wait_indirect_dma semaphore(%run_scoped3A : memref<!tpu.dma_semaphore, #tpu.memory_space<semaphore_mem>>) src(%dma_wait3A_42 : memref<10000x128xf32, #tpu.memory_space<hbm>>) dst(%arg13 : memref<80x128xf32, #tpu.memory_space<vmem>>)
        tpu.yield
      }) : () -> ()
      %scan3A_34 = arith.constant 0 : i32
      %scan3A_35 = arith.constant 80 : i32
      %scan3A_36 = arith.addi %scan3A_34, %scan3A_35 : i32
      %scan3A_37 = arith.constant 1 : i32
      scf.for %scan3A_39 = %scan3A_34 to %scan3A_36 step %scan3A_37  : i32 {
        %mul3A_40 = arith.constant 1 : i32
        %mul3A_41 = arith.muli %scan3A_39, %mul3A_40 : i32
        %add3A_42 = arith.constant 0 : i32
        %add3A_43 = arith.addi %add3A_42, %mul3A_41 : i32
        %get3A_44 = arith.index_cast %add3A_43 : i32 to index
        %get3A_45 = arith.constant 0 : index
        %get3A_46 = tpu.vector_load %arg12[%get3A_44, %get3A_45] {strides = array<i32>} : memref<80x128xf32, #tpu.memory_space<vmem>>, vector<1x16xf32>,
        %get3A_47 = vector.shape_cast %get3A_46 : vector<1x16xf32> to vector<16xf32>
        %get3A_48 = arith.index_cast %add3A_43 : i32 to index
        %get3A_49 = arith.constant 0 : index
        %get3A_50 = tpu.vector_load %arg13[%get3A_48, %get3A_49] {strides = array<i32>} : memref<80x128xf32, #tpu.memory_space<vmem>>, vector<1x16xf32>,
        %get3A_51 = vector.shape_cast %get3A_50 : vector<1x16xf32> to vector<16xf32>
        %add3A_52 = arith.addf %get3A_47, %get3A_51 : vector<16xf32>
        %gt3A = arith.constant 0.000000e+00 : f32
        %gt3A_53 = vector.broadcast %gt3A : f32 to vector<16xf32>
        %gt3A_54 = arith.cmpf ogt, %add3A_52, %gt3A_53 : vector<16xf32>
        %mul3A_55 = arith.constant 2.000000e-01 : f32
        %mul3A_56 = vector.broadcast %mul3A_55 : f32 to vector<16xf32>
        %mul3A_57 = arith.mulf %mul3A_56, %add3A_52 : vector<16xf32>
        %select_n3A = arith.select %gt3A_54, %add3A_52, %mul3A_57 : vector<16xi1>, vector<16xf32>
        %sub3A = arith.subf %select_n3A, %get3A_8 : vector<16xf32>
        %exp3A = math.exp %sub3A : vector<16xf32>
        %swap3A = arith.index_cast %add3A_43 : i32 to index
        %swap3A_58 = arith.constant 0 : index
        %swap3A_59 = tpu.vector_load %arg14[%swap3A, %swap3A_58] {strides = array<i32>} : memref<80x128xf32, #tpu.memory_space<vmem>>, vector<1x16xf32>,
        %swap3A_60 = vector.shape_cast %swap3A_59 : vector<1x16xf32> to vector<16xf32>
        %swap3A_61 = vector.shape_cast %exp3A : vector<16xf32> to vector<1x16xf32>
        tpu.vector_store %arg14[%swap3A, %swap3A_58], %swap3A_61 {strides = array<i32>} : memref<80x128xf32, #tpu.memory_space<vmem>>, vector<1x16xf32>,
      }
      %scan3A_38 = arith.constant 80 : i32
      "tpu.region"() ({
        %run_scoped3A = tpu.sem_alloc : memref<!tpu.dma_semaphore, #tpu.memory_space<semaphore_mem>>
        %dma_start3A = arith.constant 0 : i32
        %dma_start3A_39 = arith.constant 0 : i32
        %dma_start3A_40 = tpu.memref_slice %arg9[%dma_start3A, %dma_start3A_39] : memref<10000x128xf32, #tpu.memory_space<vmem_shared>> -> memref<10000x128xf32, #tpu.memory_space<vmem_shared>>
        tpu.enqueue_indirect_dma source(%arg14 : memref<80x128xf32, #tpu.memory_space<vmem>>) target(%dma_start3A_40 : memref<10000x128xf32, #tpu.memory_space<vmem_shared>>) offsets(%arg11 : memref<80xi32, #tpu.memory_space<vmem>>) semaphore(%run_scoped3A : memref<!tpu.dma_semaphore, #tpu.memory_space<semaphore_mem>>) {add = true}
        %dma_wait3A = arith.constant 0 : i32
        %dma_wait3A_41 = arith.constant 0 : i32
        %dma_wait3A_42 = tpu.memref_slice %arg9[%dma_wait3A, %dma_wait3A_41] : memref<10000x128xf32, #tpu.memory_space<vmem_shared>> -> memref<10000x128xf32, #tpu.memory_space<vmem_shared>>
        tpu.wait_indirect_dma semaphore(%run_scoped3A : memref<!tpu.dma_semaphore, #tpu.memory_space<semaphore_mem>>) src(%arg14 : memref<80x128xf32, #tpu.memory_space<vmem>>) dst(%dma_wait3A_42 : memref<10000x128xf32, #tpu.memory_space<vmem_shared>>)
        tpu.yield
      }) : () -> ()
    }
    %scan3A_14 = arith.constant 125 : i32
    %barrier3A_15 = arith.constant 0 : index
    tpu.barrier barrier_id(%barrier3A_15)
    %lt3A_16 = arith.constant 15 : i32
    %lt3A_17 = arith.cmpi slt, %arg1, %lt3A_16 : i32
    %convert_element_type3A_18 = arith.extui %lt3A_17 : i1 to i32
    %cond3A_19 = arith.constant 0 : i32
    %cond3A_20 = arith.cmpi ne, %convert_element_type3A_18, %cond3A_19 : i32
    scf.if %cond3A_20 {
      %mul3A_26 = arith.constant 624 : i32
      %mul3A_27 = arith.muli %arg1, %mul3A_26 : i32
      %multiple_of3A = tpu.assume_multiple %mul3A_27, 8 : i32
      "tpu.region"() ({
        %run_scoped3A = tpu.sem_alloc : memref<!tpu.dma_semaphore, #tpu.memory_space<semaphore_mem>>
        %dma_start3A = arith.constant 0 : i32
        %dma_start3A_28 = tpu.memref_slice %arg8[%arg0, %multiple_of3A, %dma_start3A] : memref<2x10000x128xf32, #tpu.memory_space<hbm>> -> memref<1x624x128xf32, #tpu.memory_space<hbm>>
        %dma_start3A_29 = tpu.memref_squeeze %dma_start3A_28 : memref<1x624x128xf32, #tpu.memory_space<hbm>> -> memref<624x128xf32, #tpu.memory_space<hbm>>
        %dma_start3A_30 = arith.constant 0 : i32
        %dma_start3A_31 = tpu.memref_slice %arg9[%multiple_of3A, %dma_start3A_30] : memref<10000x128xf32, #tpu.memory_space<vmem_shared>> -> memref<624x128xf32, #tpu.memory_space<vmem_shared>>
        tpu.enqueue_dma source(%dma_start3A_31 : memref<624x128xf32, #tpu.memory_space<vmem_shared>>) target(%dma_start3A_29 : memref<624x128xf32, #tpu.memory_space<hbm>>) target_semaphore(%run_scoped3A : memref<!tpu.dma_semaphore, #tpu.memory_space<semaphore_mem>>)
        %dma_wait3A = arith.constant 0 : i32
        %dma_wait3A_32 = tpu.memref_slice %arg8[%arg0, %multiple_of3A, %dma_wait3A] : memref<2x10000x128xf32, #tpu.memory_space<hbm>> -> memref<1x624x128xf32, #tpu.memory_space<hbm>>
        %dma_wait3A_33 = tpu.memref_squeeze %dma_wait3A_32 : memref<1x624x128xf32, #tpu.memory_space<hbm>> -> memref<624x128xf32, #tpu.memory_space<hbm>>
        %dma_wait3A_34 = arith.constant 0 : i32
        %dma_wait3A_35 = tpu.memref_slice %arg9[%multiple_of3A, %dma_wait3A_34] : memref<10000x128xf32, #tpu.memory_space<vmem_shared>> -> memref<624x128xf32, #tpu.memory_space<vmem_shared>>
        tpu.wait_dma2 semaphore(%run_scoped3A : memref<!tpu.dma_semaphore, #tpu.memory_space<semaphore_mem>>) src(%dma_wait3A_35 : memref<624x128xf32, #tpu.memory_space<vmem_shared>>) dst(%dma_wait3A_33 : memref<624x128xf32, #tpu.memory_space<hbm>>)
        tpu.yield
      }) : () -> ()
    } else {
    }
    %eq3A_21 = arith.constant 15 : i32
    %eq3A_22 = arith.cmpi eq, %arg1, %eq3A_21 : i32
    %convert_element_type3A_23 = arith.extui %eq3A_22 : i1 to i32
    %cond3A_24 = arith.constant 0 : i32
    %cond3A_25 = arith.cmpi ne, %convert_element_type3A_23, %cond3A_24 : i32
    scf.if %cond3A_25 {
      %multiple_of3A = arith.constant 9360 : i32
      %multiple_of3A_26 = tpu.assume_multiple %multiple_of3A, 8 : i32
      "tpu.region"() ({
        %run_scoped3A = tpu.sem_alloc : memref<!tpu.dma_semaphore, #tpu.memory_space<semaphore_mem>>
        %dma_start3A = arith.constant 0 : i32
        %dma_start3A_27 = tpu.memref_slice %arg8[%arg0, %multiple_of3A_26, %dma_start3A] : memref<2x10000x128xf32, #tpu.memory_space<hbm>> -> memref<1x640x128xf32, #tpu.memory_space<hbm>>
        %dma_start3A_28 = tpu.memref_squeeze %dma_start3A_27 : memref<1x640x128xf32, #tpu.memory_space<hbm>> -> memref<640x128xf32, #tpu.memory_space<hbm>>
        %dma_start3A_29 = arith.constant 0 : i32
        %dma_start3A_30 = tpu.memref_slice %arg9[%multiple_of3A_26, %dma_start3A_29] : memref<10000x128xf32, #tpu.memory_space<vmem_shared>> -> memref<640x128xf32, #tpu.memory_space<vmem_shared>>
        tpu.enqueue_dma source(%dma_start3A_30 : memref<640x128xf32, #tpu.memory_space<vmem_shared>>) target(%dma_start3A_28 : memref<640x128xf32, #tpu.memory_space<hbm>>) target_semaphore(%run_scoped3A : memref<!tpu.dma_semaphore, #tpu.memory_space<semaphore_mem>>)
        %dma_wait3A = arith.constant 0 : i32
        %dma_wait3A_31 = tpu.memref_slice %arg8[%arg0, %multiple_of3A_26, %dma_wait3A] : memref<2x10000x128xf32, #tpu.memory_space<hbm>> -> memref<1x640x128xf32, #tpu.memory_space<hbm>>
        %dma_wait3A_32 = tpu.memref_squeeze %dma_wait3A_31 : memref<1x640x128xf32, #tpu.memory_space<hbm>> -> memref<640x128xf32, #tpu.memory_space<hbm>>
        %dma_wait3A_33 = arith.constant 0 : i32
        %dma_wait3A_34 = tpu.memref_slice %arg9[%multiple_of3A_26, %dma_wait3A_33] : memref<10000x128xf32, #tpu.memory_space<vmem_shared>> -> memref<640x128xf32, #tpu.memory_space<vmem_shared>>
        tpu.wait_dma2 semaphore(%run_scoped3A : memref<!tpu.dma_semaphore, #tpu.memory_space<semaphore_mem>>) src(%dma_wait3A_34 : memref<640x128xf32, #tpu.memory_space<vmem_shared>>) dst(%dma_wait3A_32 : memref<640x128xf32, #tpu.memory_space<hbm>>)
        tpu.yield
      }) : () -> ()
    } else {
    }
    return
  }
}

#map = affine_map<(d0, d1) -> (0)>
#map1 = affine_map<(d0, d1) -> (0, 0)>
#map2 = affine_map<(d0, d1) -> (0, 0, 0)>
module attributes {stable_mosaic.version = 14 : i64} {
  func.func @_sc_msg_kernel(%arg0: i32, %arg1: i32, %arg2: memref<320000xi32, #tpu.memory_space<hbm>>, %arg3: memref<320000xi32, #tpu.memory_space<hbm>>, %arg4: memref<10000x128xf32, #tpu.memory_space<hbm>>, %arg5: memref<10000x128xf32, #tpu.memory_space<hbm>>, %arg6: memref<16xf32, #tpu.memory_space<hbm>>, %arg7: memref<10000x128xf32, #tpu.memory_space<hbm>>, %arg8: memref<10000x128xf32, #tpu.memory_space<hbm>>, %arg9: memref<2x10000x128xf32, #tpu.memory_space<hbm>>, %arg10: memref<10000x128xf32, #tpu.memory_space<vmem_shared>>, %arg11: memref<80xi32, #tpu.memory_space<vmem>>, %arg12: memref<80xi32, #tpu.memory_space<vmem>>, %arg13: memref<80x128xf32, #tpu.memory_space<vmem>>, %arg14: memref<80x128xf32, #tpu.memory_space<vmem>>, %arg15: memref<80x128xf32, #tpu.memory_space<vmem>>, %arg16: memref<16xf32, #tpu.memory_space<vmem>>) attributes {dimension_semantics = [#tpu.dimension_semantics<core_parallel>, #tpu.dimension_semantics<subcore_parallel>], iteration_bounds = array<i64: 2, 16>, scalar_prefetch = 0 : i64, scratch_operands = 7 : i64, tpu.core_type = #tpu.core_type<sc_vector_subcore>, window_params = [{transform_indices = #map}, {transform_indices = #map}, {transform_indices = #map1}, {transform_indices = #map1}, {transform_indices = #map}, {transform_indices = #map1}, {transform_indices = #map1}, {transform_indices = #map2}]} {
    %mul3A = arith.constant 16 : i32
    %mul3A_0 = arith.muli %arg0, %mul3A : i32
    %add3A = arith.addi %mul3A_0, %arg1 : i32
    %lt3A = arith.constant 15 : i32
    %lt3A_1 = arith.cmpi slt, %arg1, %lt3A : i32
    %convert_element_type3A = arith.extui %lt3A_1 : i1 to i32
    %cond3A = arith.constant 0 : i32
    %cond3A_2 = arith.cmpi ne, %convert_element_type3A, %cond3A : i32
    scf.if %cond3A_2 {
      %mul3A_26 = arith.constant 624 : i32
      %mul3A_27 = arith.muli %arg1, %mul3A_26 : i32
      %multiple_of3A = tpu.assume_multiple %mul3A_27, 8 : i32
      "tpu.region"() ({
        %run_scoped3A = tpu.sem_alloc : memref<!tpu.dma_semaphore, #tpu.memory_space<semaphore_mem>>
        %dma_start3A = arith.constant 0 : i32
        %dma_start3A_28 = tpu.memref_slice %arg10[%multiple_of3A, %dma_start3A] : memref<10000x128xf32, #tpu.memory_space<vmem_shared>> -> memref<624x128xf32, #tpu.memory_space<vmem_shared>>
        %dma_start3A_29 = arith.constant 0 : i32
        %dma_start3A_30 = tpu.memref_slice %arg8[%multiple_of3A, %dma_start3A_29] : memref<10000x128xf32, #tpu.memory_space<hbm>> -> memref<624x128xf32, #tpu.memory_space<hbm>>
        tpu.enqueue_dma source(%dma_start3A_30 : memref<624x128xf32, #tpu.memory_space<hbm>>) target(%dma_start3A_28 : memref<624x128xf32, #tpu.memory_space<vmem_shared>>) target_semaphore(%run_scoped3A : memref<!tpu.dma_semaphore, #tpu.memory_space<semaphore_mem>>)
        %dma_wait3A = arith.constant 0 : i32
        %dma_wait3A_31 = tpu.memref_slice %arg10[%multiple_of3A, %dma_wait3A] : memref<10000x128xf32, #tpu.memory_space<vmem_shared>> -> memref<624x128xf32, #tpu.memory_space<vmem_shared>>
        %dma_wait3A_32 = arith.constant 0 : i32
        %dma_wait3A_33 = tpu.memref_slice %arg8[%multiple_of3A, %dma_wait3A_32] : memref<10000x128xf32, #tpu.memory_space<hbm>> -> memref<624x128xf32, #tpu.memory_space<hbm>>
        tpu.wait_dma2 semaphore(%run_scoped3A : memref<!tpu.dma_semaphore, #tpu.memory_space<semaphore_mem>>) src(%dma_wait3A_33 : memref<624x128xf32, #tpu.memory_space<hbm>>) dst(%dma_wait3A_31 : memref<624x128xf32, #tpu.memory_space<vmem_shared>>)
        tpu.yield
      }) : () -> ()
    } else {
    }
    %eq3A = arith.constant 15 : i32
    %eq3A_3 = arith.cmpi eq, %arg1, %eq3A : i32
    %convert_element_type3A_4 = arith.extui %eq3A_3 : i1 to i32
    %cond3A_5 = arith.constant 0 : i32
    %cond3A_6 = arith.cmpi ne, %convert_element_type3A_4, %cond3A_5 : i32
    scf.if %cond3A_6 {
      %multiple_of3A = arith.constant 9360 : i32
      %multiple_of3A_26 = tpu.assume_multiple %multiple_of3A, 8 : i32
      "tpu.region"() ({
        %run_scoped3A = tpu.sem_alloc : memref<!tpu.dma_semaphore, #tpu.memory_space<semaphore_mem>>
        %dma_start3A = arith.constant 0 : i32
        %dma_start3A_27 = tpu.memref_slice %arg10[%multiple_of3A_26, %dma_start3A] : memref<10000x128xf32, #tpu.memory_space<vmem_shared>> -> memref<640x128xf32, #tpu.memory_space<vmem_shared>>
        %dma_start3A_28 = arith.constant 0 : i32
        %dma_start3A_29 = tpu.memref_slice %arg8[%multiple_of3A_26, %dma_start3A_28] : memref<10000x128xf32, #tpu.memory_space<hbm>> -> memref<640x128xf32, #tpu.memory_space<hbm>>
        tpu.enqueue_dma source(%dma_start3A_29 : memref<640x128xf32, #tpu.memory_space<hbm>>) target(%dma_start3A_27 : memref<640x128xf32, #tpu.memory_space<vmem_shared>>) target_semaphore(%run_scoped3A : memref<!tpu.dma_semaphore, #tpu.memory_space<semaphore_mem>>)
        %dma_wait3A = arith.constant 0 : i32
        %dma_wait3A_30 = tpu.memref_slice %arg10[%multiple_of3A_26, %dma_wait3A] : memref<10000x128xf32, #tpu.memory_space<vmem_shared>> -> memref<640x128xf32, #tpu.memory_space<vmem_shared>>
        %dma_wait3A_31 = arith.constant 0 : i32
        %dma_wait3A_32 = tpu.memref_slice %arg8[%multiple_of3A_26, %dma_wait3A_31] : memref<10000x128xf32, #tpu.memory_space<hbm>> -> memref<640x128xf32, #tpu.memory_space<hbm>>
        tpu.wait_dma2 semaphore(%run_scoped3A : memref<!tpu.dma_semaphore, #tpu.memory_space<semaphore_mem>>) src(%dma_wait3A_32 : memref<640x128xf32, #tpu.memory_space<hbm>>) dst(%dma_wait3A_30 : memref<640x128xf32, #tpu.memory_space<vmem_shared>>)
        tpu.yield
      }) : () -> ()
    } else {
    }
    "tpu.region"() ({
      %run_scoped3A = tpu.sem_alloc : memref<!tpu.dma_semaphore, #tpu.memory_space<semaphore_mem>>
      tpu.enqueue_dma source(%arg6 : memref<16xf32, #tpu.memory_space<hbm>>) target(%arg16 : memref<16xf32, #tpu.memory_space<vmem>>) target_semaphore(%run_scoped3A : memref<!tpu.dma_semaphore, #tpu.memory_space<semaphore_mem>>)
      tpu.wait_dma2 semaphore(%run_scoped3A : memref<!tpu.dma_semaphore, #tpu.memory_space<semaphore_mem>>) src(%arg6 : memref<16xf32, #tpu.memory_space<hbm>>) dst(%arg16 : memref<16xf32, #tpu.memory_space<vmem>>)
      tpu.yield
    }) : () -> ()
    %barrier3A = arith.constant 0 : index
    tpu.barrier barrier_id(%barrier3A)
    %get3A = arith.constant 0 : index
    %get3A_7 = tpu.vector_load %arg16[%get3A] {strides = array<i32>} : memref<16xf32, #tpu.memory_space<vmem>>, vector<16xf32>,
    %get3A_8 = vector.shape_cast %get3A_7 : vector<16xf32> to vector<16xf32>
    %mul3A_9 = arith.constant 10000 : i32
    %mul3A_10 = arith.muli %add3A, %mul3A_9 : i32
    %scan3A = arith.constant 0 : i32
    %scan3A_11 = arith.constant 125 : i32
    %scan3A_12 = arith.addi %scan3A, %scan3A_11 : i32
    %scan3A_13 = arith.constant 1 : i32
    scf.for %scan3A_26 = %scan3A to %scan3A_12 step %scan3A_13  : i32 {
      %mul3A_27 = arith.constant 1 : i32
      %mul3A_28 = arith.muli %scan3A_26, %mul3A_27 : i32
      %add3A_29 = arith.constant 0 : i32
      %add3A_30 = arith.addi %add3A_29, %mul3A_28 : i32
      %mul3A_31 = arith.constant 80 : i32
      %mul3A_32 = arith.muli %add3A_30, %mul3A_31 : i32
      %add3A_33 = arith.addi %mul3A_10, %mul3A_32 : i32
      %multiple_of3A = tpu.assume_multiple %add3A_33, 8 : i32
      "tpu.region"() ({
        %run_scoped3A = tpu.sem_alloc : memref<!tpu.dma_semaphore, #tpu.memory_space<semaphore_mem>>
        %dma_start3A = tpu.memref_slice %arg2[%multiple_of3A] : memref<320000xi32, #tpu.memory_space<hbm>> -> memref<80xi32, #tpu.memory_space<hbm>>
        %dma_start3A_39 = tpu.memref_slice %arg2[%multiple_of3A] : memref<320000xi32, #tpu.memory_space<hbm>> -> memref<80xi32, #tpu.memory_space<hbm>>
        tpu.enqueue_dma source(%dma_start3A_39 : memref<80xi32, #tpu.memory_space<hbm>>) target(%arg11 : memref<80xi32, #tpu.memory_space<vmem>>) target_semaphore(%run_scoped3A : memref<!tpu.dma_semaphore, #tpu.memory_space<semaphore_mem>>)
        %dma_wait3A = tpu.memref_slice %arg2[%multiple_of3A] : memref<320000xi32, #tpu.memory_space<hbm>> -> memref<80xi32, #tpu.memory_space<hbm>>
        %dma_wait3A_40 = tpu.memref_slice %arg2[%multiple_of3A] : memref<320000xi32, #tpu.memory_space<hbm>> -> memref<80xi32, #tpu.memory_space<hbm>>
        tpu.wait_dma2 semaphore(%run_scoped3A : memref<!tpu.dma_semaphore, #tpu.memory_space<semaphore_mem>>) src(%dma_wait3A_40 : memref<80xi32, #tpu.memory_space<hbm>>) dst(%arg11 : memref<80xi32, #tpu.memory_space<vmem>>)
        tpu.yield
      }) : () -> ()
      "tpu.region"() ({
        %run_scoped3A = tpu.sem_alloc : memref<!tpu.dma_semaphore, #tpu.memory_space<semaphore_mem>>
        %dma_start3A = tpu.memref_slice %arg3[%multiple_of3A] : memref<320000xi32, #tpu.memory_space<hbm>> -> memref<80xi32, #tpu.memory_space<hbm>>
        %dma_start3A_39 = tpu.memref_slice %arg3[%multiple_of3A] : memref<320000xi32, #tpu.memory_space<hbm>> -> memref<80xi32, #tpu.memory_space<hbm>>
        tpu.enqueue_dma source(%dma_start3A_39 : memref<80xi32, #tpu.memory_space<hbm>>) target(%arg12 : memref<80xi32, #tpu.memory_space<vmem>>) target_semaphore(%run_scoped3A : memref<!tpu.dma_semaphore, #tpu.memory_space<semaphore_mem>>)
        %dma_wait3A = tpu.memref_slice %arg3[%multiple_of3A] : memref<320000xi32, #tpu.memory_space<hbm>> -> memref<80xi32, #tpu.memory_space<hbm>>
        %dma_wait3A_40 = tpu.memref_slice %arg3[%multiple_of3A] : memref<320000xi32, #tpu.memory_space<hbm>> -> memref<80xi32, #tpu.memory_space<hbm>>
        tpu.wait_dma2 semaphore(%run_scoped3A : memref<!tpu.dma_semaphore, #tpu.memory_space<semaphore_mem>>) src(%dma_wait3A_40 : memref<80xi32, #tpu.memory_space<hbm>>) dst(%arg12 : memref<80xi32, #tpu.memory_space<vmem>>)
        tpu.yield
      }) : () -> ()
      "tpu.region"() ({
        %run_scoped3A = tpu.sem_alloc : memref<!tpu.dma_semaphore, #tpu.memory_space<semaphore_mem>>
        %dma_start3A = arith.constant 0 : i32
        %dma_start3A_39 = arith.constant 0 : i32
        %dma_start3A_40 = tpu.memref_slice %arg7[%dma_start3A, %dma_start3A_39] : memref<10000x128xf32, #tpu.memory_space<hbm>> -> memref<10000x128xf32, #tpu.memory_space<hbm>>
        tpu.enqueue_indirect_dma source(%dma_start3A_40 : memref<10000x128xf32, #tpu.memory_space<hbm>>) target(%arg15 : memref<80x128xf32, #tpu.memory_space<vmem>>) offsets(%arg11 : memref<80xi32, #tpu.memory_space<vmem>>) semaphore(%run_scoped3A : memref<!tpu.dma_semaphore, #tpu.memory_space<semaphore_mem>>)
        %dma_wait3A = arith.constant 0 : i32
        %dma_wait3A_41 = arith.constant 0 : i32
        %dma_wait3A_42 = tpu.memref_slice %arg7[%dma_wait3A, %dma_wait3A_41] : memref<10000x128xf32, #tpu.memory_space<hbm>> -> memref<10000x128xf32, #tpu.memory_space<hbm>>
        tpu.wait_indirect_dma semaphore(%run_scoped3A : memref<!tpu.dma_semaphore, #tpu.memory_space<semaphore_mem>>) src(%dma_wait3A_42 : memref<10000x128xf32, #tpu.memory_space<hbm>>) dst(%arg15 : memref<80x128xf32, #tpu.memory_space<vmem>>)
        tpu.yield
      }) : () -> ()
      "tpu.region"() ({
        %run_scoped3A = tpu.sem_alloc : memref<!tpu.dma_semaphore, #tpu.memory_space<semaphore_mem>>
        %dma_start3A = arith.constant 0 : i32
        %dma_start3A_39 = arith.constant 0 : i32
        %dma_start3A_40 = tpu.memref_slice %arg4[%dma_start3A, %dma_start3A_39] : memref<10000x128xf32, #tpu.memory_space<hbm>> -> memref<10000x128xf32, #tpu.memory_space<hbm>>
        tpu.enqueue_indirect_dma source(%dma_start3A_40 : memref<10000x128xf32, #tpu.memory_space<hbm>>) target(%arg13 : memref<80x128xf32, #tpu.memory_space<vmem>>) offsets(%arg11 : memref<80xi32, #tpu.memory_space<vmem>>) semaphore(%run_scoped3A : memref<!tpu.dma_semaphore, #tpu.memory_space<semaphore_mem>>)
        %dma_wait3A = arith.constant 0 : i32
        %dma_wait3A_41 = arith.constant 0 : i32
        %dma_wait3A_42 = tpu.memref_slice %arg4[%dma_wait3A, %dma_wait3A_41] : memref<10000x128xf32, #tpu.memory_space<hbm>> -> memref<10000x128xf32, #tpu.memory_space<hbm>>
        tpu.wait_indirect_dma semaphore(%run_scoped3A : memref<!tpu.dma_semaphore, #tpu.memory_space<semaphore_mem>>) src(%dma_wait3A_42 : memref<10000x128xf32, #tpu.memory_space<hbm>>) dst(%arg13 : memref<80x128xf32, #tpu.memory_space<vmem>>)
        tpu.yield
      }) : () -> ()
      "tpu.region"() ({
        %run_scoped3A = tpu.sem_alloc : memref<!tpu.dma_semaphore, #tpu.memory_space<semaphore_mem>>
        %dma_start3A = arith.constant 0 : i32
        %dma_start3A_39 = arith.constant 0 : i32
        %dma_start3A_40 = tpu.memref_slice %arg5[%dma_start3A, %dma_start3A_39] : memref<10000x128xf32, #tpu.memory_space<hbm>> -> memref<10000x128xf32, #tpu.memory_space<hbm>>
        tpu.enqueue_indirect_dma source(%dma_start3A_40 : memref<10000x128xf32, #tpu.memory_space<hbm>>) target(%arg14 : memref<80x128xf32, #tpu.memory_space<vmem>>) offsets(%arg12 : memref<80xi32, #tpu.memory_space<vmem>>) semaphore(%run_scoped3A : memref<!tpu.dma_semaphore, #tpu.memory_space<semaphore_mem>>)
        %dma_wait3A = arith.constant 0 : i32
        %dma_wait3A_41 = arith.constant 0 : i32
        %dma_wait3A_42 = tpu.memref_slice %arg5[%dma_wait3A, %dma_wait3A_41] : memref<10000x128xf32, #tpu.memory_space<hbm>> -> memref<10000x128xf32, #tpu.memory_space<hbm>>
        tpu.wait_indirect_dma semaphore(%run_scoped3A : memref<!tpu.dma_semaphore, #tpu.memory_space<semaphore_mem>>) src(%dma_wait3A_42 : memref<10000x128xf32, #tpu.memory_space<hbm>>) dst(%arg14 : memref<80x128xf32, #tpu.memory_space<vmem>>)
        tpu.yield
      }) : () -> ()
      %scan3A_34 = arith.constant 0 : i32
      %scan3A_35 = arith.constant 80 : i32
      %scan3A_36 = arith.addi %scan3A_34, %scan3A_35 : i32
      %scan3A_37 = arith.constant 1 : i32
      scf.for %scan3A_39 = %scan3A_34 to %scan3A_36 step %scan3A_37  : i32 {
        %mul3A_40 = arith.constant 1 : i32
        %mul3A_41 = arith.muli %scan3A_39, %mul3A_40 : i32
        %add3A_42 = arith.constant 0 : i32
        %add3A_43 = arith.addi %add3A_42, %mul3A_41 : i32
        %get3A_44 = arith.index_cast %add3A_43 : i32 to index
        %get3A_45 = arith.constant 0 : index
        %get3A_46 = tpu.vector_load %arg14[%get3A_44, %get3A_45] {strides = array<i32>} : memref<80x128xf32, #tpu.memory_space<vmem>>, vector<1x16xf32>,
        %get3A_47 = vector.shape_cast %get3A_46 : vector<1x16xf32> to vector<16xf32>
        %get3A_48 = arith.index_cast %add3A_43 : i32 to index
        %get3A_49 = arith.constant 0 : index
        %get3A_50 = tpu.vector_load %arg13[%get3A_48, %get3A_49] {strides = array<i32>} : memref<80x128xf32, #tpu.memory_space<vmem>>, vector<1x16xf32>,
        %get3A_51 = vector.shape_cast %get3A_50 : vector<1x16xf32> to vector<16xf32>
        %add3A_52 = arith.addf %get3A_51, %get3A_47 : vector<16xf32>
        %gt3A = arith.constant 0.000000e+00 : f32
        %gt3A_53 = vector.broadcast %gt3A : f32 to vector<16xf32>
        %gt3A_54 = arith.cmpf ogt, %add3A_52, %gt3A_53 : vector<16xf32>
        %mul3A_55 = arith.constant 2.000000e-01 : f32
        %mul3A_56 = vector.broadcast %mul3A_55 : f32 to vector<16xf32>
        %mul3A_57 = arith.mulf %mul3A_56, %add3A_52 : vector<16xf32>
        %select_n3A = arith.select %gt3A_54, %add3A_52, %mul3A_57 : vector<16xi1>, vector<16xf32>
        %sub3A = arith.subf %select_n3A, %get3A_8 : vector<16xf32>
        %exp3A = math.exp %sub3A : vector<16xf32>
        %get3A_58 = arith.index_cast %add3A_43 : i32 to index
        %get3A_59 = arith.constant 0 : index
        %get3A_60 = tpu.vector_load %arg15[%get3A_58, %get3A_59] {strides = array<i32>} : memref<80x128xf32, #tpu.memory_space<vmem>>, vector<1x16xf32>,
        %get3A_61 = vector.shape_cast %get3A_60 : vector<1x16xf32> to vector<16xf32>
        %slice3A = vector.extract_strided_slice %exp3A {offsets = [0], sizes = [1], strides = [1]} : vector<16xf32> to vector<1xf32>
        %squeeze3A = vector.extract %slice3A[0] : f32 from vector<1xf32>
        %slice3A_62 = vector.extract_strided_slice %get3A_47 {offsets = [8], sizes = [1], strides = [1]} : vector<16xf32> to vector<1xf32>
        %squeeze3A_63 = vector.extract %slice3A_62[0] : f32 from vector<1xf32>
        %mul3A_64 = arith.mulf %squeeze3A, %squeeze3A_63 : f32
        %mul3A_65 = vector.broadcast %mul3A_64 : f32 to vector<16xf32>
        %mul3A_66 = arith.mulf %get3A_61, %mul3A_65 : vector<16xf32>
        %swap3A = arith.index_cast %add3A_43 : i32 to index
        %swap3A_67 = arith.constant 0 : index
        %swap3A_68 = tpu.vector_load %arg15[%swap3A, %swap3A_67] {strides = array<i32>} : memref<80x128xf32, #tpu.memory_space<vmem>>, vector<1x16xf32>,
        %swap3A_69 = vector.shape_cast %swap3A_68 : vector<1x16xf32> to vector<16xf32>
        %swap3A_70 = vector.shape_cast %mul3A_66 : vector<16xf32> to vector<1x16xf32>
        tpu.vector_store %arg15[%swap3A, %swap3A_67], %swap3A_70 {strides = array<i32>} : memref<80x128xf32, #tpu.memory_space<vmem>>, vector<1x16xf32>,
        %get3A_71 = arith.index_cast %add3A_43 : i32 to index
        %get3A_72 = arith.constant 16 : index
        %get3A_73 = tpu.vector_load %arg15[%get3A_71, %get3A_72] {strides = array<i32>} : memref<80x128xf32, #tpu.memory_space<vmem>>, vector<1x16xf32>,
        %get3A_74 = vector.shape_cast %get3A_73 : vector<1x16xf32> to vector<16xf32>
        %slice3A_75 = vector.extract_strided_slice %exp3A {offsets = [1], sizes = [1], strides = [1]} : vector<16xf32> to vector<1xf32>
        %squeeze3A_76 = vector.extract %slice3A_75[0] : f32 from vector<1xf32>
        %slice3A_77 = vector.extract_strided_slice %get3A_47 {offsets = [9], sizes = [1], strides = [1]} : vector<16xf32> to vector<1xf32>
        %squeeze3A_78 = vector.extract %slice3A_77[0] : f32 from vector<1xf32>
        %mul3A_79 = arith.mulf %squeeze3A_76, %squeeze3A_78 : f32
        %mul3A_80 = vector.broadcast %mul3A_79 : f32 to vector<16xf32>
        %mul3A_81 = arith.mulf %get3A_74, %mul3A_80 : vector<16xf32>
        %swap3A_82 = arith.index_cast %add3A_43 : i32 to index
        %swap3A_83 = arith.constant 16 : index
        %swap3A_84 = tpu.vector_load %arg15[%swap3A_82, %swap3A_83] {strides = array<i32>} : memref<80x128xf32, #tpu.memory_space<vmem>>, vector<1x16xf32>,
        %swap3A_85 = vector.shape_cast %swap3A_84 : vector<1x16xf32> to vector<16xf32>
        %swap3A_86 = vector.shape_cast %mul3A_81 : vector<16xf32> to vector<1x16xf32>
        tpu.vector_store %arg15[%swap3A_82, %swap3A_83], %swap3A_86 {strides = array<i32>} : memref<80x128xf32, #tpu.memory_space<vmem>>, vector<1x16xf32>,
        %get3A_87 = arith.index_cast %add3A_43 : i32 to index
        %get3A_88 = arith.constant 32 : index
        %get3A_89 = tpu.vector_load %arg15[%get3A_87, %get3A_88] {strides = array<i32>} : memref<80x128xf32, #tpu.memory_space<vmem>>, vector<1x16xf32>,
        %get3A_90 = vector.shape_cast %get3A_89 : vector<1x16xf32> to vector<16xf32>
        %slice3A_91 = vector.extract_strided_slice %exp3A {offsets = [2], sizes = [1], strides = [1]} : vector<16xf32> to vector<1xf32>
        %squeeze3A_92 = vector.extract %slice3A_91[0] : f32 from vector<1xf32>
        %slice3A_93 = vector.extract_strided_slice %get3A_47 {offsets = [10], sizes = [1], strides = [1]} : vector<16xf32> to vector<1xf32>
        %squeeze3A_94 = vector.extract %slice3A_93[0] : f32 from vector<1xf32>
        %mul3A_95 = arith.mulf %squeeze3A_92, %squeeze3A_94 : f32
        %mul3A_96 = vector.broadcast %mul3A_95 : f32 to vector<16xf32>
        %mul3A_97 = arith.mulf %get3A_90, %mul3A_96 : vector<16xf32>
        %swap3A_98 = arith.index_cast %add3A_43 : i32 to index
        %swap3A_99 = arith.constant 32 : index
        %swap3A_100 = tpu.vector_load %arg15[%swap3A_98, %swap3A_99] {strides = array<i32>} : memref<80x128xf32, #tpu.memory_space<vmem>>, vector<1x16xf32>,
        %swap3A_101 = vector.shape_cast %swap3A_100 : vector<1x16xf32> to vector<16xf32>
        %swap3A_102 = vector.shape_cast %mul3A_97 : vector<16xf32> to vector<1x16xf32>
        tpu.vector_store %arg15[%swap3A_98, %swap3A_99], %swap3A_102 {strides = array<i32>} : memref<80x128xf32, #tpu.memory_space<vmem>>, vector<1x16xf32>,
        %get3A_103 = arith.index_cast %add3A_43 : i32 to index
        %get3A_104 = arith.constant 48 : index
        %get3A_105 = tpu.vector_load %arg15[%get3A_103, %get3A_104] {strides = array<i32>} : memref<80x128xf32, #tpu.memory_space<vmem>>, vector<1x16xf32>,
        %get3A_106 = vector.shape_cast %get3A_105 : vector<1x16xf32> to vector<16xf32>
        %slice3A_107 = vector.extract_strided_slice %exp3A {offsets = [3], sizes = [1], strides = [1]} : vector<16xf32> to vector<1xf32>
        %squeeze3A_108 = vector.extract %slice3A_107[0] : f32 from vector<1xf32>
        %slice3A_109 = vector.extract_strided_slice %get3A_47 {offsets = [11], sizes = [1], strides = [1]} : vector<16xf32> to vector<1xf32>
        %squeeze3A_110 = vector.extract %slice3A_109[0] : f32 from vector<1xf32>
        %mul3A_111 = arith.mulf %squeeze3A_108, %squeeze3A_110 : f32
        %mul3A_112 = vector.broadcast %mul3A_111 : f32 to vector<16xf32>
        %mul3A_113 = arith.mulf %get3A_106, %mul3A_112 : vector<16xf32>
        %swap3A_114 = arith.index_cast %add3A_43 : i32 to index
        %swap3A_115 = arith.constant 48 : index
        %swap3A_116 = tpu.vector_load %arg15[%swap3A_114, %swap3A_115] {strides = array<i32>} : memref<80x128xf32, #tpu.memory_space<vmem>>, vector<1x16xf32>,
        %swap3A_117 = vector.shape_cast %swap3A_116 : vector<1x16xf32> to vector<16xf32>
        %swap3A_118 = vector.shape_cast %mul3A_113 : vector<16xf32> to vector<1x16xf32>
        tpu.vector_store %arg15[%swap3A_114, %swap3A_115], %swap3A_118 {strides = array<i32>} : memref<80x128xf32, #tpu.memory_space<vmem>>, vector<1x16xf32>,
        %get3A_119 = arith.index_cast %add3A_43 : i32 to index
        %get3A_120 = arith.constant 64 : index
        %get3A_121 = tpu.vector_load %arg15[%get3A_119, %get3A_120] {strides = array<i32>} : memref<80x128xf32, #tpu.memory_space<vmem>>, vector<1x16xf32>,
        %get3A_122 = vector.shape_cast %get3A_121 : vector<1x16xf32> to vector<16xf32>
        %slice3A_123 = vector.extract_strided_slice %exp3A {offsets = [4], sizes = [1], strides = [1]} : vector<16xf32> to vector<1xf32>
        %squeeze3A_124 = vector.extract %slice3A_123[0] : f32 from vector<1xf32>
        %slice3A_125 = vector.extract_strided_slice %get3A_47 {offsets = [12], sizes = [1], strides = [1]} : vector<16xf32> to vector<1xf32>
        %squeeze3A_126 = vector.extract %slice3A_125[0] : f32 from vector<1xf32>
        %mul3A_127 = arith.mulf %squeeze3A_124, %squeeze3A_126 : f32
        %mul3A_128 = vector.broadcast %mul3A_127 : f32 to vector<16xf32>
        %mul3A_129 = arith.mulf %get3A_122, %mul3A_128 : vector<16xf32>
        %swap3A_130 = arith.index_cast %add3A_43 : i32 to index
        %swap3A_131 = arith.constant 64 : index
        %swap3A_132 = tpu.vector_load %arg15[%swap3A_130, %swap3A_131] {strides = array<i32>} : memref<80x128xf32, #tpu.memory_space<vmem>>, vector<1x16xf32>,
        %swap3A_133 = vector.shape_cast %swap3A_132 : vector<1x16xf32> to vector<16xf32>
        %swap3A_134 = vector.shape_cast %mul3A_129 : vector<16xf32> to vector<1x16xf32>
        tpu.vector_store %arg15[%swap3A_130, %swap3A_131], %swap3A_134 {strides = array<i32>} : memref<80x128xf32, #tpu.memory_space<vmem>>, vector<1x16xf32>,
        %get3A_135 = arith.index_cast %add3A_43 : i32 to index
        %get3A_136 = arith.constant 80 : index
        %get3A_137 = tpu.vector_load %arg15[%get3A_135, %get3A_136] {strides = array<i32>} : memref<80x128xf32, #tpu.memory_space<vmem>>, vector<1x16xf32>,
        %get3A_138 = vector.shape_cast %get3A_137 : vector<1x16xf32> to vector<16xf32>
        %slice3A_139 = vector.extract_strided_slice %exp3A {offsets = [5], sizes = [1], strides = [1]} : vector<16xf32> to vector<1xf32>
        %squeeze3A_140 = vector.extract %slice3A_139[0] : f32 from vector<1xf32>
        %slice3A_141 = vector.extract_strided_slice %get3A_47 {offsets = [13], sizes = [1], strides = [1]} : vector<16xf32> to vector<1xf32>
        %squeeze3A_142 = vector.extract %slice3A_141[0] : f32 from vector<1xf32>
        %mul3A_143 = arith.mulf %squeeze3A_140, %squeeze3A_142 : f32
        %mul3A_144 = vector.broadcast %mul3A_143 : f32 to vector<16xf32>
        %mul3A_145 = arith.mulf %get3A_138, %mul3A_144 : vector<16xf32>
        %swap3A_146 = arith.index_cast %add3A_43 : i32 to index
        %swap3A_147 = arith.constant 80 : index
        %swap3A_148 = tpu.vector_load %arg15[%swap3A_146, %swap3A_147] {strides = array<i32>} : memref<80x128xf32, #tpu.memory_space<vmem>>, vector<1x16xf32>,
        %swap3A_149 = vector.shape_cast %swap3A_148 : vector<1x16xf32> to vector<16xf32>
        %swap3A_150 = vector.shape_cast %mul3A_145 : vector<16xf32> to vector<1x16xf32>
        tpu.vector_store %arg15[%swap3A_146, %swap3A_147], %swap3A_150 {strides = array<i32>} : memref<80x128xf32, #tpu.memory_space<vmem>>, vector<1x16xf32>,
        %get3A_151 = arith.index_cast %add3A_43 : i32 to index
        %get3A_152 = arith.constant 96 : index
        %get3A_153 = tpu.vector_load %arg15[%get3A_151, %get3A_152] {strides = array<i32>} : memref<80x128xf32, #tpu.memory_space<vmem>>, vector<1x16xf32>,
        %get3A_154 = vector.shape_cast %get3A_153 : vector<1x16xf32> to vector<16xf32>
        %slice3A_155 = vector.extract_strided_slice %exp3A {offsets = [6], sizes = [1], strides = [1]} : vector<16xf32> to vector<1xf32>
        %squeeze3A_156 = vector.extract %slice3A_155[0] : f32 from vector<1xf32>
        %slice3A_157 = vector.extract_strided_slice %get3A_47 {offsets = [14], sizes = [1], strides = [1]} : vector<16xf32> to vector<1xf32>
        %squeeze3A_158 = vector.extract %slice3A_157[0] : f32 from vector<1xf32>
        %mul3A_159 = arith.mulf %squeeze3A_156, %squeeze3A_158 : f32
        %mul3A_160 = vector.broadcast %mul3A_159 : f32 to vector<16xf32>
        %mul3A_161 = arith.mulf %get3A_154, %mul3A_160 : vector<16xf32>
        %swap3A_162 = arith.index_cast %add3A_43 : i32 to index
        %swap3A_163 = arith.constant 96 : index
        %swap3A_164 = tpu.vector_load %arg15[%swap3A_162, %swap3A_163] {strides = array<i32>} : memref<80x128xf32, #tpu.memory_space<vmem>>, vector<1x16xf32>,
        %swap3A_165 = vector.shape_cast %swap3A_164 : vector<1x16xf32> to vector<16xf32>
        %swap3A_166 = vector.shape_cast %mul3A_161 : vector<16xf32> to vector<1x16xf32>
        tpu.vector_store %arg15[%swap3A_162, %swap3A_163], %swap3A_166 {strides = array<i32>} : memref<80x128xf32, #tpu.memory_space<vmem>>, vector<1x16xf32>,
        %get3A_167 = arith.index_cast %add3A_43 : i32 to index
        %get3A_168 = arith.constant 112 : index
        %get3A_169 = tpu.vector_load %arg15[%get3A_167, %get3A_168] {strides = array<i32>} : memref<80x128xf32, #tpu.memory_space<vmem>>, vector<1x16xf32>,
        %get3A_170 = vector.shape_cast %get3A_169 : vector<1x16xf32> to vector<16xf32>
        %slice3A_171 = vector.extract_strided_slice %exp3A {offsets = [7], sizes = [1], strides = [1]} : vector<16xf32> to vector<1xf32>
        %squeeze3A_172 = vector.extract %slice3A_171[0] : f32 from vector<1xf32>
        %slice3A_173 = vector.extract_strided_slice %get3A_47 {offsets = [15], sizes = [1], strides = [1]} : vector<16xf32> to vector<1xf32>
        %squeeze3A_174 = vector.extract %slice3A_173[0] : f32 from vector<1xf32>
        %mul3A_175 = arith.mulf %squeeze3A_172, %squeeze3A_174 : f32
        %mul3A_176 = vector.broadcast %mul3A_175 : f32 to vector<16xf32>
        %mul3A_177 = arith.mulf %get3A_170, %mul3A_176 : vector<16xf32>
        %swap3A_178 = arith.index_cast %add3A_43 : i32 to index
        %swap3A_179 = arith.constant 112 : index
        %swap3A_180 = tpu.vector_load %arg15[%swap3A_178, %swap3A_179] {strides = array<i32>} : memref<80x128xf32, #tpu.memory_space<vmem>>, vector<1x16xf32>,
        %swap3A_181 = vector.shape_cast %swap3A_180 : vector<1x16xf32> to vector<16xf32>
        %swap3A_182 = vector.shape_cast %mul3A_177 : vector<16xf32> to vector<1x16xf32>
        tpu.vector_store %arg15[%swap3A_178, %swap3A_179], %swap3A_182 {strides = array<i32>} : memref<80x128xf32, #tpu.memory_space<vmem>>, vector<1x16xf32>,
      }
      %scan3A_38 = arith.constant 80 : i32
      "tpu.region"() ({
        %run_scoped3A = tpu.sem_alloc : memref<!tpu.dma_semaphore, #tpu.memory_space<semaphore_mem>>
        %dma_start3A = arith.constant 0 : i32
        %dma_start3A_39 = arith.constant 0 : i32
        %dma_start3A_40 = tpu.memref_slice %arg10[%dma_start3A, %dma_start3A_39] : memref<10000x128xf32, #tpu.memory_space<vmem_shared>> -> memref<10000x128xf32, #tpu.memory_space<vmem_shared>>
        tpu.enqueue_indirect_dma source(%arg15 : memref<80x128xf32, #tpu.memory_space<vmem>>) target(%dma_start3A_40 : memref<10000x128xf32, #tpu.memory_space<vmem_shared>>) offsets(%arg12 : memref<80xi32, #tpu.memory_space<vmem>>) semaphore(%run_scoped3A : memref<!tpu.dma_semaphore, #tpu.memory_space<semaphore_mem>>) {add = true}
        %dma_wait3A = arith.constant 0 : i32
        %dma_wait3A_41 = arith.constant 0 : i32
        %dma_wait3A_42 = tpu.memref_slice %arg10[%dma_wait3A, %dma_wait3A_41] : memref<10000x128xf32, #tpu.memory_space<vmem_shared>> -> memref<10000x128xf32, #tpu.memory_space<vmem_shared>>
        tpu.wait_indirect_dma semaphore(%run_scoped3A : memref<!tpu.dma_semaphore, #tpu.memory_space<semaphore_mem>>) src(%arg15 : memref<80x128xf32, #tpu.memory_space<vmem>>) dst(%dma_wait3A_42 : memref<10000x128xf32, #tpu.memory_space<vmem_shared>>)
        tpu.yield
      }) : () -> ()
    }
    %scan3A_14 = arith.constant 125 : i32
    %barrier3A_15 = arith.constant 0 : index
    tpu.barrier barrier_id(%barrier3A_15)
    %lt3A_16 = arith.constant 15 : i32
    %lt3A_17 = arith.cmpi slt, %arg1, %lt3A_16 : i32
    %convert_element_type3A_18 = arith.extui %lt3A_17 : i1 to i32
    %cond3A_19 = arith.constant 0 : i32
    %cond3A_20 = arith.cmpi ne, %convert_element_type3A_18, %cond3A_19 : i32
    scf.if %cond3A_20 {
      %mul3A_26 = arith.constant 624 : i32
      %mul3A_27 = arith.muli %arg1, %mul3A_26 : i32
      %multiple_of3A = tpu.assume_multiple %mul3A_27, 8 : i32
      "tpu.region"() ({
        %run_scoped3A = tpu.sem_alloc : memref<!tpu.dma_semaphore, #tpu.memory_space<semaphore_mem>>
        %dma_start3A = arith.constant 0 : i32
        %dma_start3A_28 = tpu.memref_slice %arg9[%arg0, %multiple_of3A, %dma_start3A] : memref<2x10000x128xf32, #tpu.memory_space<hbm>> -> memref<1x624x128xf32, #tpu.memory_space<hbm>>
        %dma_start3A_29 = tpu.memref_squeeze %dma_start3A_28 : memref<1x624x128xf32, #tpu.memory_space<hbm>> -> memref<624x128xf32, #tpu.memory_space<hbm>>
        %dma_start3A_30 = arith.constant 0 : i32
        %dma_start3A_31 = tpu.memref_slice %arg10[%multiple_of3A, %dma_start3A_30] : memref<10000x128xf32, #tpu.memory_space<vmem_shared>> -> memref<624x128xf32, #tpu.memory_space<vmem_shared>>
        tpu.enqueue_dma source(%dma_start3A_31 : memref<624x128xf32, #tpu.memory_space<vmem_shared>>) target(%dma_start3A_29 : memref<624x128xf32, #tpu.memory_space<hbm>>) target_semaphore(%run_scoped3A : memref<!tpu.dma_semaphore, #tpu.memory_space<semaphore_mem>>)
        %dma_wait3A = arith.constant 0 : i32
        %dma_wait3A_32 = tpu.memref_slice %arg9[%arg0, %multiple_of3A, %dma_wait3A] : memref<2x10000x128xf32, #tpu.memory_space<hbm>> -> memref<1x624x128xf32, #tpu.memory_space<hbm>>
        %dma_wait3A_33 = tpu.memref_squeeze %dma_wait3A_32 : memref<1x624x128xf32, #tpu.memory_space<hbm>> -> memref<624x128xf32, #tpu.memory_space<hbm>>
        %dma_wait3A_34 = arith.constant 0 : i32
        %dma_wait3A_35 = tpu.memref_slice %arg10[%multiple_of3A, %dma_wait3A_34] : memref<10000x128xf32, #tpu.memory_space<vmem_shared>> -> memref<624x128xf32, #tpu.memory_space<vmem_shared>>
        tpu.wait_dma2 semaphore(%run_scoped3A : memref<!tpu.dma_semaphore, #tpu.memory_space<semaphore_mem>>) src(%dma_wait3A_35 : memref<624x128xf32, #tpu.memory_space<vmem_shared>>) dst(%dma_wait3A_33 : memref<624x128xf32, #tpu.memory_space<hbm>>)
        tpu.yield
      }) : () -> ()
    } else {
    }
    %eq3A_21 = arith.constant 15 : i32
    %eq3A_22 = arith.cmpi eq, %arg1, %eq3A_21 : i32
    %convert_element_type3A_23 = arith.extui %eq3A_22 : i1 to i32
    %cond3A_24 = arith.constant 0 : i32
    %cond3A_25 = arith.cmpi ne, %convert_element_type3A_23, %cond3A_24 : i32
    scf.if %cond3A_25 {
      %multiple_of3A = arith.constant 9360 : i32
      %multiple_of3A_26 = tpu.assume_multiple %multiple_of3A, 8 : i32
      "tpu.region"() ({
        %run_scoped3A = tpu.sem_alloc : memref<!tpu.dma_semaphore, #tpu.memory_space<semaphore_mem>>
        %dma_start3A = arith.constant 0 : i32
        %dma_start3A_27 = tpu.memref_slice %arg9[%arg0, %multiple_of3A_26, %dma_start3A] : memref<2x10000x128xf32, #tpu.memory_space<hbm>> -> memref<1x640x128xf32, #tpu.memory_space<hbm>>
        %dma_start3A_28 = tpu.memref_squeeze %dma_start3A_27 : memref<1x640x128xf32, #tpu.memory_space<hbm>> -> memref<640x128xf32, #tpu.memory_space<hbm>>
        %dma_start3A_29 = arith.constant 0 : i32
        %dma_start3A_30 = tpu.memref_slice %arg10[%multiple_of3A_26, %dma_start3A_29] : memref<10000x128xf32, #tpu.memory_space<vmem_shared>> -> memref<640x128xf32, #tpu.memory_space<vmem_shared>>
        tpu.enqueue_dma source(%dma_start3A_30 : memref<640x128xf32, #tpu.memory_space<vmem_shared>>) target(%dma_start3A_28 : memref<640x128xf32, #tpu.memory_space<hbm>>) target_semaphore(%run_scoped3A : memref<!tpu.dma_semaphore, #tpu.memory_space<semaphore_mem>>)
        %dma_wait3A = arith.constant 0 : i32
        %dma_wait3A_31 = tpu.memref_slice %arg9[%arg0, %multiple_of3A_26, %dma_wait3A] : memref<2x10000x128xf32, #tpu.memory_space<hbm>> -> memref<1x640x128xf32, #tpu.memory_space<hbm>>
        %dma_wait3A_32 = tpu.memref_squeeze %dma_wait3A_31 : memref<1x640x128xf32, #tpu.memory_space<hbm>> -> memref<640x128xf32, #tpu.memory_space<hbm>>
        %dma_wait3A_33 = arith.constant 0 : i32
        %dma_wait3A_34 = tpu.memref_slice %arg10[%multiple_of3A_26, %dma_wait3A_33] : memref<10000x128xf32, #tpu.memory_space<vmem_shared>> -> memref<640x128xf32, #tpu.memory_space<vmem_shared>>
        tpu.wait_dma2 semaphore(%run_scoped3A : memref<!tpu.dma_semaphore, #tpu.memory_space<semaphore_mem>>) src(%dma_wait3A_34 : memref<640x128xf32, #tpu.memory_space<vmem_shared>>) dst(%dma_wait3A_32 : memref<640x128xf32, #tpu.memory_space<hbm>>)
        tpu.yield
      }) : () -> ()
    } else {
    }
    return
  }
}

#map = affine_map<(d0, d1) -> (0)>
#map1 = affine_map<(d0, d1) -> (0, 0)>
#map2 = affine_map<(d0, d1) -> (0, 0, 0)>
module attributes {stable_mosaic.version = 14 : i64} {
  func.func @_sc_denom_kernel(%arg0: i32, %arg1: i32, %arg2: memref<320000xi32, #tpu.memory_space<hbm>>, %arg3: memref<320000xi32, #tpu.memory_space<hbm>>, %arg4: memref<10000x128xf32, #tpu.memory_space<hbm>>, %arg5: memref<10000x128xf32, #tpu.memory_space<hbm>>, %arg6: memref<16xf32, #tpu.memory_space<hbm>>, %arg7: memref<10000x128xf32, #tpu.memory_space<hbm>>, %arg8: memref<2x10000x128xf32, #tpu.memory_space<hbm>>, %arg9: memref<10000x128xf32, #tpu.memory_space<vmem_shared>>, %arg10: memref<80xi32, #tpu.memory_space<vmem>>, %arg11: memref<80xi32, #tpu.memory_space<vmem>>, %arg12: memref<80x128xf32, #tpu.memory_space<vmem>>, %arg13: memref<80x128xf32, #tpu.memory_space<vmem>>, %arg14: memref<80x128xf32, #tpu.memory_space<vmem>>, %arg15: memref<16xf32, #tpu.memory_space<vmem>>) attributes {dimension_semantics = [#tpu.dimension_semantics<core_parallel>, #tpu.dimension_semantics<subcore_parallel>], iteration_bounds = array<i64: 2, 16>, scalar_prefetch = 0 : i64, scratch_operands = 7 : i64, tpu.core_type = #tpu.core_type<sc_vector_subcore>, window_params = [{transform_indices = #map}, {transform_indices = #map}, {transform_indices = #map1}, {transform_indices = #map1}, {transform_indices = #map}, {transform_indices = #map1}, {transform_indices = #map2}]} {
    %mul3A = arith.constant 16 : i32
    %mul3A_0 = arith.muli %arg0, %mul3A : i32
    %add3A = arith.addi %mul3A_0, %arg1 : i32
    %lt3A = arith.constant 15 : i32
    %lt3A_1 = arith.cmpi slt, %arg1, %lt3A : i32
    %convert_element_type3A = arith.extui %lt3A_1 : i1 to i32
    %cond3A = arith.constant 0 : i32
    %cond3A_2 = arith.cmpi ne, %convert_element_type3A, %cond3A : i32
    scf.if %cond3A_2 {
      %mul3A_26 = arith.constant 624 : i32
      %mul3A_27 = arith.muli %arg1, %mul3A_26 : i32
      %multiple_of3A = tpu.assume_multiple %mul3A_27, 8 : i32
      "tpu.region"() ({
        %run_scoped3A = tpu.sem_alloc : memref<!tpu.dma_semaphore, #tpu.memory_space<semaphore_mem>>
        %dma_start3A = arith.constant 0 : i32
        %dma_start3A_28 = tpu.memref_slice %arg9[%multiple_of3A, %dma_start3A] : memref<10000x128xf32, #tpu.memory_space<vmem_shared>> -> memref<624x128xf32, #tpu.memory_space<vmem_shared>>
        %dma_start3A_29 = arith.constant 0 : i32
        %dma_start3A_30 = tpu.memref_slice %arg7[%multiple_of3A, %dma_start3A_29] : memref<10000x128xf32, #tpu.memory_space<hbm>> -> memref<624x128xf32, #tpu.memory_space<hbm>>
        tpu.enqueue_dma source(%dma_start3A_30 : memref<624x128xf32, #tpu.memory_space<hbm>>) target(%dma_start3A_28 : memref<624x128xf32, #tpu.memory_space<vmem_shared>>) target_semaphore(%run_scoped3A : memref<!tpu.dma_semaphore, #tpu.memory_space<semaphore_mem>>)
        %dma_wait3A = arith.constant 0 : i32
        %dma_wait3A_31 = tpu.memref_slice %arg9[%multiple_of3A, %dma_wait3A] : memref<10000x128xf32, #tpu.memory_space<vmem_shared>> -> memref<624x128xf32, #tpu.memory_space<vmem_shared>>
        %dma_wait3A_32 = arith.constant 0 : i32
        %dma_wait3A_33 = tpu.memref_slice %arg7[%multiple_of3A, %dma_wait3A_32] : memref<10000x128xf32, #tpu.memory_space<hbm>> -> memref<624x128xf32, #tpu.memory_space<hbm>>
        tpu.wait_dma2 semaphore(%run_scoped3A : memref<!tpu.dma_semaphore, #tpu.memory_space<semaphore_mem>>) src(%dma_wait3A_33 : memref<624x128xf32, #tpu.memory_space<hbm>>) dst(%dma_wait3A_31 : memref<624x128xf32, #tpu.memory_space<vmem_shared>>)
        tpu.yield
      }) : () -> ()
    } else {
    }
    %eq3A = arith.constant 15 : i32
    %eq3A_3 = arith.cmpi eq, %arg1, %eq3A : i32
    %convert_element_type3A_4 = arith.extui %eq3A_3 : i1 to i32
    %cond3A_5 = arith.constant 0 : i32
    %cond3A_6 = arith.cmpi ne, %convert_element_type3A_4, %cond3A_5 : i32
    scf.if %cond3A_6 {
      %multiple_of3A = arith.constant 9360 : i32
      %multiple_of3A_26 = tpu.assume_multiple %multiple_of3A, 8 : i32
      "tpu.region"() ({
        %run_scoped3A = tpu.sem_alloc : memref<!tpu.dma_semaphore, #tpu.memory_space<semaphore_mem>>
        %dma_start3A = arith.constant 0 : i32
        %dma_start3A_27 = tpu.memref_slice %arg9[%multiple_of3A_26, %dma_start3A] : memref<10000x128xf32, #tpu.memory_space<vmem_shared>> -> memref<640x128xf32, #tpu.memory_space<vmem_shared>>
        %dma_start3A_28 = arith.constant 0 : i32
        %dma_start3A_29 = tpu.memref_slice %arg7[%multiple_of3A_26, %dma_start3A_28] : memref<10000x128xf32, #tpu.memory_space<hbm>> -> memref<640x128xf32, #tpu.memory_space<hbm>>
        tpu.enqueue_dma source(%dma_start3A_29 : memref<640x128xf32, #tpu.memory_space<hbm>>) target(%dma_start3A_27 : memref<640x128xf32, #tpu.memory_space<vmem_shared>>) target_semaphore(%run_scoped3A : memref<!tpu.dma_semaphore, #tpu.memory_space<semaphore_mem>>)
        %dma_wait3A = arith.constant 0 : i32
        %dma_wait3A_30 = tpu.memref_slice %arg9[%multiple_of3A_26, %dma_wait3A] : memref<10000x128xf32, #tpu.memory_space<vmem_shared>> -> memref<640x128xf32, #tpu.memory_space<vmem_shared>>
        %dma_wait3A_31 = arith.constant 0 : i32
        %dma_wait3A_32 = tpu.memref_slice %arg7[%multiple_of3A_26, %dma_wait3A_31] : memref<10000x128xf32, #tpu.memory_space<hbm>> -> memref<640x128xf32, #tpu.memory_space<hbm>>
        tpu.wait_dma2 semaphore(%run_scoped3A : memref<!tpu.dma_semaphore, #tpu.memory_space<semaphore_mem>>) src(%dma_wait3A_32 : memref<640x128xf32, #tpu.memory_space<hbm>>) dst(%dma_wait3A_30 : memref<640x128xf32, #tpu.memory_space<vmem_shared>>)
        tpu.yield
      }) : () -> ()
    } else {
    }
    "tpu.region"() ({
      %run_scoped3A = tpu.sem_alloc : memref<!tpu.dma_semaphore, #tpu.memory_space<semaphore_mem>>
      %dma_start3A = arith.constant 0 : i32
      %dma_start3A_26 = arith.constant 0 : i32
      %dma_start3A_27 = tpu.memref_slice %arg7[%dma_start3A, %dma_start3A_26] : memref<10000x128xf32, #tpu.memory_space<hbm>> -> memref<80x128xf32, #tpu.memory_space<hbm>>
      %dma_start3A_28 = arith.constant 0 : i32
      %dma_start3A_29 = arith.constant 0 : i32
      %dma_start3A_30 = tpu.memref_slice %arg7[%dma_start3A_28, %dma_start3A_29] : memref<10000x128xf32, #tpu.memory_space<hbm>> -> memref<80x128xf32, #tpu.memory_space<hbm>>
      tpu.enqueue_dma source(%dma_start3A_30 : memref<80x128xf32, #tpu.memory_space<hbm>>) target(%arg14 : memref<80x128xf32, #tpu.memory_space<vmem>>) target_semaphore(%run_scoped3A : memref<!tpu.dma_semaphore, #tpu.memory_space<semaphore_mem>>)
      %dma_wait3A = arith.constant 0 : i32
      %dma_wait3A_31 = arith.constant 0 : i32
      %dma_wait3A_32 = tpu.memref_slice %arg7[%dma_wait3A, %dma_wait3A_31] : memref<10000x128xf32, #tpu.memory_space<hbm>> -> memref<80x128xf32, #tpu.memory_space<hbm>>
      %dma_wait3A_33 = arith.constant 0 : i32
      %dma_wait3A_34 = arith.constant 0 : i32
      %dma_wait3A_35 = tpu.memref_slice %arg7[%dma_wait3A_33, %dma_wait3A_34] : memref<10000x128xf32, #tpu.memory_space<hbm>> -> memref<80x128xf32, #tpu.memory_space<hbm>>
      tpu.wait_dma2 semaphore(%run_scoped3A : memref<!tpu.dma_semaphore, #tpu.memory_space<semaphore_mem>>) src(%dma_wait3A_35 : memref<80x128xf32, #tpu.memory_space<hbm>>) dst(%arg14 : memref<80x128xf32, #tpu.memory_space<vmem>>)
      tpu.yield
    }) : () -> ()
    "tpu.region"() ({
      %run_scoped3A = tpu.sem_alloc : memref<!tpu.dma_semaphore, #tpu.memory_space<semaphore_mem>>
      tpu.enqueue_dma source(%arg6 : memref<16xf32, #tpu.memory_space<hbm>>) target(%arg15 : memref<16xf32, #tpu.memory_space<vmem>>) target_semaphore(%run_scoped3A : memref<!tpu.dma_semaphore, #tpu.memory_space<semaphore_mem>>)
      tpu.wait_dma2 semaphore(%run_scoped3A : memref<!tpu.dma_semaphore, #tpu.memory_space<semaphore_mem>>) src(%arg6 : memref<16xf32, #tpu.memory_space<hbm>>) dst(%arg15 : memref<16xf32, #tpu.memory_space<vmem>>)
      tpu.yield
    }) : () -> ()
    %barrier3A = arith.constant 0 : index
    tpu.barrier barrier_id(%barrier3A)
    %get3A = arith.constant 0 : index
    %get3A_7 = tpu.vector_load %arg15[%get3A] {strides = array<i32>} : memref<16xf32, #tpu.memory_space<vmem>>, vector<16xf32>,
    %get3A_8 = vector.shape_cast %get3A_7 : vector<16xf32> to vector<16xf32>
    %mul3A_9 = arith.constant 10000 : i32
    %mul3A_10 = arith.muli %add3A, %mul3A_9 : i32
    %scan3A = arith.constant 0 : i32
    %scan3A_11 = arith.constant 125 : i32
    %scan3A_12 = arith.addi %scan3A, %scan3A_11 : i32
    %scan3A_13 = arith.constant 1 : i32
    scf.for %scan3A_26 = %scan3A to %scan3A_12 step %scan3A_13  : i32 {
      %mul3A_27 = arith.constant 1 : i32
      %mul3A_28 = arith.muli %scan3A_26, %mul3A_27 : i32
      %add3A_29 = arith.constant 0 : i32
      %add3A_30 = arith.addi %add3A_29, %mul3A_28 : i32
      %mul3A_31 = arith.constant 80 : i32
      %mul3A_32 = arith.muli %add3A_30, %mul3A_31 : i32
      %add3A_33 = arith.addi %mul3A_10, %mul3A_32 : i32
      %multiple_of3A = tpu.assume_multiple %add3A_33, 8 : i32
      "tpu.region"() ({
        %run_scoped3A = tpu.sem_alloc : memref<!tpu.dma_semaphore, #tpu.memory_space<semaphore_mem>>
        %dma_start3A = tpu.memref_slice %arg2[%multiple_of3A] : memref<320000xi32, #tpu.memory_space<hbm>> -> memref<80xi32, #tpu.memory_space<hbm>>
        %dma_start3A_39 = tpu.memref_slice %arg2[%multiple_of3A] : memref<320000xi32, #tpu.memory_space<hbm>> -> memref<80xi32, #tpu.memory_space<hbm>>
        tpu.enqueue_dma source(%dma_start3A_39 : memref<80xi32, #tpu.memory_space<hbm>>) target(%arg10 : memref<80xi32, #tpu.memory_space<vmem>>) target_semaphore(%run_scoped3A : memref<!tpu.dma_semaphore, #tpu.memory_space<semaphore_mem>>)
        %dma_wait3A = tpu.memref_slice %arg2[%multiple_of3A] : memref<320000xi32, #tpu.memory_space<hbm>> -> memref<80xi32, #tpu.memory_space<hbm>>
        %dma_wait3A_40 = tpu.memref_slice %arg2[%multiple_of3A] : memref<320000xi32, #tpu.memory_space<hbm>> -> memref<80xi32, #tpu.memory_space<hbm>>
        tpu.wait_dma2 semaphore(%run_scoped3A : memref<!tpu.dma_semaphore, #tpu.memory_space<semaphore_mem>>) src(%dma_wait3A_40 : memref<80xi32, #tpu.memory_space<hbm>>) dst(%arg10 : memref<80xi32, #tpu.memory_space<vmem>>)
        tpu.yield
      }) : () -> ()
      "tpu.region"() ({
        %run_scoped3A = tpu.sem_alloc : memref<!tpu.dma_semaphore, #tpu.memory_space<semaphore_mem>>
        %dma_start3A = tpu.memref_slice %arg3[%multiple_of3A] : memref<320000xi32, #tpu.memory_space<hbm>> -> memref<80xi32, #tpu.memory_space<hbm>>
        %dma_start3A_39 = tpu.memref_slice %arg3[%multiple_of3A] : memref<320000xi32, #tpu.memory_space<hbm>> -> memref<80xi32, #tpu.memory_space<hbm>>
        tpu.enqueue_dma source(%dma_start3A_39 : memref<80xi32, #tpu.memory_space<hbm>>) target(%arg11 : memref<80xi32, #tpu.memory_space<vmem>>) target_semaphore(%run_scoped3A : memref<!tpu.dma_semaphore, #tpu.memory_space<semaphore_mem>>)
        %dma_wait3A = tpu.memref_slice %arg3[%multiple_of3A] : memref<320000xi32, #tpu.memory_space<hbm>> -> memref<80xi32, #tpu.memory_space<hbm>>
        %dma_wait3A_40 = tpu.memref_slice %arg3[%multiple_of3A] : memref<320000xi32, #tpu.memory_space<hbm>> -> memref<80xi32, #tpu.memory_space<hbm>>
        tpu.wait_dma2 semaphore(%run_scoped3A : memref<!tpu.dma_semaphore, #tpu.memory_space<semaphore_mem>>) src(%dma_wait3A_40 : memref<80xi32, #tpu.memory_space<hbm>>) dst(%arg11 : memref<80xi32, #tpu.memory_space<vmem>>)
        tpu.yield
      }) : () -> ()
      "tpu.region"() ({
        %run_scoped3A = tpu.sem_alloc : memref<!tpu.dma_semaphore, #tpu.memory_space<semaphore_mem>>
        %dma_start3A = arith.constant 0 : i32
        %dma_start3A_39 = arith.constant 0 : i32
        %dma_start3A_40 = tpu.memref_slice %arg4[%dma_start3A, %dma_start3A_39] : memref<10000x128xf32, #tpu.memory_space<hbm>> -> memref<10000x128xf32, #tpu.memory_space<hbm>>
        tpu.enqueue_indirect_dma source(%dma_start3A_40 : memref<10000x128xf32, #tpu.memory_space<hbm>>) target(%arg12 : memref<80x128xf32, #tpu.memory_space<vmem>>) offsets(%arg10 : memref<80xi32, #tpu.memory_space<vmem>>) semaphore(%run_scoped3A : memref<!tpu.dma_semaphore, #tpu.memory_space<semaphore_mem>>)
        %dma_wait3A = arith.constant 0 : i32
        %dma_wait3A_41 = arith.constant 0 : i32
        %dma_wait3A_42 = tpu.memref_slice %arg4[%dma_wait3A, %dma_wait3A_41] : memref<10000x128xf32, #tpu.memory_space<hbm>> -> memref<10000x128xf32, #tpu.memory_space<hbm>>
        tpu.wait_indirect_dma semaphore(%run_scoped3A : memref<!tpu.dma_semaphore, #tpu.memory_space<semaphore_mem>>) src(%dma_wait3A_42 : memref<10000x128xf32, #tpu.memory_space<hbm>>) dst(%arg12 : memref<80x128xf32, #tpu.memory_space<vmem>>)
        tpu.yield
      }) : () -> ()
      "tpu.region"() ({
        %run_scoped3A = tpu.sem_alloc : memref<!tpu.dma_semaphore, #tpu.memory_space<semaphore_mem>>
        %dma_start3A = arith.constant 0 : i32
        %dma_start3A_39 = arith.constant 0 : i32
        %dma_start3A_40 = tpu.memref_slice %arg5[%dma_start3A, %dma_start3A_39] : memref<10000x128xf32, #tpu.memory_space<hbm>> -> memref<10000x128xf32, #tpu.memory_space<hbm>>
        tpu.enqueue_indirect_dma source(%dma_start3A_40 : memref<10000x128xf32, #tpu.memory_space<hbm>>) target(%arg13 : memref<80x128xf32, #tpu.memory_space<vmem>>) offsets(%arg11 : memref<80xi32, #tpu.memory_space<vmem>>) semaphore(%run_scoped3A : memref<!tpu.dma_semaphore, #tpu.memory_space<semaphore_mem>>)
        %dma_wait3A = arith.constant 0 : i32
        %dma_wait3A_41 = arith.constant 0 : i32
        %dma_wait3A_42 = tpu.memref_slice %arg5[%dma_wait3A, %dma_wait3A_41] : memref<10000x128xf32, #tpu.memory_space<hbm>> -> memref<10000x128xf32, #tpu.memory_space<hbm>>
        tpu.wait_indirect_dma semaphore(%run_scoped3A : memref<!tpu.dma_semaphore, #tpu.memory_space<semaphore_mem>>) src(%dma_wait3A_42 : memref<10000x128xf32, #tpu.memory_space<hbm>>) dst(%arg13 : memref<80x128xf32, #tpu.memory_space<vmem>>)
        tpu.yield
      }) : () -> ()
      %scan3A_34 = arith.constant 0 : i32
      %scan3A_35 = arith.constant 80 : i32
      %scan3A_36 = arith.addi %scan3A_34, %scan3A_35 : i32
      %scan3A_37 = arith.constant 1 : i32
      scf.for %scan3A_39 = %scan3A_34 to %scan3A_36 step %scan3A_37  : i32 {
        %mul3A_40 = arith.constant 1 : i32
        %mul3A_41 = arith.muli %scan3A_39, %mul3A_40 : i32
        %add3A_42 = arith.constant 0 : i32
        %add3A_43 = arith.addi %add3A_42, %mul3A_41 : i32
        %get3A_44 = arith.index_cast %add3A_43 : i32 to index
        %get3A_45 = arith.constant 0 : index
        %get3A_46 = tpu.vector_load %arg12[%get3A_44, %get3A_45] {strides = array<i32>} : memref<80x128xf32, #tpu.memory_space<vmem>>, vector<1x16xf32>,
        %get3A_47 = vector.shape_cast %get3A_46 : vector<1x16xf32> to vector<16xf32>
        %get3A_48 = arith.index_cast %add3A_43 : i32 to index
        %get3A_49 = arith.constant 0 : index
        %get3A_50 = tpu.vector_load %arg13[%get3A_48, %get3A_49] {strides = array<i32>} : memref<80x128xf32, #tpu.memory_space<vmem>>, vector<1x16xf32>,
        %get3A_51 = vector.shape_cast %get3A_50 : vector<1x16xf32> to vector<16xf32>
        %add3A_52 = arith.addf %get3A_47, %get3A_51 : vector<16xf32>
        %gt3A = arith.constant 0.000000e+00 : f32
        %gt3A_53 = vector.broadcast %gt3A : f32 to vector<16xf32>
        %gt3A_54 = arith.cmpf ogt, %add3A_52, %gt3A_53 : vector<16xf32>
        %mul3A_55 = arith.constant 2.000000e-01 : f32
        %mul3A_56 = vector.broadcast %mul3A_55 : f32 to vector<16xf32>
        %mul3A_57 = arith.mulf %mul3A_56, %add3A_52 : vector<16xf32>
        %select_n3A = arith.select %gt3A_54, %add3A_52, %mul3A_57 : vector<16xi1>, vector<16xf32>
        %sub3A = arith.subf %select_n3A, %get3A_8 : vector<16xf32>
        %exp3A = math.exp %sub3A : vector<16xf32>
        %swap3A = arith.index_cast %add3A_43 : i32 to index
        %swap3A_58 = arith.constant 0 : index
        %swap3A_59 = tpu.vector_load %arg14[%swap3A, %swap3A_58] {strides = array<i32>} : memref<80x128xf32, #tpu.memory_space<vmem>>, vector<1x16xf32>,
        %swap3A_60 = vector.shape_cast %swap3A_59 : vector<1x16xf32> to vector<16xf32>
        %swap3A_61 = vector.shape_cast %exp3A : vector<16xf32> to vector<1x16xf32>
        tpu.vector_store %arg14[%swap3A, %swap3A_58], %swap3A_61 {strides = array<i32>} : memref<80x128xf32, #tpu.memory_space<vmem>>, vector<1x16xf32>,
      }
      %scan3A_38 = arith.constant 80 : i32
      "tpu.region"() ({
        %run_scoped3A = tpu.sem_alloc : memref<!tpu.dma_semaphore, #tpu.memory_space<semaphore_mem>>
        %dma_start3A = arith.constant 0 : i32
        %dma_start3A_39 = arith.constant 0 : i32
        %dma_start3A_40 = tpu.memref_slice %arg9[%dma_start3A, %dma_start3A_39] : memref<10000x128xf32, #tpu.memory_space<vmem_shared>> -> memref<10000x128xf32, #tpu.memory_space<vmem_shared>>
        tpu.enqueue_indirect_dma source(%arg14 : memref<80x128xf32, #tpu.memory_space<vmem>>) target(%dma_start3A_40 : memref<10000x128xf32, #tpu.memory_space<vmem_shared>>) offsets(%arg11 : memref<80xi32, #tpu.memory_space<vmem>>) semaphore(%run_scoped3A : memref<!tpu.dma_semaphore, #tpu.memory_space<semaphore_mem>>) {add = true}
        %dma_wait3A = arith.constant 0 : i32
        %dma_wait3A_41 = arith.constant 0 : i32
        %dma_wait3A_42 = tpu.memref_slice %arg9[%dma_wait3A, %dma_wait3A_41] : memref<10000x128xf32, #tpu.memory_space<vmem_shared>> -> memref<10000x128xf32, #tpu.memory_space<vmem_shared>>
        tpu.wait_indirect_dma semaphore(%run_scoped3A : memref<!tpu.dma_semaphore, #tpu.memory_space<semaphore_mem>>) src(%arg14 : memref<80x128xf32, #tpu.memory_space<vmem>>) dst(%dma_wait3A_42 : memref<10000x128xf32, #tpu.memory_space<vmem_shared>>)
        tpu.yield
      }) : () -> ()
    }
    %scan3A_14 = arith.constant 125 : i32
    %barrier3A_15 = arith.constant 0 : index
    tpu.barrier barrier_id(%barrier3A_15)
    %lt3A_16 = arith.constant 15 : i32
    %lt3A_17 = arith.cmpi slt, %arg1, %lt3A_16 : i32
    %convert_element_type3A_18 = arith.extui %lt3A_17 : i1 to i32
    %cond3A_19 = arith.constant 0 : i32
    %cond3A_20 = arith.cmpi ne, %convert_element_type3A_18, %cond3A_19 : i32
    scf.if %cond3A_20 {
      %mul3A_26 = arith.constant 624 : i32
      %mul3A_27 = arith.muli %arg1, %mul3A_26 : i32
      %multiple_of3A = tpu.assume_multiple %mul3A_27, 8 : i32
      "tpu.region"() ({
        %run_scoped3A = tpu.sem_alloc : memref<!tpu.dma_semaphore, #tpu.memory_space<semaphore_mem>>
        %dma_start3A = arith.constant 0 : i32
        %dma_start3A_28 = tpu.memref_slice %arg8[%arg0, %multiple_of3A, %dma_start3A] : memref<2x10000x128xf32, #tpu.memory_space<hbm>> -> memref<1x624x128xf32, #tpu.memory_space<hbm>>
        %dma_start3A_29 = tpu.memref_squeeze %dma_start3A_28 : memref<1x624x128xf32, #tpu.memory_space<hbm>> -> memref<624x128xf32, #tpu.memory_space<hbm>>
        %dma_start3A_30 = arith.constant 0 : i32
        %dma_start3A_31 = tpu.memref_slice %arg9[%multiple_of3A, %dma_start3A_30] : memref<10000x128xf32, #tpu.memory_space<vmem_shared>> -> memref<624x128xf32, #tpu.memory_space<vmem_shared>>
        tpu.enqueue_dma source(%dma_start3A_31 : memref<624x128xf32, #tpu.memory_space<vmem_shared>>) target(%dma_start3A_29 : memref<624x128xf32, #tpu.memory_space<hbm>>) target_semaphore(%run_scoped3A : memref<!tpu.dma_semaphore, #tpu.memory_space<semaphore_mem>>)
        %dma_wait3A = arith.constant 0 : i32
        %dma_wait3A_32 = tpu.memref_slice %arg8[%arg0, %multiple_of3A, %dma_wait3A] : memref<2x10000x128xf32, #tpu.memory_space<hbm>> -> memref<1x624x128xf32, #tpu.memory_space<hbm>>
        %dma_wait3A_33 = tpu.memref_squeeze %dma_wait3A_32 : memref<1x624x128xf32, #tpu.memory_space<hbm>> -> memref<624x128xf32, #tpu.memory_space<hbm>>
        %dma_wait3A_34 = arith.constant 0 : i32
        %dma_wait3A_35 = tpu.memref_slice %arg9[%multiple_of3A, %dma_wait3A_34] : memref<10000x128xf32, #tpu.memory_space<vmem_shared>> -> memref<624x128xf32, #tpu.memory_space<vmem_shared>>
        tpu.wait_dma2 semaphore(%run_scoped3A : memref<!tpu.dma_semaphore, #tpu.memory_space<semaphore_mem>>) src(%dma_wait3A_35 : memref<624x128xf32, #tpu.memory_space<vmem_shared>>) dst(%dma_wait3A_33 : memref<624x128xf32, #tpu.memory_space<hbm>>)
        tpu.yield
      }) : () -> ()
    } else {
    }
    %eq3A_21 = arith.constant 15 : i32
    %eq3A_22 = arith.cmpi eq, %arg1, %eq3A_21 : i32
    %convert_element_type3A_23 = arith.extui %eq3A_22 : i1 to i32
    %cond3A_24 = arith.constant 0 : i32
    %cond3A_25 = arith.cmpi ne, %convert_element_type3A_23, %cond3A_24 : i32
    scf.if %cond3A_25 {
      %multiple_of3A = arith.constant 9360 : i32
      %multiple_of3A_26 = tpu.assume_multiple %multiple_of3A, 8 : i32
      "tpu.region"() ({
        %run_scoped3A = tpu.sem_alloc : memref<!tpu.dma_semaphore, #tpu.memory_space<semaphore_mem>>
        %dma_start3A = arith.constant 0 : i32
        %dma_start3A_27 = tpu.memref_slice %arg8[%arg0, %multiple_of3A_26, %dma_start3A] : memref<2x10000x128xf32, #tpu.memory_space<hbm>> -> memref<1x640x128xf32, #tpu.memory_space<hbm>>
        %dma_start3A_28 = tpu.memref_squeeze %dma_start3A_27 : memref<1x640x128xf32, #tpu.memory_space<hbm>> -> memref<640x128xf32, #tpu.memory_space<hbm>>
        %dma_start3A_29 = arith.constant 0 : i32
        %dma_start3A_30 = tpu.memref_slice %arg9[%multiple_of3A_26, %dma_start3A_29] : memref<10000x128xf32, #tpu.memory_space<vmem_shared>> -> memref<640x128xf32, #tpu.memory_space<vmem_shared>>
        tpu.enqueue_dma source(%dma_start3A_30 : memref<640x128xf32, #tpu.memory_space<vmem_shared>>) target(%dma_start3A_28 : memref<640x128xf32, #tpu.memory_space<hbm>>) target_semaphore(%run_scoped3A : memref<!tpu.dma_semaphore, #tpu.memory_space<semaphore_mem>>)
        %dma_wait3A = arith.constant 0 : i32
        %dma_wait3A_31 = tpu.memref_slice %arg8[%arg0, %multiple_of3A_26, %dma_wait3A] : memref<2x10000x128xf32, #tpu.memory_space<hbm>> -> memref<1x640x128xf32, #tpu.memory_space<hbm>>
        %dma_wait3A_32 = tpu.memref_squeeze %dma_wait3A_31 : memref<1x640x128xf32, #tpu.memory_space<hbm>> -> memref<640x128xf32, #tpu.memory_space<hbm>>
        %dma_wait3A_33 = arith.constant 0 : i32
        %dma_wait3A_34 = tpu.memref_slice %arg9[%multiple_of3A_26, %dma_wait3A_33] : memref<10000x128xf32, #tpu.memory_space<vmem_shared>> -> memref<640x128xf32, #tpu.memory_space<vmem_shared>>
        tpu.wait_dma2 semaphore(%run_scoped3A : memref<!tpu.dma_semaphore, #tpu.memory_space<semaphore_mem>>) src(%dma_wait3A_34 : memref<640x128xf32, #tpu.memory_space<vmem_shared>>) dst(%dma_wait3A_32 : memref<640x128xf32, #tpu.memory_space<hbm>>)
        tpu.yield
      }) : () -> ()
    } else {
    }
    return
  }
}

#map = affine_map<(d0, d1) -> (0)>
#map1 = affine_map<(d0, d1) -> (0, 0)>
#map2 = affine_map<(d0, d1) -> (0, 0, 0)>
module attributes {stable_mosaic.version = 14 : i64} {
  func.func @_sc_msg_kernel(%arg0: i32, %arg1: i32, %arg2: memref<320000xi32, #tpu.memory_space<hbm>>, %arg3: memref<320000xi32, #tpu.memory_space<hbm>>, %arg4: memref<10000x128xf32, #tpu.memory_space<hbm>>, %arg5: memref<10000x128xf32, #tpu.memory_space<hbm>>, %arg6: memref<16xf32, #tpu.memory_space<hbm>>, %arg7: memref<10000x128xf32, #tpu.memory_space<hbm>>, %arg8: memref<10000x128xf32, #tpu.memory_space<hbm>>, %arg9: memref<2x10000x128xf32, #tpu.memory_space<hbm>>, %arg10: memref<10000x128xf32, #tpu.memory_space<vmem_shared>>, %arg11: memref<80xi32, #tpu.memory_space<vmem>>, %arg12: memref<80xi32, #tpu.memory_space<vmem>>, %arg13: memref<80x128xf32, #tpu.memory_space<vmem>>, %arg14: memref<80x128xf32, #tpu.memory_space<vmem>>, %arg15: memref<80x128xf32, #tpu.memory_space<vmem>>, %arg16: memref<16xf32, #tpu.memory_space<vmem>>) attributes {dimension_semantics = [#tpu.dimension_semantics<core_parallel>, #tpu.dimension_semantics<subcore_parallel>], iteration_bounds = array<i64: 2, 16>, scalar_prefetch = 0 : i64, scratch_operands = 7 : i64, tpu.core_type = #tpu.core_type<sc_vector_subcore>, window_params = [{transform_indices = #map}, {transform_indices = #map}, {transform_indices = #map1}, {transform_indices = #map1}, {transform_indices = #map}, {transform_indices = #map1}, {transform_indices = #map1}, {transform_indices = #map2}]} {
    %mul3A = arith.constant 16 : i32
    %mul3A_0 = arith.muli %arg0, %mul3A : i32
    %add3A = arith.addi %mul3A_0, %arg1 : i32
    %lt3A = arith.constant 15 : i32
    %lt3A_1 = arith.cmpi slt, %arg1, %lt3A : i32
    %convert_element_type3A = arith.extui %lt3A_1 : i1 to i32
    %cond3A = arith.constant 0 : i32
    %cond3A_2 = arith.cmpi ne, %convert_element_type3A, %cond3A : i32
    scf.if %cond3A_2 {
      %mul3A_26 = arith.constant 624 : i32
      %mul3A_27 = arith.muli %arg1, %mul3A_26 : i32
      %multiple_of3A = tpu.assume_multiple %mul3A_27, 8 : i32
      "tpu.region"() ({
        %run_scoped3A = tpu.sem_alloc : memref<!tpu.dma_semaphore, #tpu.memory_space<semaphore_mem>>
        %dma_start3A = arith.constant 0 : i32
        %dma_start3A_28 = tpu.memref_slice %arg10[%multiple_of3A, %dma_start3A] : memref<10000x128xf32, #tpu.memory_space<vmem_shared>> -> memref<624x128xf32, #tpu.memory_space<vmem_shared>>
        %dma_start3A_29 = arith.constant 0 : i32
        %dma_start3A_30 = tpu.memref_slice %arg8[%multiple_of3A, %dma_start3A_29] : memref<10000x128xf32, #tpu.memory_space<hbm>> -> memref<624x128xf32, #tpu.memory_space<hbm>>
        tpu.enqueue_dma source(%dma_start3A_30 : memref<624x128xf32, #tpu.memory_space<hbm>>) target(%dma_start3A_28 : memref<624x128xf32, #tpu.memory_space<vmem_shared>>) target_semaphore(%run_scoped3A : memref<!tpu.dma_semaphore, #tpu.memory_space<semaphore_mem>>)
        %dma_wait3A = arith.constant 0 : i32
        %dma_wait3A_31 = tpu.memref_slice %arg10[%multiple_of3A, %dma_wait3A] : memref<10000x128xf32, #tpu.memory_space<vmem_shared>> -> memref<624x128xf32, #tpu.memory_space<vmem_shared>>
        %dma_wait3A_32 = arith.constant 0 : i32
        %dma_wait3A_33 = tpu.memref_slice %arg8[%multiple_of3A, %dma_wait3A_32] : memref<10000x128xf32, #tpu.memory_space<hbm>> -> memref<624x128xf32, #tpu.memory_space<hbm>>
        tpu.wait_dma2 semaphore(%run_scoped3A : memref<!tpu.dma_semaphore, #tpu.memory_space<semaphore_mem>>) src(%dma_wait3A_33 : memref<624x128xf32, #tpu.memory_space<hbm>>) dst(%dma_wait3A_31 : memref<624x128xf32, #tpu.memory_space<vmem_shared>>)
        tpu.yield
      }) : () -> ()
    } else {
    }
    %eq3A = arith.constant 15 : i32
    %eq3A_3 = arith.cmpi eq, %arg1, %eq3A : i32
    %convert_element_type3A_4 = arith.extui %eq3A_3 : i1 to i32
    %cond3A_5 = arith.constant 0 : i32
    %cond3A_6 = arith.cmpi ne, %convert_element_type3A_4, %cond3A_5 : i32
    scf.if %cond3A_6 {
      %multiple_of3A = arith.constant 9360 : i32
      %multiple_of3A_26 = tpu.assume_multiple %multiple_of3A, 8 : i32
      "tpu.region"() ({
        %run_scoped3A = tpu.sem_alloc : memref<!tpu.dma_semaphore, #tpu.memory_space<semaphore_mem>>
        %dma_start3A = arith.constant 0 : i32
        %dma_start3A_27 = tpu.memref_slice %arg10[%multiple_of3A_26, %dma_start3A] : memref<10000x128xf32, #tpu.memory_space<vmem_shared>> -> memref<640x128xf32, #tpu.memory_space<vmem_shared>>
        %dma_start3A_28 = arith.constant 0 : i32
        %dma_start3A_29 = tpu.memref_slice %arg8[%multiple_of3A_26, %dma_start3A_28] : memref<10000x128xf32, #tpu.memory_space<hbm>> -> memref<640x128xf32, #tpu.memory_space<hbm>>
        tpu.enqueue_dma source(%dma_start3A_29 : memref<640x128xf32, #tpu.memory_space<hbm>>) target(%dma_start3A_27 : memref<640x128xf32, #tpu.memory_space<vmem_shared>>) target_semaphore(%run_scoped3A : memref<!tpu.dma_semaphore, #tpu.memory_space<semaphore_mem>>)
        %dma_wait3A = arith.constant 0 : i32
        %dma_wait3A_30 = tpu.memref_slice %arg10[%multiple_of3A_26, %dma_wait3A] : memref<10000x128xf32, #tpu.memory_space<vmem_shared>> -> memref<640x128xf32, #tpu.memory_space<vmem_shared>>
        %dma_wait3A_31 = arith.constant 0 : i32
        %dma_wait3A_32 = tpu.memref_slice %arg8[%multiple_of3A_26, %dma_wait3A_31] : memref<10000x128xf32, #tpu.memory_space<hbm>> -> memref<640x128xf32, #tpu.memory_space<hbm>>
        tpu.wait_dma2 semaphore(%run_scoped3A : memref<!tpu.dma_semaphore, #tpu.memory_space<semaphore_mem>>) src(%dma_wait3A_32 : memref<640x128xf32, #tpu.memory_space<hbm>>) dst(%dma_wait3A_30 : memref<640x128xf32, #tpu.memory_space<vmem_shared>>)
        tpu.yield
      }) : () -> ()
    } else {
    }
    "tpu.region"() ({
      %run_scoped3A = tpu.sem_alloc : memref<!tpu.dma_semaphore, #tpu.memory_space<semaphore_mem>>
      tpu.enqueue_dma source(%arg6 : memref<16xf32, #tpu.memory_space<hbm>>) target(%arg16 : memref<16xf32, #tpu.memory_space<vmem>>) target_semaphore(%run_scoped3A : memref<!tpu.dma_semaphore, #tpu.memory_space<semaphore_mem>>)
      tpu.wait_dma2 semaphore(%run_scoped3A : memref<!tpu.dma_semaphore, #tpu.memory_space<semaphore_mem>>) src(%arg6 : memref<16xf32, #tpu.memory_space<hbm>>) dst(%arg16 : memref<16xf32, #tpu.memory_space<vmem>>)
      tpu.yield
    }) : () -> ()
    %barrier3A = arith.constant 0 : index
    tpu.barrier barrier_id(%barrier3A)
    %get3A = arith.constant 0 : index
    %get3A_7 = tpu.vector_load %arg16[%get3A] {strides = array<i32>} : memref<16xf32, #tpu.memory_space<vmem>>, vector<16xf32>,
    %get3A_8 = vector.shape_cast %get3A_7 : vector<16xf32> to vector<16xf32>
    %mul3A_9 = arith.constant 10000 : i32
    %mul3A_10 = arith.muli %add3A, %mul3A_9 : i32
    %scan3A = arith.constant 0 : i32
    %scan3A_11 = arith.constant 125 : i32
    %scan3A_12 = arith.addi %scan3A, %scan3A_11 : i32
    %scan3A_13 = arith.constant 1 : i32
    scf.for %scan3A_26 = %scan3A to %scan3A_12 step %scan3A_13  : i32 {
      %mul3A_27 = arith.constant 1 : i32
      %mul3A_28 = arith.muli %scan3A_26, %mul3A_27 : i32
      %add3A_29 = arith.constant 0 : i32
      %add3A_30 = arith.addi %add3A_29, %mul3A_28 : i32
      %mul3A_31 = arith.constant 80 : i32
      %mul3A_32 = arith.muli %add3A_30, %mul3A_31 : i32
      %add3A_33 = arith.addi %mul3A_10, %mul3A_32 : i32
      %multiple_of3A = tpu.assume_multiple %add3A_33, 8 : i32
      "tpu.region"() ({
        %run_scoped3A = tpu.sem_alloc : memref<!tpu.dma_semaphore, #tpu.memory_space<semaphore_mem>>
        %dma_start3A = tpu.memref_slice %arg2[%multiple_of3A] : memref<320000xi32, #tpu.memory_space<hbm>> -> memref<80xi32, #tpu.memory_space<hbm>>
        %dma_start3A_39 = tpu.memref_slice %arg2[%multiple_of3A] : memref<320000xi32, #tpu.memory_space<hbm>> -> memref<80xi32, #tpu.memory_space<hbm>>
        tpu.enqueue_dma source(%dma_start3A_39 : memref<80xi32, #tpu.memory_space<hbm>>) target(%arg11 : memref<80xi32, #tpu.memory_space<vmem>>) target_semaphore(%run_scoped3A : memref<!tpu.dma_semaphore, #tpu.memory_space<semaphore_mem>>)
        %dma_wait3A = tpu.memref_slice %arg2[%multiple_of3A] : memref<320000xi32, #tpu.memory_space<hbm>> -> memref<80xi32, #tpu.memory_space<hbm>>
        %dma_wait3A_40 = tpu.memref_slice %arg2[%multiple_of3A] : memref<320000xi32, #tpu.memory_space<hbm>> -> memref<80xi32, #tpu.memory_space<hbm>>
        tpu.wait_dma2 semaphore(%run_scoped3A : memref<!tpu.dma_semaphore, #tpu.memory_space<semaphore_mem>>) src(%dma_wait3A_40 : memref<80xi32, #tpu.memory_space<hbm>>) dst(%arg11 : memref<80xi32, #tpu.memory_space<vmem>>)
        tpu.yield
      }) : () -> ()
      "tpu.region"() ({
        %run_scoped3A = tpu.sem_alloc : memref<!tpu.dma_semaphore, #tpu.memory_space<semaphore_mem>>
        %dma_start3A = tpu.memref_slice %arg3[%multiple_of3A] : memref<320000xi32, #tpu.memory_space<hbm>> -> memref<80xi32, #tpu.memory_space<hbm>>
        %dma_start3A_39 = tpu.memref_slice %arg3[%multiple_of3A] : memref<320000xi32, #tpu.memory_space<hbm>> -> memref<80xi32, #tpu.memory_space<hbm>>
        tpu.enqueue_dma source(%dma_start3A_39 : memref<80xi32, #tpu.memory_space<hbm>>) target(%arg12 : memref<80xi32, #tpu.memory_space<vmem>>) target_semaphore(%run_scoped3A : memref<!tpu.dma_semaphore, #tpu.memory_space<semaphore_mem>>)
        %dma_wait3A = tpu.memref_slice %arg3[%multiple_of3A] : memref<320000xi32, #tpu.memory_space<hbm>> -> memref<80xi32, #tpu.memory_space<hbm>>
        %dma_wait3A_40 = tpu.memref_slice %arg3[%multiple_of3A] : memref<320000xi32, #tpu.memory_space<hbm>> -> memref<80xi32, #tpu.memory_space<hbm>>
        tpu.wait_dma2 semaphore(%run_scoped3A : memref<!tpu.dma_semaphore, #tpu.memory_space<semaphore_mem>>) src(%dma_wait3A_40 : memref<80xi32, #tpu.memory_space<hbm>>) dst(%arg12 : memref<80xi32, #tpu.memory_space<vmem>>)
        tpu.yield
      }) : () -> ()
      "tpu.region"() ({
        %run_scoped3A = tpu.sem_alloc : memref<!tpu.dma_semaphore, #tpu.memory_space<semaphore_mem>>
        %dma_start3A = arith.constant 0 : i32
        %dma_start3A_39 = arith.constant 0 : i32
        %dma_start3A_40 = tpu.memref_slice %arg7[%dma_start3A, %dma_start3A_39] : memref<10000x128xf32, #tpu.memory_space<hbm>> -> memref<10000x128xf32, #tpu.memory_space<hbm>>
        tpu.enqueue_indirect_dma source(%dma_start3A_40 : memref<10000x128xf32, #tpu.memory_space<hbm>>) target(%arg15 : memref<80x128xf32, #tpu.memory_space<vmem>>) offsets(%arg11 : memref<80xi32, #tpu.memory_space<vmem>>) semaphore(%run_scoped3A : memref<!tpu.dma_semaphore, #tpu.memory_space<semaphore_mem>>)
        %dma_wait3A = arith.constant 0 : i32
        %dma_wait3A_41 = arith.constant 0 : i32
        %dma_wait3A_42 = tpu.memref_slice %arg7[%dma_wait3A, %dma_wait3A_41] : memref<10000x128xf32, #tpu.memory_space<hbm>> -> memref<10000x128xf32, #tpu.memory_space<hbm>>
        tpu.wait_indirect_dma semaphore(%run_scoped3A : memref<!tpu.dma_semaphore, #tpu.memory_space<semaphore_mem>>) src(%dma_wait3A_42 : memref<10000x128xf32, #tpu.memory_space<hbm>>) dst(%arg15 : memref<80x128xf32, #tpu.memory_space<vmem>>)
        tpu.yield
      }) : () -> ()
      "tpu.region"() ({
        %run_scoped3A = tpu.sem_alloc : memref<!tpu.dma_semaphore, #tpu.memory_space<semaphore_mem>>
        %dma_start3A = arith.constant 0 : i32
        %dma_start3A_39 = arith.constant 0 : i32
        %dma_start3A_40 = tpu.memref_slice %arg4[%dma_start3A, %dma_start3A_39] : memref<10000x128xf32, #tpu.memory_space<hbm>> -> memref<10000x128xf32, #tpu.memory_space<hbm>>
        tpu.enqueue_indirect_dma source(%dma_start3A_40 : memref<10000x128xf32, #tpu.memory_space<hbm>>) target(%arg13 : memref<80x128xf32, #tpu.memory_space<vmem>>) offsets(%arg11 : memref<80xi32, #tpu.memory_space<vmem>>) semaphore(%run_scoped3A : memref<!tpu.dma_semaphore, #tpu.memory_space<semaphore_mem>>)
        %dma_wait3A = arith.constant 0 : i32
        %dma_wait3A_41 = arith.constant 0 : i32
        %dma_wait3A_42 = tpu.memref_slice %arg4[%dma_wait3A, %dma_wait3A_41] : memref<10000x128xf32, #tpu.memory_space<hbm>> -> memref<10000x128xf32, #tpu.memory_space<hbm>>
        tpu.wait_indirect_dma semaphore(%run_scoped3A : memref<!tpu.dma_semaphore, #tpu.memory_space<semaphore_mem>>) src(%dma_wait3A_42 : memref<10000x128xf32, #tpu.memory_space<hbm>>) dst(%arg13 : memref<80x128xf32, #tpu.memory_space<vmem>>)
        tpu.yield
      }) : () -> ()
      "tpu.region"() ({
        %run_scoped3A = tpu.sem_alloc : memref<!tpu.dma_semaphore, #tpu.memory_space<semaphore_mem>>
        %dma_start3A = arith.constant 0 : i32
        %dma_start3A_39 = arith.constant 0 : i32
        %dma_start3A_40 = tpu.memref_slice %arg5[%dma_start3A, %dma_start3A_39] : memref<10000x128xf32, #tpu.memory_space<hbm>> -> memref<10000x128xf32, #tpu.memory_space<hbm>>
        tpu.enqueue_indirect_dma source(%dma_start3A_40 : memref<10000x128xf32, #tpu.memory_space<hbm>>) target(%arg14 : memref<80x128xf32, #tpu.memory_space<vmem>>) offsets(%arg12 : memref<80xi32, #tpu.memory_space<vmem>>) semaphore(%run_scoped3A : memref<!tpu.dma_semaphore, #tpu.memory_space<semaphore_mem>>)
        %dma_wait3A = arith.constant 0 : i32
        %dma_wait3A_41 = arith.constant 0 : i32
        %dma_wait3A_42 = tpu.memref_slice %arg5[%dma_wait3A, %dma_wait3A_41] : memref<10000x128xf32, #tpu.memory_space<hbm>> -> memref<10000x128xf32, #tpu.memory_space<hbm>>
        tpu.wait_indirect_dma semaphore(%run_scoped3A : memref<!tpu.dma_semaphore, #tpu.memory_space<semaphore_mem>>) src(%dma_wait3A_42 : memref<10000x128xf32, #tpu.memory_space<hbm>>) dst(%arg14 : memref<80x128xf32, #tpu.memory_space<vmem>>)
        tpu.yield
      }) : () -> ()
      %scan3A_34 = arith.constant 0 : i32
      %scan3A_35 = arith.constant 80 : i32
      %scan3A_36 = arith.addi %scan3A_34, %scan3A_35 : i32
      %scan3A_37 = arith.constant 1 : i32
      scf.for %scan3A_39 = %scan3A_34 to %scan3A_36 step %scan3A_37  : i32 {
        %mul3A_40 = arith.constant 1 : i32
        %mul3A_41 = arith.muli %scan3A_39, %mul3A_40 : i32
        %add3A_42 = arith.constant 0 : i32
        %add3A_43 = arith.addi %add3A_42, %mul3A_41 : i32
        %get3A_44 = arith.index_cast %add3A_43 : i32 to index
        %get3A_45 = arith.constant 0 : index
        %get3A_46 = tpu.vector_load %arg14[%get3A_44, %get3A_45] {strides = array<i32>} : memref<80x128xf32, #tpu.memory_space<vmem>>, vector<1x16xf32>,
        %get3A_47 = vector.shape_cast %get3A_46 : vector<1x16xf32> to vector<16xf32>
        %get3A_48 = arith.index_cast %add3A_43 : i32 to index
        %get3A_49 = arith.constant 0 : index
        %get3A_50 = tpu.vector_load %arg13[%get3A_48, %get3A_49] {strides = array<i32>} : memref<80x128xf32, #tpu.memory_space<vmem>>, vector<1x16xf32>,
        %get3A_51 = vector.shape_cast %get3A_50 : vector<1x16xf32> to vector<16xf32>
        %add3A_52 = arith.addf %get3A_51, %get3A_47 : vector<16xf32>
        %gt3A = arith.constant 0.000000e+00 : f32
        %gt3A_53 = vector.broadcast %gt3A : f32 to vector<16xf32>
        %gt3A_54 = arith.cmpf ogt, %add3A_52, %gt3A_53 : vector<16xf32>
        %mul3A_55 = arith.constant 2.000000e-01 : f32
        %mul3A_56 = vector.broadcast %mul3A_55 : f32 to vector<16xf32>
        %mul3A_57 = arith.mulf %mul3A_56, %add3A_52 : vector<16xf32>
        %select_n3A = arith.select %gt3A_54, %add3A_52, %mul3A_57 : vector<16xi1>, vector<16xf32>
        %sub3A = arith.subf %select_n3A, %get3A_8 : vector<16xf32>
        %exp3A = math.exp %sub3A : vector<16xf32>
        %get3A_58 = arith.index_cast %add3A_43 : i32 to index
        %get3A_59 = arith.constant 0 : index
        %get3A_60 = tpu.vector_load %arg15[%get3A_58, %get3A_59] {strides = array<i32>} : memref<80x128xf32, #tpu.memory_space<vmem>>, vector<1x16xf32>,
        %get3A_61 = vector.shape_cast %get3A_60 : vector<1x16xf32> to vector<16xf32>
        %slice3A = vector.extract_strided_slice %exp3A {offsets = [0], sizes = [1], strides = [1]} : vector<16xf32> to vector<1xf32>
        %squeeze3A = vector.extract %slice3A[0] : f32 from vector<1xf32>
        %slice3A_62 = vector.extract_strided_slice %get3A_47 {offsets = [8], sizes = [1], strides = [1]} : vector<16xf32> to vector<1xf32>
        %squeeze3A_63 = vector.extract %slice3A_62[0] : f32 from vector<1xf32>
        %mul3A_64 = arith.mulf %squeeze3A, %squeeze3A_63 : f32
        %mul3A_65 = vector.broadcast %mul3A_64 : f32 to vector<16xf32>
        %mul3A_66 = arith.mulf %get3A_61, %mul3A_65 : vector<16xf32>
        %swap3A = arith.index_cast %add3A_43 : i32 to index
        %swap3A_67 = arith.constant 0 : index
        %swap3A_68 = tpu.vector_load %arg15[%swap3A, %swap3A_67] {strides = array<i32>} : memref<80x128xf32, #tpu.memory_space<vmem>>, vector<1x16xf32>,
        %swap3A_69 = vector.shape_cast %swap3A_68 : vector<1x16xf32> to vector<16xf32>
        %swap3A_70 = vector.shape_cast %mul3A_66 : vector<16xf32> to vector<1x16xf32>
        tpu.vector_store %arg15[%swap3A, %swap3A_67], %swap3A_70 {strides = array<i32>} : memref<80x128xf32, #tpu.memory_space<vmem>>, vector<1x16xf32>,
        %get3A_71 = arith.index_cast %add3A_43 : i32 to index
        %get3A_72 = arith.constant 16 : index
        %get3A_73 = tpu.vector_load %arg15[%get3A_71, %get3A_72] {strides = array<i32>} : memref<80x128xf32, #tpu.memory_space<vmem>>, vector<1x16xf32>,
        %get3A_74 = vector.shape_cast %get3A_73 : vector<1x16xf32> to vector<16xf32>
        %slice3A_75 = vector.extract_strided_slice %exp3A {offsets = [1], sizes = [1], strides = [1]} : vector<16xf32> to vector<1xf32>
        %squeeze3A_76 = vector.extract %slice3A_75[0] : f32 from vector<1xf32>
        %slice3A_77 = vector.extract_strided_slice %get3A_47 {offsets = [9], sizes = [1], strides = [1]} : vector<16xf32> to vector<1xf32>
        %squeeze3A_78 = vector.extract %slice3A_77[0] : f32 from vector<1xf32>
        %mul3A_79 = arith.mulf %squeeze3A_76, %squeeze3A_78 : f32
        %mul3A_80 = vector.broadcast %mul3A_79 : f32 to vector<16xf32>
        %mul3A_81 = arith.mulf %get3A_74, %mul3A_80 : vector<16xf32>
        %swap3A_82 = arith.index_cast %add3A_43 : i32 to index
        %swap3A_83 = arith.constant 16 : index
        %swap3A_84 = tpu.vector_load %arg15[%swap3A_82, %swap3A_83] {strides = array<i32>} : memref<80x128xf32, #tpu.memory_space<vmem>>, vector<1x16xf32>,
        %swap3A_85 = vector.shape_cast %swap3A_84 : vector<1x16xf32> to vector<16xf32>
        %swap3A_86 = vector.shape_cast %mul3A_81 : vector<16xf32> to vector<1x16xf32>
        tpu.vector_store %arg15[%swap3A_82, %swap3A_83], %swap3A_86 {strides = array<i32>} : memref<80x128xf32, #tpu.memory_space<vmem>>, vector<1x16xf32>,
        %get3A_87 = arith.index_cast %add3A_43 : i32 to index
        %get3A_88 = arith.constant 32 : index
        %get3A_89 = tpu.vector_load %arg15[%get3A_87, %get3A_88] {strides = array<i32>} : memref<80x128xf32, #tpu.memory_space<vmem>>, vector<1x16xf32>,
        %get3A_90 = vector.shape_cast %get3A_89 : vector<1x16xf32> to vector<16xf32>
        %slice3A_91 = vector.extract_strided_slice %exp3A {offsets = [2], sizes = [1], strides = [1]} : vector<16xf32> to vector<1xf32>
        %squeeze3A_92 = vector.extract %slice3A_91[0] : f32 from vector<1xf32>
        %slice3A_93 = vector.extract_strided_slice %get3A_47 {offsets = [10], sizes = [1], strides = [1]} : vector<16xf32> to vector<1xf32>
        %squeeze3A_94 = vector.extract %slice3A_93[0] : f32 from vector<1xf32>
        %mul3A_95 = arith.mulf %squeeze3A_92, %squeeze3A_94 : f32
        %mul3A_96 = vector.broadcast %mul3A_95 : f32 to vector<16xf32>
        %mul3A_97 = arith.mulf %get3A_90, %mul3A_96 : vector<16xf32>
        %swap3A_98 = arith.index_cast %add3A_43 : i32 to index
        %swap3A_99 = arith.constant 32 : index
        %swap3A_100 = tpu.vector_load %arg15[%swap3A_98, %swap3A_99] {strides = array<i32>} : memref<80x128xf32, #tpu.memory_space<vmem>>, vector<1x16xf32>,
        %swap3A_101 = vector.shape_cast %swap3A_100 : vector<1x16xf32> to vector<16xf32>
        %swap3A_102 = vector.shape_cast %mul3A_97 : vector<16xf32> to vector<1x16xf32>
        tpu.vector_store %arg15[%swap3A_98, %swap3A_99], %swap3A_102 {strides = array<i32>} : memref<80x128xf32, #tpu.memory_space<vmem>>, vector<1x16xf32>,
        %get3A_103 = arith.index_cast %add3A_43 : i32 to index
        %get3A_104 = arith.constant 48 : index
        %get3A_105 = tpu.vector_load %arg15[%get3A_103, %get3A_104] {strides = array<i32>} : memref<80x128xf32, #tpu.memory_space<vmem>>, vector<1x16xf32>,
        %get3A_106 = vector.shape_cast %get3A_105 : vector<1x16xf32> to vector<16xf32>
        %slice3A_107 = vector.extract_strided_slice %exp3A {offsets = [3], sizes = [1], strides = [1]} : vector<16xf32> to vector<1xf32>
        %squeeze3A_108 = vector.extract %slice3A_107[0] : f32 from vector<1xf32>
        %slice3A_109 = vector.extract_strided_slice %get3A_47 {offsets = [11], sizes = [1], strides = [1]} : vector<16xf32> to vector<1xf32>
        %squeeze3A_110 = vector.extract %slice3A_109[0] : f32 from vector<1xf32>
        %mul3A_111 = arith.mulf %squeeze3A_108, %squeeze3A_110 : f32
        %mul3A_112 = vector.broadcast %mul3A_111 : f32 to vector<16xf32>
        %mul3A_113 = arith.mulf %get3A_106, %mul3A_112 : vector<16xf32>
        %swap3A_114 = arith.index_cast %add3A_43 : i32 to index
        %swap3A_115 = arith.constant 48 : index
        %swap3A_116 = tpu.vector_load %arg15[%swap3A_114, %swap3A_115] {strides = array<i32>} : memref<80x128xf32, #tpu.memory_space<vmem>>, vector<1x16xf32>,
        %swap3A_117 = vector.shape_cast %swap3A_116 : vector<1x16xf32> to vector<16xf32>
        %swap3A_118 = vector.shape_cast %mul3A_113 : vector<16xf32> to vector<1x16xf32>
        tpu.vector_store %arg15[%swap3A_114, %swap3A_115], %swap3A_118 {strides = array<i32>} : memref<80x128xf32, #tpu.memory_space<vmem>>, vector<1x16xf32>,
        %get3A_119 = arith.index_cast %add3A_43 : i32 to index
        %get3A_120 = arith.constant 64 : index
        %get3A_121 = tpu.vector_load %arg15[%get3A_119, %get3A_120] {strides = array<i32>} : memref<80x128xf32, #tpu.memory_space<vmem>>, vector<1x16xf32>,
        %get3A_122 = vector.shape_cast %get3A_121 : vector<1x16xf32> to vector<16xf32>
        %slice3A_123 = vector.extract_strided_slice %exp3A {offsets = [4], sizes = [1], strides = [1]} : vector<16xf32> to vector<1xf32>
        %squeeze3A_124 = vector.extract %slice3A_123[0] : f32 from vector<1xf32>
        %slice3A_125 = vector.extract_strided_slice %get3A_47 {offsets = [12], sizes = [1], strides = [1]} : vector<16xf32> to vector<1xf32>
        %squeeze3A_126 = vector.extract %slice3A_125[0] : f32 from vector<1xf32>
        %mul3A_127 = arith.mulf %squeeze3A_124, %squeeze3A_126 : f32
        %mul3A_128 = vector.broadcast %mul3A_127 : f32 to vector<16xf32>
        %mul3A_129 = arith.mulf %get3A_122, %mul3A_128 : vector<16xf32>
        %swap3A_130 = arith.index_cast %add3A_43 : i32 to index
        %swap3A_131 = arith.constant 64 : index
        %swap3A_132 = tpu.vector_load %arg15[%swap3A_130, %swap3A_131] {strides = array<i32>} : memref<80x128xf32, #tpu.memory_space<vmem>>, vector<1x16xf32>,
        %swap3A_133 = vector.shape_cast %swap3A_132 : vector<1x16xf32> to vector<16xf32>
        %swap3A_134 = vector.shape_cast %mul3A_129 : vector<16xf32> to vector<1x16xf32>
        tpu.vector_store %arg15[%swap3A_130, %swap3A_131], %swap3A_134 {strides = array<i32>} : memref<80x128xf32, #tpu.memory_space<vmem>>, vector<1x16xf32>,
        %get3A_135 = arith.index_cast %add3A_43 : i32 to index
        %get3A_136 = arith.constant 80 : index
        %get3A_137 = tpu.vector_load %arg15[%get3A_135, %get3A_136] {strides = array<i32>} : memref<80x128xf32, #tpu.memory_space<vmem>>, vector<1x16xf32>,
        %get3A_138 = vector.shape_cast %get3A_137 : vector<1x16xf32> to vector<16xf32>
        %slice3A_139 = vector.extract_strided_slice %exp3A {offsets = [5], sizes = [1], strides = [1]} : vector<16xf32> to vector<1xf32>
        %squeeze3A_140 = vector.extract %slice3A_139[0] : f32 from vector<1xf32>
        %slice3A_141 = vector.extract_strided_slice %get3A_47 {offsets = [13], sizes = [1], strides = [1]} : vector<16xf32> to vector<1xf32>
        %squeeze3A_142 = vector.extract %slice3A_141[0] : f32 from vector<1xf32>
        %mul3A_143 = arith.mulf %squeeze3A_140, %squeeze3A_142 : f32
        %mul3A_144 = vector.broadcast %mul3A_143 : f32 to vector<16xf32>
        %mul3A_145 = arith.mulf %get3A_138, %mul3A_144 : vector<16xf32>
        %swap3A_146 = arith.index_cast %add3A_43 : i32 to index
        %swap3A_147 = arith.constant 80 : index
        %swap3A_148 = tpu.vector_load %arg15[%swap3A_146, %swap3A_147] {strides = array<i32>} : memref<80x128xf32, #tpu.memory_space<vmem>>, vector<1x16xf32>,
        %swap3A_149 = vector.shape_cast %swap3A_148 : vector<1x16xf32> to vector<16xf32>
        %swap3A_150 = vector.shape_cast %mul3A_145 : vector<16xf32> to vector<1x16xf32>
        tpu.vector_store %arg15[%swap3A_146, %swap3A_147], %swap3A_150 {strides = array<i32>} : memref<80x128xf32, #tpu.memory_space<vmem>>, vector<1x16xf32>,
        %get3A_151 = arith.index_cast %add3A_43 : i32 to index
        %get3A_152 = arith.constant 96 : index
        %get3A_153 = tpu.vector_load %arg15[%get3A_151, %get3A_152] {strides = array<i32>} : memref<80x128xf32, #tpu.memory_space<vmem>>, vector<1x16xf32>,
        %get3A_154 = vector.shape_cast %get3A_153 : vector<1x16xf32> to vector<16xf32>
        %slice3A_155 = vector.extract_strided_slice %exp3A {offsets = [6], sizes = [1], strides = [1]} : vector<16xf32> to vector<1xf32>
        %squeeze3A_156 = vector.extract %slice3A_155[0] : f32 from vector<1xf32>
        %slice3A_157 = vector.extract_strided_slice %get3A_47 {offsets = [14], sizes = [1], strides = [1]} : vector<16xf32> to vector<1xf32>
        %squeeze3A_158 = vector.extract %slice3A_157[0] : f32 from vector<1xf32>
        %mul3A_159 = arith.mulf %squeeze3A_156, %squeeze3A_158 : f32
        %mul3A_160 = vector.broadcast %mul3A_159 : f32 to vector<16xf32>
        %mul3A_161 = arith.mulf %get3A_154, %mul3A_160 : vector<16xf32>
        %swap3A_162 = arith.index_cast %add3A_43 : i32 to index
        %swap3A_163 = arith.constant 96 : index
        %swap3A_164 = tpu.vector_load %arg15[%swap3A_162, %swap3A_163] {strides = array<i32>} : memref<80x128xf32, #tpu.memory_space<vmem>>, vector<1x16xf32>,
        %swap3A_165 = vector.shape_cast %swap3A_164 : vector<1x16xf32> to vector<16xf32>
        %swap3A_166 = vector.shape_cast %mul3A_161 : vector<16xf32> to vector<1x16xf32>
        tpu.vector_store %arg15[%swap3A_162, %swap3A_163], %swap3A_166 {strides = array<i32>} : memref<80x128xf32, #tpu.memory_space<vmem>>, vector<1x16xf32>,
        %get3A_167 = arith.index_cast %add3A_43 : i32 to index
        %get3A_168 = arith.constant 112 : index
        %get3A_169 = tpu.vector_load %arg15[%get3A_167, %get3A_168] {strides = array<i32>} : memref<80x128xf32, #tpu.memory_space<vmem>>, vector<1x16xf32>,
        %get3A_170 = vector.shape_cast %get3A_169 : vector<1x16xf32> to vector<16xf32>
        %slice3A_171 = vector.extract_strided_slice %exp3A {offsets = [7], sizes = [1], strides = [1]} : vector<16xf32> to vector<1xf32>
        %squeeze3A_172 = vector.extract %slice3A_171[0] : f32 from vector<1xf32>
        %slice3A_173 = vector.extract_strided_slice %get3A_47 {offsets = [15], sizes = [1], strides = [1]} : vector<16xf32> to vector<1xf32>
        %squeeze3A_174 = vector.extract %slice3A_173[0] : f32 from vector<1xf32>
        %mul3A_175 = arith.mulf %squeeze3A_172, %squeeze3A_174 : f32
        %mul3A_176 = vector.broadcast %mul3A_175 : f32 to vector<16xf32>
        %mul3A_177 = arith.mulf %get3A_170, %mul3A_176 : vector<16xf32>
        %swap3A_178 = arith.index_cast %add3A_43 : i32 to index
        %swap3A_179 = arith.constant 112 : index
        %swap3A_180 = tpu.vector_load %arg15[%swap3A_178, %swap3A_179] {strides = array<i32>} : memref<80x128xf32, #tpu.memory_space<vmem>>, vector<1x16xf32>,
        %swap3A_181 = vector.shape_cast %swap3A_180 : vector<1x16xf32> to vector<16xf32>
        %swap3A_182 = vector.shape_cast %mul3A_177 : vector<16xf32> to vector<1x16xf32>
        tpu.vector_store %arg15[%swap3A_178, %swap3A_179], %swap3A_182 {strides = array<i32>} : memref<80x128xf32, #tpu.memory_space<vmem>>, vector<1x16xf32>,
      }
      %scan3A_38 = arith.constant 80 : i32
      "tpu.region"() ({
        %run_scoped3A = tpu.sem_alloc : memref<!tpu.dma_semaphore, #tpu.memory_space<semaphore_mem>>
        %dma_start3A = arith.constant 0 : i32
        %dma_start3A_39 = arith.constant 0 : i32
        %dma_start3A_40 = tpu.memref_slice %arg10[%dma_start3A, %dma_start3A_39] : memref<10000x128xf32, #tpu.memory_space<vmem_shared>> -> memref<10000x128xf32, #tpu.memory_space<vmem_shared>>
        tpu.enqueue_indirect_dma source(%arg15 : memref<80x128xf32, #tpu.memory_space<vmem>>) target(%dma_start3A_40 : memref<10000x128xf32, #tpu.memory_space<vmem_shared>>) offsets(%arg12 : memref<80xi32, #tpu.memory_space<vmem>>) semaphore(%run_scoped3A : memref<!tpu.dma_semaphore, #tpu.memory_space<semaphore_mem>>) {add = true}
        %dma_wait3A = arith.constant 0 : i32
        %dma_wait3A_41 = arith.constant 0 : i32
        %dma_wait3A_42 = tpu.memref_slice %arg10[%dma_wait3A, %dma_wait3A_41] : memref<10000x128xf32, #tpu.memory_space<vmem_shared>> -> memref<10000x128xf32, #tpu.memory_space<vmem_shared>>
        tpu.wait_indirect_dma semaphore(%run_scoped3A : memref<!tpu.dma_semaphore, #tpu.memory_space<semaphore_mem>>) src(%arg15 : memref<80x128xf32, #tpu.memory_space<vmem>>) dst(%dma_wait3A_42 : memref<10000x128xf32, #tpu.memory_space<vmem_shared>>)
        tpu.yield
      }) : () -> ()
    }
    %scan3A_14 = arith.constant 125 : i32
    %barrier3A_15 = arith.constant 0 : index
    tpu.barrier barrier_id(%barrier3A_15)
    %lt3A_16 = arith.constant 15 : i32
    %lt3A_17 = arith.cmpi slt, %arg1, %lt3A_16 : i32
    %convert_element_type3A_18 = arith.extui %lt3A_17 : i1 to i32
    %cond3A_19 = arith.constant 0 : i32
    %cond3A_20 = arith.cmpi ne, %convert_element_type3A_18, %cond3A_19 : i32
    scf.if %cond3A_20 {
      %mul3A_26 = arith.constant 624 : i32
      %mul3A_27 = arith.muli %arg1, %mul3A_26 : i32
      %multiple_of3A = tpu.assume_multiple %mul3A_27, 8 : i32
      "tpu.region"() ({
        %run_scoped3A = tpu.sem_alloc : memref<!tpu.dma_semaphore, #tpu.memory_space<semaphore_mem>>
        %dma_start3A = arith.constant 0 : i32
        %dma_start3A_28 = tpu.memref_slice %arg9[%arg0, %multiple_of3A, %dma_start3A] : memref<2x10000x128xf32, #tpu.memory_space<hbm>> -> memref<1x624x128xf32, #tpu.memory_space<hbm>>
        %dma_start3A_29 = tpu.memref_squeeze %dma_start3A_28 : memref<1x624x128xf32, #tpu.memory_space<hbm>> -> memref<624x128xf32, #tpu.memory_space<hbm>>
        %dma_start3A_30 = arith.constant 0 : i32
        %dma_start3A_31 = tpu.memref_slice %arg10[%multiple_of3A, %dma_start3A_30] : memref<10000x128xf32, #tpu.memory_space<vmem_shared>> -> memref<624x128xf32, #tpu.memory_space<vmem_shared>>
        tpu.enqueue_dma source(%dma_start3A_31 : memref<624x128xf32, #tpu.memory_space<vmem_shared>>) target(%dma_start3A_29 : memref<624x128xf32, #tpu.memory_space<hbm>>) target_semaphore(%run_scoped3A : memref<!tpu.dma_semaphore, #tpu.memory_space<semaphore_mem>>)
        %dma_wait3A = arith.constant 0 : i32
        %dma_wait3A_32 = tpu.memref_slice %arg9[%arg0, %multiple_of3A, %dma_wait3A] : memref<2x10000x128xf32, #tpu.memory_space<hbm>> -> memref<1x624x128xf32, #tpu.memory_space<hbm>>
        %dma_wait3A_33 = tpu.memref_squeeze %dma_wait3A_32 : memref<1x624x128xf32, #tpu.memory_space<hbm>> -> memref<624x128xf32, #tpu.memory_space<hbm>>
        %dma_wait3A_34 = arith.constant 0 : i32
        %dma_wait3A_35 = tpu.memref_slice %arg10[%multiple_of3A, %dma_wait3A_34] : memref<10000x128xf32, #tpu.memory_space<vmem_shared>> -> memref<624x128xf32, #tpu.memory_space<vmem_shared>>
        tpu.wait_dma2 semaphore(%run_scoped3A : memref<!tpu.dma_semaphore, #tpu.memory_space<semaphore_mem>>) src(%dma_wait3A_35 : memref<624x128xf32, #tpu.memory_space<vmem_shared>>) dst(%dma_wait3A_33 : memref<624x128xf32, #tpu.memory_space<hbm>>)
        tpu.yield
      }) : () -> ()
    } else {
    }
    %eq3A_21 = arith.constant 15 : i32
    %eq3A_22 = arith.cmpi eq, %arg1, %eq3A_21 : i32
    %convert_element_type3A_23 = arith.extui %eq3A_22 : i1 to i32
    %cond3A_24 = arith.constant 0 : i32
    %cond3A_25 = arith.cmpi ne, %convert_element_type3A_23, %cond3A_24 : i32
    scf.if %cond3A_25 {
      %multiple_of3A = arith.constant 9360 : i32
      %multiple_of3A_26 = tpu.assume_multiple %multiple_of3A, 8 : i32
      "tpu.region"() ({
        %run_scoped3A = tpu.sem_alloc : memref<!tpu.dma_semaphore, #tpu.memory_space<semaphore_mem>>
        %dma_start3A = arith.constant 0 : i32
        %dma_start3A_27 = tpu.memref_slice %arg9[%arg0, %multiple_of3A_26, %dma_start3A] : memref<2x10000x128xf32, #tpu.memory_space<hbm>> -> memref<1x640x128xf32, #tpu.memory_space<hbm>>
        %dma_start3A_28 = tpu.memref_squeeze %dma_start3A_27 : memref<1x640x128xf32, #tpu.memory_space<hbm>> -> memref<640x128xf32, #tpu.memory_space<hbm>>
        %dma_start3A_29 = arith.constant 0 : i32
        %dma_start3A_30 = tpu.memref_slice %arg10[%multiple_of3A_26, %dma_start3A_29] : memref<10000x128xf32, #tpu.memory_space<vmem_shared>> -> memref<640x128xf32, #tpu.memory_space<vmem_shared>>
        tpu.enqueue_dma source(%dma_start3A_30 : memref<640x128xf32, #tpu.memory_space<vmem_shared>>) target(%dma_start3A_28 : memref<640x128xf32, #tpu.memory_space<hbm>>) target_semaphore(%run_scoped3A : memref<!tpu.dma_semaphore, #tpu.memory_space<semaphore_mem>>)
        %dma_wait3A = arith.constant 0 : i32
        %dma_wait3A_31 = tpu.memref_slice %arg9[%arg0, %multiple_of3A_26, %dma_wait3A] : memref<2x10000x128xf32, #tpu.memory_space<hbm>> -> memref<1x640x128xf32, #tpu.memory_space<hbm>>
        %dma_wait3A_32 = tpu.memref_squeeze %dma_wait3A_31 : memref<1x640x128xf32, #tpu.memory_space<hbm>> -> memref<640x128xf32, #tpu.memory_space<hbm>>
        %dma_wait3A_33 = arith.constant 0 : i32
        %dma_wait3A_34 = tpu.memref_slice %arg10[%multiple_of3A_26, %dma_wait3A_33] : memref<10000x128xf32, #tpu.memory_space<vmem_shared>> -> memref<640x128xf32, #tpu.memory_space<vmem_shared>>
        tpu.wait_dma2 semaphore(%run_scoped3A : memref<!tpu.dma_semaphore, #tpu.memory_space<semaphore_mem>>) src(%dma_wait3A_34 : memref<640x128xf32, #tpu.memory_space<vmem_shared>>) dst(%dma_wait3A_32 : memref<640x128xf32, #tpu.memory_space<hbm>>)
        tpu.yield
      }) : () -> ()
    } else {
    }
    return
  }
}

module attributes {stable_mosaic.version = 14 : i64} {
  func.func @_tc_dense_body(%arg0: i32, %arg1: memref<400x128xf32, #tpu.memory_space<vmem>>, %arg2: memref<128x128xf32, #tpu.memory_space<vmem>>, %arg3: memref<128x128xf32, #tpu.memory_space<vmem>>, %arg4: memref<128x128xf32, #tpu.memory_space<vmem>>, %arg5: memref<400x128xf32, #tpu.memory_space<vmem>>, %arg6: memref<400x128xf32, #tpu.memory_space<vmem>>, %arg7: memref<400x128xf32, #tpu.memory_space<vmem>>, %arg8: memref<1x128xf32, #tpu.memory_space<vmem>>, %arg9: memref<1x128xf32, #tpu.memory_space<vmem>>) attributes {dimension_semantics = [#tpu.dimension_semantics<arbitrary>], iteration_bounds = array<i64: 25>, scalar_prefetch = 0 : i64, scratch_operands = 0 : i64, tpu.core_type = #tpu.core_type<tc>, window_params = [{transform_indices = @transform_0, window_bounds = array<i64: 400, 128>}, {pipeline_mode = #tpu.pipeline_mode<synchronous>, transform_indices = @transform_1, window_bounds = array<i64: 128, 128>}, {pipeline_mode = #tpu.pipeline_mode<synchronous>, transform_indices = @transform_2, window_bounds = array<i64: 128, 128>}, {pipeline_mode = #tpu.pipeline_mode<synchronous>, transform_indices = @transform_3, window_bounds = array<i64: 128, 128>}, {transform_indices = @transform_4, window_bounds = array<i64: 400, 128>}, {transform_indices = @transform_5, window_bounds = array<i64: 400, 128>}, {transform_indices = @transform_6, window_bounds = array<i64: 400, 128>}, {pipeline_mode = #tpu.pipeline_mode<synchronous>, transform_indices = @transform_7, window_bounds = array<i64: 1, 128>}, {pipeline_mode = #tpu.pipeline_mode<synchronous>, transform_indices = @transform_8, window_bounds = array<i64: 1, 128>}]} {
    %get3A = arith.constant 0 : index
    %get3A_0 = arith.constant 0 : index
    %get3A_1 = vector.load %arg1[%get3A, %get3A_0] : memref<400x128xf32, #tpu.memory_space<vmem>>, vector<400x128xf32>
    %get3A_2 = arith.constant 0 : index
    %get3A_3 = arith.constant 0 : index
    %get3A_4 = vector.load %arg2[%get3A_2, %get3A_3] : memref<128x128xf32, #tpu.memory_space<vmem>>, vector<128x128xf32>
    %dot_general3A = arith.constant dense<0.000000e+00> : vector<400x128xf32>
    %dot_general3A_5 = tpu.matmul %get3A_1, %get3A_4, %dot_general3A {dimension_numbers = #tpu.dot_dimension_numbers<[1], [0], [0], [1], [0, 0, 1, 1], [], []>, transpose_lhs_hint = false} : vector<400x128xf32>, vector<128x128xf32>, vector<400x128xf32> -> vector<400x128xf32>
    %swap3A = arith.constant 0 : index
    %swap3A_6 = arith.constant 0 : index
    %swap3A_7 = vector.load %arg5[%swap3A, %swap3A_6] : memref<400x128xf32, #tpu.memory_space<vmem>>, vector<400x128xf32>
    tpu.vector_store %arg5[%swap3A, %swap3A_6], %dot_general3A_5 {strides = array<i32>} : memref<400x128xf32, #tpu.memory_space<vmem>>, vector<400x128xf32>,
    %get3A_8 = arith.constant 0 : index
    %get3A_9 = arith.constant 0 : index
    %get3A_10 = vector.load %arg3[%get3A_8, %get3A_9] : memref<128x128xf32, #tpu.memory_space<vmem>>, vector<128x128xf32>
    %dot_general3A_11 = arith.constant dense<0.000000e+00> : vector<400x128xf32>
    %dot_general3A_12 = tpu.matmul %dot_general3A_5, %get3A_10, %dot_general3A_11 {dimension_numbers = #tpu.dot_dimension_numbers<[1], [0], [0], [1], [0, 0, 1, 1], [], []>, precision = #tpu.contract_precision<fp32>, transpose_lhs_hint = false} : vector<400x128xf32>, vector<128x128xf32>, vector<400x128xf32> -> vector<400x128xf32>
    %get3A_13 = arith.constant 0 : index
    %get3A_14 = arith.constant 0 : index
    %get3A_15 = vector.load %arg4[%get3A_13, %get3A_14] : memref<128x128xf32, #tpu.memory_space<vmem>>, vector<128x128xf32>
    %dot_general3A_16 = arith.constant dense<0.000000e+00> : vector<400x128xf32>
    %dot_general3A_17 = tpu.matmul %dot_general3A_5, %get3A_15, %dot_general3A_16 {dimension_numbers = #tpu.dot_dimension_numbers<[1], [0], [0], [1], [0, 0, 1, 1], [], []>, precision = #tpu.contract_precision<fp32>, transpose_lhs_hint = false} : vector<400x128xf32>, vector<128x128xf32>, vector<400x128xf32> -> vector<400x128xf32>
    %swap3A_18 = arith.constant 0 : index
    %swap3A_19 = arith.constant 0 : index
    %swap3A_20 = vector.load %arg6[%swap3A_18, %swap3A_19] : memref<400x128xf32, #tpu.memory_space<vmem>>, vector<400x128xf32>
    tpu.vector_store %arg6[%swap3A_18, %swap3A_19], %dot_general3A_12 {strides = array<i32>} : memref<400x128xf32, #tpu.memory_space<vmem>>, vector<400x128xf32>,
    %swap3A_21 = arith.constant 0 : index
    %swap3A_22 = arith.constant 0 : index
    %swap3A_23 = vector.load %arg7[%swap3A_21, %swap3A_22] : memref<400x128xf32, #tpu.memory_space<vmem>>, vector<400x128xf32>
    tpu.vector_store %arg7[%swap3A_21, %swap3A_22], %dot_general3A_17 {strides = array<i32>} : memref<400x128xf32, #tpu.memory_space<vmem>>, vector<400x128xf32>,
    %eq3A = arith.constant 0 : i32
    %eq3A_24 = arith.cmpi eq, %arg0, %eq3A : i32
    %convert_element_type3A = arith.extui %eq3A_24 : i1 to i32
    %cond3A = arith.constant 0 : i32
    %cond3A_25 = arith.cmpi ne, %convert_element_type3A, %cond3A : i32
    scf.if %cond3A_25 {
      %broadcast_in_dim3A_43 = arith.constant -3.000000e+38 : f32
      %broadcast_in_dim3A_44 = vector.broadcast %broadcast_in_dim3A_43 : f32 to vector<1x128xf32>
      %swap3A_45 = arith.constant 0 : index
      %swap3A_46 = arith.constant 0 : index
      %swap3A_47 = vector.load %arg8[%swap3A_45, %swap3A_46] : memref<1x128xf32, #tpu.memory_space<vmem>>, vector<1x128xf32>
      tpu.vector_store %arg8[%swap3A_45, %swap3A_46], %broadcast_in_dim3A_44 {strides = array<i32>} : memref<1x128xf32, #tpu.memory_space<vmem>>, vector<1x128xf32>,
      %broadcast_in_dim3A_48 = arith.constant -3.000000e+38 : f32
      %broadcast_in_dim3A_49 = vector.broadcast %broadcast_in_dim3A_48 : f32 to vector<1x128xf32>
      %swap3A_50 = arith.constant 0 : index
      %swap3A_51 = arith.constant 0 : index
      %swap3A_52 = vector.load %arg9[%swap3A_50, %swap3A_51] : memref<1x128xf32, #tpu.memory_space<vmem>>, vector<1x128xf32>
      tpu.vector_store %arg9[%swap3A_50, %swap3A_51], %broadcast_in_dim3A_49 {strides = array<i32>} : memref<1x128xf32, #tpu.memory_space<vmem>>, vector<1x128xf32>,
    } else {
    }
    %get3A_26 = arith.constant 0 : index
    %get3A_27 = arith.constant 0 : index
    %get3A_28 = vector.load %arg8[%get3A_26, %get3A_27] : memref<1x128xf32, #tpu.memory_space<vmem>>, vector<1x128xf32>
    %reduce_max3A = arith.constant dense<0xFF800000> : vector<128xf32>
    %reduce_max3A_29 = vector.multi_reduction <maximumf>, %dot_general3A_12, %reduce_max3A [0] : vector<400x128xf32> to vector<128xf32>
    %broadcast_in_dim3A = vector.shape_cast %reduce_max3A_29 : vector<128xf32> to vector<1x128xf32>
    %max3A = arith.maximumf %get3A_28, %broadcast_in_dim3A : vector<1x128xf32>
    %swap3A_30 = arith.constant 0 : index
    %swap3A_31 = arith.constant 0 : index
    %swap3A_32 = vector.load %arg8[%swap3A_30, %swap3A_31] : memref<1x128xf32, #tpu.memory_space<vmem>>, vector<1x128xf32>
    tpu.vector_store %arg8[%swap3A_30, %swap3A_31], %max3A {strides = array<i32>} : memref<1x128xf32, #tpu.memory_space<vmem>>, vector<1x128xf32>,
    %get3A_33 = arith.constant 0 : index
    %get3A_34 = arith.constant 0 : index
    %get3A_35 = vector.load %arg9[%get3A_33, %get3A_34] : memref<1x128xf32, #tpu.memory_space<vmem>>, vector<1x128xf32>
    %reduce_max3A_36 = arith.constant dense<0xFF800000> : vector<128xf32>
    %reduce_max3A_37 = vector.multi_reduction <maximumf>, %dot_general3A_17, %reduce_max3A_36 [0] : vector<400x128xf32> to vector<128xf32>
    %broadcast_in_dim3A_38 = vector.shape_cast %reduce_max3A_37 : vector<128xf32> to vector<1x128xf32>
    %max3A_39 = arith.maximumf %get3A_35, %broadcast_in_dim3A_38 : vector<1x128xf32>
    %swap3A_40 = arith.constant 0 : index
    %swap3A_41 = arith.constant 0 : index
    %swap3A_42 = vector.load %arg9[%swap3A_40, %swap3A_41] : memref<1x128xf32, #tpu.memory_space<vmem>>, vector<1x128xf32>
    tpu.vector_store %arg9[%swap3A_40, %swap3A_41], %max3A_39 {strides = array<i32>} : memref<1x128xf32, #tpu.memory_space<vmem>>, vector<1x128xf32>,
    return
  }
  func.func @transform_0(%arg0: i32) -> (i32, i32) {
    %c0_i32 = arith.constant 0 : i32
    %c0_i32_0 = arith.constant 0 : i32
    return %arg0, %c0_i32 : i32, i32
  }
  func.func @transform_1(%arg0: i32) -> (i32, i32) {
    %c0_i32 = arith.constant 0 : i32
    %c0_i32_0 = arith.constant 0 : i32
    %c0_i32_1 = arith.constant 0 : i32
    return %c0_i32, %c0_i32_0 : i32, i32
  }
  func.func @transform_2(%arg0: i32) -> (i32, i32) {
    %c0_i32 = arith.constant 0 : i32
    %c0_i32_0 = arith.constant 0 : i32
    %c0_i32_1 = arith.constant 0 : i32
    return %c0_i32, %c0_i32_0 : i32, i32
  }
  func.func @transform_3(%arg0: i32) -> (i32, i32) {
    %c0_i32 = arith.constant 0 : i32
    %c0_i32_0 = arith.constant 0 : i32
    %c0_i32_1 = arith.constant 0 : i32
    return %c0_i32, %c0_i32_0 : i32, i32
  }
  func.func @transform_4(%arg0: i32) -> (i32, i32) {
    %c0_i32 = arith.constant 0 : i32
    %c0_i32_0 = arith.constant 0 : i32
    return %arg0, %c0_i32 : i32, i32
  }
  func.func @transform_5(%arg0: i32) -> (i32, i32) {
    %c0_i32 = arith.constant 0 : i32
    %c0_i32_0 = arith.constant 0 : i32
    return %arg0, %c0_i32 : i32, i32
  }
  func.func @transform_6(%arg0: i32) -> (i32, i32) {
    %c0_i32 = arith.constant 0 : i32
    %c0_i32_0 = arith.constant 0 : i32
    return %arg0, %c0_i32 : i32, i32
  }
  func.func @transform_7(%arg0: i32) -> (i32, i32) {
    %c0_i32 = arith.constant 0 : i32
    %c0_i32_0 = arith.constant 0 : i32
    %c0_i32_1 = arith.constant 0 : i32
    return %c0_i32, %c0_i32_0 : i32, i32
  }
  func.func @transform_8(%arg0: i32) -> (i32, i32) {
    %c0_i32 = arith.constant 0 : i32
    %c0_i32_0 = arith.constant 0 : i32
    %c0_i32_1 = arith.constant 0 : i32
    return %c0_i32, %c0_i32_0 : i32, i32
  }
}

module attributes {stable_mosaic.version = 14 : i64} {
  func.func @_tc_dvrd_body(%arg0: i32, %arg1: memref<400x128xf32, #tpu.memory_space<vmem>>, %arg2: memref<400x128xf32, #tpu.memory_space<vmem>>, %arg3: memref<400x128xf32, #tpu.memory_space<vmem>>, %arg4: memref<400x128xf32, #tpu.memory_space<vmem>>) attributes {dimension_semantics = [#tpu.dimension_semantics<arbitrary>], iteration_bounds = array<i64: 25>, scalar_prefetch = 0 : i64, scratch_operands = 0 : i64, tpu.core_type = #tpu.core_type<tc>, window_params = [{transform_indices = @transform_0, window_bounds = array<i64: 400, 128>}, {transform_indices = @transform_1, window_bounds = array<i64: 400, 128>}, {transform_indices = @transform_2, window_bounds = array<i64: 400, 128>}, {transform_indices = @transform_3, window_bounds = array<i64: 400, 128>}]} {
    %get3A = arith.constant 0 : index
    %get3A_0 = arith.constant 0 : index
    %get3A_1 = vector.load %arg1[%get3A, %get3A_0] : memref<400x128xf32, #tpu.memory_space<vmem>>, vector<400x128xf32>
    %slice3A = vector.extract_strided_slice %get3A_1 {offsets = [0, 0], sizes = [400, 8], strides = [1, 1]} : vector<400x128xf32> to vector<400x8xf32>
    %get3A_2 = arith.constant 0 : index
    %get3A_3 = arith.constant 0 : index
    %get3A_4 = vector.load %arg2[%get3A_2, %get3A_3] : memref<400x128xf32, #tpu.memory_space<vmem>>, vector<400x128xf32>
    %slice3A_5 = vector.extract_strided_slice %get3A_4 {offsets = [0, 0], sizes = [400, 8], strides = [1, 1]} : vector<400x128xf32> to vector<400x8xf32>
    %add3A = arith.addf %slice3A, %slice3A_5 : vector<400x8xf32>
    %add3A_6 = arith.constant 1.000000e-16 : f32
    %add3A_7 = vector.broadcast %add3A_6 : f32 to vector<400x8xf32>
    %add3A_8 = arith.addf %add3A, %add3A_7 : vector<400x8xf32>
    %div3A = arith.constant 1.000000e+00 : f32
    %div3A_9 = vector.broadcast %div3A : f32 to vector<400x8xf32>
    %div3A_10 = arith.divf %div3A_9, %add3A_8 : vector<400x8xf32>
    %get3A_11 = arith.constant 0 : index
    %get3A_12 = arith.constant 0 : index
    %get3A_13 = vector.load %arg3[%get3A_11, %get3A_12] : memref<400x128xf32, #tpu.memory_space<vmem>>, vector<400x128xf32>
    %slice3A_14 = vector.extract_strided_slice %get3A_13 {offsets = [0, 0], sizes = [400, 8], strides = [1, 1]} : vector<400x128xf32> to vector<400x8xf32>
    %broadcast_in_dim3A = arith.constant 0.000000e+00 : f32
    %broadcast_in_dim3A_15 = vector.broadcast %broadcast_in_dim3A : f32 to vector<400x112xf32>
    %concatenate3A = tpu.concatenate %slice3A_14, %div3A_10, %broadcast_in_dim3A_15 in 1 : vector<400x8xf32>, vector<400x8xf32>, vector<400x112xf32> -> vector<400x128xf32>
    %swap3A = arith.constant 0 : index
    %swap3A_16 = arith.constant 0 : index
    %swap3A_17 = vector.load %arg4[%swap3A, %swap3A_16] : memref<400x128xf32, #tpu.memory_space<vmem>>, vector<400x128xf32>
    tpu.vector_store %arg4[%swap3A, %swap3A_16], %concatenate3A {strides = array<i32>} : memref<400x128xf32, #tpu.memory_space<vmem>>, vector<400x128xf32>,
    return
  }
  func.func @transform_0(%arg0: i32) -> (i32, i32) {
    %c0_i32 = arith.constant 0 : i32
    %c0_i32_0 = arith.constant 0 : i32
    return %arg0, %c0_i32 : i32, i32
  }
  func.func @transform_1(%arg0: i32) -> (i32, i32) {
    %c0_i32 = arith.constant 0 : i32
    %c0_i32_0 = arith.constant 0 : i32
    return %arg0, %c0_i32 : i32, i32
  }
  func.func @transform_2(%arg0: i32) -> (i32, i32) {
    %c0_i32 = arith.constant 0 : i32
    %c0_i32_0 = arith.constant 0 : i32
    return %arg0, %c0_i32 : i32, i32
  }
  func.func @transform_3(%arg0: i32) -> (i32, i32) {
    %c0_i32 = arith.constant 0 : i32
    %c0_i32_0 = arith.constant 0 : i32
    return %arg0, %c0_i32 : i32, i32
  }
}

module attributes {stable_mosaic.version = 14 : i64} {
  func.func @_tc_mid_body(%arg0: i32, %arg1: memref<400x128xf32, #tpu.memory_space<vmem>>, %arg2: memref<400x128xf32, #tpu.memory_space<vmem>>, %arg3: memref<1x128xf32, #tpu.memory_space<vmem>>, %arg4: memref<128x128xf32, #tpu.memory_space<vmem>>, %arg5: memref<128x128xf32, #tpu.memory_space<vmem>>, %arg6: memref<128x128xf32, #tpu.memory_space<vmem>>, %arg7: memref<400x128xf32, #tpu.memory_space<vmem>>, %arg8: memref<400x128xf32, #tpu.memory_space<vmem>>, %arg9: memref<400x128xf32, #tpu.memory_space<vmem>>, %arg10: memref<400x128xf32, #tpu.memory_space<vmem>>, %arg11: memref<1x128xf32, #tpu.memory_space<vmem>>, %arg12: memref<1x128xf32, #tpu.memory_space<vmem>>) attributes {dimension_semantics = [#tpu.dimension_semantics<arbitrary>], iteration_bounds = array<i64: 25>, scalar_prefetch = 0 : i64, scratch_operands = 0 : i64, tpu.core_type = #tpu.core_type<tc>, window_params = [{transform_indices = @transform_0, window_bounds = array<i64: 400, 128>}, {transform_indices = @transform_1, window_bounds = array<i64: 400, 128>}, {pipeline_mode = #tpu.pipeline_mode<synchronous>, transform_indices = @transform_2, window_bounds = array<i64: 1, 128>}, {pipeline_mode = #tpu.pipeline_mode<synchronous>, transform_indices = @transform_3, window_bounds = array<i64: 128, 128>}, {pipeline_mode = #tpu.pipeline_mode<synchronous>, transform_indices = @transform_4, window_bounds = array<i64: 128, 128>}, {pipeline_mode = #tpu.pipeline_mode<synchronous>, transform_indices = @transform_5, window_bounds = array<i64: 128, 128>}, {transform_indices = @transform_6, window_bounds = array<i64: 400, 128>}, {transform_indices = @transform_7, window_bounds = array<i64: 400, 128>}, {transform_indices = @transform_8, window_bounds = array<i64: 400, 128>}, {transform_indices = @transform_9, window_bounds = array<i64: 400, 128>}, {pipeline_mode = #tpu.pipeline_mode<synchronous>, transform_indices = @transform_10, window_bounds = array<i64: 1, 128>}, {pipeline_mode = #tpu.pipeline_mode<synchronous>, transform_indices = @transform_11, window_bounds = array<i64: 1, 128>}]} {
    %get3A = arith.constant 0 : index
    %get3A_0 = arith.constant 0 : index
    %get3A_1 = vector.load %arg1[%get3A, %get3A_0] : memref<400x128xf32, #tpu.memory_space<vmem>>, vector<400x128xf32>
    %get3A_2 = arith.constant 0 : index
    %get3A_3 = arith.constant 0 : index
    %get3A_4 = vector.load %arg2[%get3A_2, %get3A_3] : memref<400x128xf32, #tpu.memory_space<vmem>>, vector<400x128xf32>
    %add3A = arith.addf %get3A_1, %get3A_4 : vector<400x128xf32>
    %get3A_5 = arith.constant 0 : index
    %get3A_6 = arith.constant 0 : index
    %get3A_7 = vector.load %arg3[%get3A_5, %get3A_6] : memref<1x128xf32, #tpu.memory_space<vmem>>, vector<1x128xf32>
    %add3A_8 = vector.broadcast %get3A_7 : vector<1x128xf32> to vector<400x128xf32>
    %add3A_9 = arith.addf %add3A, %add3A_8 : vector<400x128xf32>
    %max3A = arith.constant 0.000000e+00 : f32
    %max3A_10 = vector.broadcast %max3A : f32 to vector<400x128xf32>
    %max3A_11 = arith.maximumf %add3A_9, %max3A_10 : vector<400x128xf32>
    %swap3A = arith.constant 0 : index
    %swap3A_12 = arith.constant 0 : index
    %swap3A_13 = vector.load %arg7[%swap3A, %swap3A_12] : memref<400x128xf32, #tpu.memory_space<vmem>>, vector<400x128xf32>
    tpu.vector_store %arg7[%swap3A, %swap3A_12], %max3A_11 {strides = array<i32>} : memref<400x128xf32, #tpu.memory_space<vmem>>, vector<400x128xf32>,
    %get3A_14 = arith.constant 0 : index
    %get3A_15 = arith.constant 0 : index
    %get3A_16 = vector.load %arg4[%get3A_14, %get3A_15] : memref<128x128xf32, #tpu.memory_space<vmem>>, vector<128x128xf32>
    %dot_general3A = arith.constant dense<0.000000e+00> : vector<400x128xf32>
    %dot_general3A_17 = tpu.matmul %max3A_11, %get3A_16, %dot_general3A {dimension_numbers = #tpu.dot_dimension_numbers<[1], [0], [0], [1], [0, 0, 1, 1], [], []>, transpose_lhs_hint = false} : vector<400x128xf32>, vector<128x128xf32>, vector<400x128xf32> -> vector<400x128xf32>
    %swap3A_18 = arith.constant 0 : index
    %swap3A_19 = arith.constant 0 : index
    %swap3A_20 = vector.load %arg8[%swap3A_18, %swap3A_19] : memref<400x128xf32, #tpu.memory_space<vmem>>, vector<400x128xf32>
    tpu.vector_store %arg8[%swap3A_18, %swap3A_19], %dot_general3A_17 {strides = array<i32>} : memref<400x128xf32, #tpu.memory_space<vmem>>, vector<400x128xf32>,
    %get3A_21 = arith.constant 0 : index
    %get3A_22 = arith.constant 0 : index
    %get3A_23 = vector.load %arg5[%get3A_21, %get3A_22] : memref<128x128xf32, #tpu.memory_space<vmem>>, vector<128x128xf32>
    %dot_general3A_24 = arith.constant dense<0.000000e+00> : vector<400x128xf32>
    %dot_general3A_25 = tpu.matmul %dot_general3A_17, %get3A_23, %dot_general3A_24 {dimension_numbers = #tpu.dot_dimension_numbers<[1], [0], [0], [1], [0, 0, 1, 1], [], []>, precision = #tpu.contract_precision<fp32>, transpose_lhs_hint = false} : vector<400x128xf32>, vector<128x128xf32>, vector<400x128xf32> -> vector<400x128xf32>
    %get3A_26 = arith.constant 0 : index
    %get3A_27 = arith.constant 0 : index
    %get3A_28 = vector.load %arg6[%get3A_26, %get3A_27] : memref<128x128xf32, #tpu.memory_space<vmem>>, vector<128x128xf32>
    %dot_general3A_29 = arith.constant dense<0.000000e+00> : vector<400x128xf32>
    %dot_general3A_30 = tpu.matmul %dot_general3A_17, %get3A_28, %dot_general3A_29 {dimension_numbers = #tpu.dot_dimension_numbers<[1], [0], [0], [1], [0, 0, 1, 1], [], []>, precision = #tpu.contract_precision<fp32>, transpose_lhs_hint = false} : vector<400x128xf32>, vector<128x128xf32>, vector<400x128xf32> -> vector<400x128xf32>
    %swap3A_31 = arith.constant 0 : index
    %swap3A_32 = arith.constant 0 : index
    %swap3A_33 = vector.load %arg9[%swap3A_31, %swap3A_32] : memref<400x128xf32, #tpu.memory_space<vmem>>, vector<400x128xf32>
    tpu.vector_store %arg9[%swap3A_31, %swap3A_32], %dot_general3A_25 {strides = array<i32>} : memref<400x128xf32, #tpu.memory_space<vmem>>, vector<400x128xf32>,
    %swap3A_34 = arith.constant 0 : index
    %swap3A_35 = arith.constant 0 : index
    %swap3A_36 = vector.load %arg10[%swap3A_34, %swap3A_35] : memref<400x128xf32, #tpu.memory_space<vmem>>, vector<400x128xf32>
    tpu.vector_store %arg10[%swap3A_34, %swap3A_35], %dot_general3A_30 {strides = array<i32>} : memref<400x128xf32, #tpu.memory_space<vmem>>, vector<400x128xf32>,
    %eq3A = arith.constant 0 : i32
    %eq3A_37 = arith.cmpi eq, %arg0, %eq3A : i32
    %convert_element_type3A = arith.extui %eq3A_37 : i1 to i32
    %cond3A = arith.constant 0 : i32
    %cond3A_38 = arith.cmpi ne, %convert_element_type3A, %cond3A : i32
    scf.if %cond3A_38 {
      %broadcast_in_dim3A_57 = arith.constant -3.000000e+38 : f32
      %broadcast_in_dim3A_58 = vector.broadcast %broadcast_in_dim3A_57 : f32 to vector<1x128xf32>
      %swap3A_59 = arith.constant 0 : index
      %swap3A_60 = arith.constant 0 : index
      %swap3A_61 = vector.load %arg11[%swap3A_59, %swap3A_60] : memref<1x128xf32, #tpu.memory_space<vmem>>, vector<1x128xf32>
      tpu.vector_store %arg11[%swap3A_59, %swap3A_60], %broadcast_in_dim3A_58 {strides = array<i32>} : memref<1x128xf32, #tpu.memory_space<vmem>>, vector<1x128xf32>,
      %broadcast_in_dim3A_62 = arith.constant -3.000000e+38 : f32
      %broadcast_in_dim3A_63 = vector.broadcast %broadcast_in_dim3A_62 : f32 to vector<1x128xf32>
      %swap3A_64 = arith.constant 0 : index
      %swap3A_65 = arith.constant 0 : index
      %swap3A_66 = vector.load %arg12[%swap3A_64, %swap3A_65] : memref<1x128xf32, #tpu.memory_space<vmem>>, vector<1x128xf32>
      tpu.vector_store %arg12[%swap3A_64, %swap3A_65], %broadcast_in_dim3A_63 {strides = array<i32>} : memref<1x128xf32, #tpu.memory_space<vmem>>, vector<1x128xf32>,
    } else {
    }
    %get3A_39 = arith.constant 0 : index
    %get3A_40 = arith.constant 0 : index
    %get3A_41 = vector.load %arg11[%get3A_39, %get3A_40] : memref<1x128xf32, #tpu.memory_space<vmem>>, vector<1x128xf32>
    %reduce_max3A = arith.constant dense<0xFF800000> : vector<128xf32>
    %reduce_max3A_42 = vector.multi_reduction <maximumf>, %dot_general3A_25, %reduce_max3A [0] : vector<400x128xf32> to vector<128xf32>
    %broadcast_in_dim3A = vector.shape_cast %reduce_max3A_42 : vector<128xf32> to vector<1x128xf32>
    %max3A_43 = arith.maximumf %get3A_41, %broadcast_in_dim3A : vector<1x128xf32>
    %swap3A_44 = arith.constant 0 : index
    %swap3A_45 = arith.constant 0 : index
    %swap3A_46 = vector.load %arg11[%swap3A_44, %swap3A_45] : memref<1x128xf32, #tpu.memory_space<vmem>>, vector<1x128xf32>
    tpu.vector_store %arg11[%swap3A_44, %swap3A_45], %max3A_43 {strides = array<i32>} : memref<1x128xf32, #tpu.memory_space<vmem>>, vector<1x128xf32>,
    %get3A_47 = arith.constant 0 : index
    %get3A_48 = arith.constant 0 : index
    %get3A_49 = vector.load %arg12[%get3A_47, %get3A_48] : memref<1x128xf32, #tpu.memory_space<vmem>>, vector<1x128xf32>
    %reduce_max3A_50 = arith.constant dense<0xFF800000> : vector<128xf32>
    %reduce_max3A_51 = vector.multi_reduction <maximumf>, %dot_general3A_30, %reduce_max3A_50 [0] : vector<400x128xf32> to vector<128xf32>
    %broadcast_in_dim3A_52 = vector.shape_cast %reduce_max3A_51 : vector<128xf32> to vector<1x128xf32>
    %max3A_53 = arith.maximumf %get3A_49, %broadcast_in_dim3A_52 : vector<1x128xf32>
    %swap3A_54 = arith.constant 0 : index
    %swap3A_55 = arith.constant 0 : index
    %swap3A_56 = vector.load %arg12[%swap3A_54, %swap3A_55] : memref<1x128xf32, #tpu.memory_space<vmem>>, vector<1x128xf32>
    tpu.vector_store %arg12[%swap3A_54, %swap3A_55], %max3A_53 {strides = array<i32>} : memref<1x128xf32, #tpu.memory_space<vmem>>, vector<1x128xf32>,
    return
  }
  func.func @transform_0(%arg0: i32) -> (i32, i32) {
    %c0_i32 = arith.constant 0 : i32
    %c0_i32_0 = arith.constant 0 : i32
    return %arg0, %c0_i32 : i32, i32
  }
  func.func @transform_1(%arg0: i32) -> (i32, i32) {
    %c0_i32 = arith.constant 0 : i32
    %c0_i32_0 = arith.constant 0 : i32
    return %arg0, %c0_i32 : i32, i32
  }
  func.func @transform_2(%arg0: i32) -> (i32, i32) {
    %c0_i32 = arith.constant 0 : i32
    %c0_i32_0 = arith.constant 0 : i32
    %c0_i32_1 = arith.constant 0 : i32
    return %c0_i32, %c0_i32_0 : i32, i32
  }
  func.func @transform_3(%arg0: i32) -> (i32, i32) {
    %c0_i32 = arith.constant 0 : i32
    %c0_i32_0 = arith.constant 0 : i32
    %c0_i32_1 = arith.constant 0 : i32
    return %c0_i32, %c0_i32_0 : i32, i32
  }
  func.func @transform_4(%arg0: i32) -> (i32, i32) {
    %c0_i32 = arith.constant 0 : i32
    %c0_i32_0 = arith.constant 0 : i32
    %c0_i32_1 = arith.constant 0 : i32
    return %c0_i32, %c0_i32_0 : i32, i32
  }
  func.func @transform_5(%arg0: i32) -> (i32, i32) {
    %c0_i32 = arith.constant 0 : i32
    %c0_i32_0 = arith.constant 0 : i32
    %c0_i32_1 = arith.constant 0 : i32
    return %c0_i32, %c0_i32_0 : i32, i32
  }
  func.func @transform_6(%arg0: i32) -> (i32, i32) {
    %c0_i32 = arith.constant 0 : i32
    %c0_i32_0 = arith.constant 0 : i32
    return %arg0, %c0_i32 : i32, i32
  }
  func.func @transform_7(%arg0: i32) -> (i32, i32) {
    %c0_i32 = arith.constant 0 : i32
    %c0_i32_0 = arith.constant 0 : i32
    return %arg0, %c0_i32 : i32, i32
  }
  func.func @transform_8(%arg0: i32) -> (i32, i32) {
    %c0_i32 = arith.constant 0 : i32
    %c0_i32_0 = arith.constant 0 : i32
    return %arg0, %c0_i32 : i32, i32
  }
  func.func @transform_9(%arg0: i32) -> (i32, i32) {
    %c0_i32 = arith.constant 0 : i32
    %c0_i32_0 = arith.constant 0 : i32
    return %arg0, %c0_i32 : i32, i32
  }
  func.func @transform_10(%arg0: i32) -> (i32, i32) {
    %c0_i32 = arith.constant 0 : i32
    %c0_i32_0 = arith.constant 0 : i32
    %c0_i32_1 = arith.constant 0 : i32
    return %c0_i32, %c0_i32_0 : i32, i32
  }
  func.func @transform_11(%arg0: i32) -> (i32, i32) {
    %c0_i32 = arith.constant 0 : i32
    %c0_i32_0 = arith.constant 0 : i32
    %c0_i32_1 = arith.constant 0 : i32
    return %c0_i32, %c0_i32_0 : i32, i32
  }
}

module attributes {stable_mosaic.version = 14 : i64} {
  func.func @_tc_final_body(%arg0: i32, %arg1: memref<400x128xf32, #tpu.memory_space<vmem>>, %arg2: memref<400x128xf32, #tpu.memory_space<vmem>>, %arg3: memref<400x128xf32, #tpu.memory_space<vmem>>, %arg4: memref<400x128xf32, #tpu.memory_space<vmem>>, %arg5: memref<1x128xf32, #tpu.memory_space<vmem>>, %arg6: memref<400x128xf32, #tpu.memory_space<vmem>>) attributes {dimension_semantics = [#tpu.dimension_semantics<arbitrary>], iteration_bounds = array<i64: 25>, scalar_prefetch = 0 : i64, scratch_operands = 0 : i64, tpu.core_type = #tpu.core_type<tc>, window_params = [{transform_indices = @transform_0, window_bounds = array<i64: 400, 128>}, {transform_indices = @transform_1, window_bounds = array<i64: 400, 128>}, {transform_indices = @transform_2, window_bounds = array<i64: 400, 128>}, {transform_indices = @transform_3, window_bounds = array<i64: 400, 128>}, {pipeline_mode = #tpu.pipeline_mode<synchronous>, transform_indices = @transform_4, window_bounds = array<i64: 1, 128>}, {transform_indices = @transform_5, window_bounds = array<i64: 400, 128>}]} {
    %get3A = arith.constant 0 : index
    %get3A_0 = arith.constant 0 : index
    %get3A_1 = vector.load %arg3[%get3A, %get3A_0] : memref<400x128xf32, #tpu.memory_space<vmem>>, vector<400x128xf32>
    %get3A_2 = arith.constant 0 : index
    %get3A_3 = arith.constant 0 : index
    %get3A_4 = vector.load %arg4[%get3A_2, %get3A_3] : memref<400x128xf32, #tpu.memory_space<vmem>>, vector<400x128xf32>
    %add3A = arith.addf %get3A_1, %get3A_4 : vector<400x128xf32>
    %get3A_5 = arith.constant 0 : index
    %get3A_6 = arith.constant 0 : index
    %get3A_7 = vector.load %arg5[%get3A_5, %get3A_6] : memref<1x128xf32, #tpu.memory_space<vmem>>, vector<1x128xf32>
    %add3A_8 = vector.broadcast %get3A_7 : vector<1x128xf32> to vector<400x128xf32>
    %add3A_9 = arith.addf %add3A, %add3A_8 : vector<400x128xf32>
    %max3A = arith.constant 0.000000e+00 : f32
    %max3A_10 = vector.broadcast %max3A : f32 to vector<400x128xf32>
    %max3A_11 = arith.maximumf %add3A_9, %max3A_10 : vector<400x128xf32>
    %get3A_12 = arith.constant 0 : index
    %get3A_13 = arith.constant 0 : index
    %get3A_14 = vector.load %arg1[%get3A_12, %get3A_13] : memref<400x128xf32, #tpu.memory_space<vmem>>, vector<400x128xf32>
    %get3A_15 = arith.constant 0 : index
    %get3A_16 = arith.constant 0 : index
    %get3A_17 = vector.load %arg2[%get3A_15, %get3A_16] : memref<400x128xf32, #tpu.memory_space<vmem>>, vector<400x128xf32>
    %add3A_18 = arith.addf %get3A_14, %get3A_17 : vector<400x128xf32>
    %add3A_19 = arith.addf %add3A_18, %max3A_11 : vector<400x128xf32>
    %swap3A = arith.constant 0 : index
    %swap3A_20 = arith.constant 0 : index
    %swap3A_21 = vector.load %arg6[%swap3A, %swap3A_20] : memref<400x128xf32, #tpu.memory_space<vmem>>, vector<400x128xf32>
    tpu.vector_store %arg6[%swap3A, %swap3A_20], %add3A_19 {strides = array<i32>} : memref<400x128xf32, #tpu.memory_space<vmem>>, vector<400x128xf32>,
    return
  }
  func.func @transform_0(%arg0: i32) -> (i32, i32) {
    %c0_i32 = arith.constant 0 : i32
    %c0_i32_0 = arith.constant 0 : i32
    return %arg0, %c0_i32 : i32, i32
  }
  func.func @transform_1(%arg0: i32) -> (i32, i32) {
    %c0_i32 = arith.constant 0 : i32
    %c0_i32_0 = arith.constant 0 : i32
    return %arg0, %c0_i32 : i32, i32
  }
  func.func @transform_2(%arg0: i32) -> (i32, i32) {
    %c0_i32 = arith.constant 0 : i32
    %c0_i32_0 = arith.constant 0 : i32
    return %arg0, %c0_i32 : i32, i32
  }
  func.func @transform_3(%arg0: i32) -> (i32, i32) {
    %c0_i32 = arith.constant 0 : i32
    %c0_i32_0 = arith.constant 0 : i32
    return %arg0, %c0_i32 : i32, i32
  }
  func.func @transform_4(%arg0: i32) -> (i32, i32) {
    %c0_i32 = arith.constant 0 : i32
    %c0_i32_0 = arith.constant 0 : i32
    %c0_i32_1 = arith.constant 0 : i32
    return %c0_i32, %c0_i32_0 : i32, i32
  }
  func.func @transform_5(%arg0: i32) -> (i32, i32) {
    %c0_i32 = arith.constant 0 : i32
    %c0_i32_0 = arith.constant 0 : i32
    return %arg0, %c0_i32 : i32, i32
  }
}

</mosaic_0001>

<sc_bundles>
// kernel: kernel.11.cloned.1.call-start
scs
__scs_entry_jumppad:
0x0: {  	(pc) =	sbr.rel $0x88, $3  }
0x1: {  	(tag) =	ssettag $0x0;
	lr =	simm.s32 $0x1  }
0x2: {  	[smem:$0x3F97] =	sst lr;
	_ =	strace $0xD0000000  }
0x3: {  	_ = 	snop  }
0x4: {  	_ = 	snop  }
0x5: {  	_ = 	snop  }
0x6: {  	_ = 	snop  }
0x7: {  	_ = 	snop  }
__scs_overlays_trampoline_lowered:
0x8: {  	[smem:$0x3FA6] =	sst s0  }
0x9: {  	[smem:$0x3FA7] =	sst s1  }
0xa: {  	[smem:$0x3FA8] =	sst s2  }
0xb: {  	[smem:$0x3FA9] =	sst s3  }
0xc: {  	[smem:$0x3FAA] =	sst s4  }
0xd: {  	[smem:$0x3FAB] =	sst s5  }
0xe: {  	[smem:$0x3FAC] =	sst s6  }
0xf: {  	[smem:$0x3FAD] =	sst s7  }
0x10: {  	[smem:$0x3FAE] =	sst s8  }
0x11: {  	[smem:$0x3FAF] =	sst s9;
	s0 =	simm.s32 @!p0 $0x0  }
0x12: {  	s1 =	sld [smem:$0x3F95];
	s0 =	simm.s32 @p0 $0x1  }
0x13: {  	[smem:$0x3FB0] =	sst s0;
	s0 =	simm.s32 @!p1 $0x0  }
0x14: {  	s2 =	sld [smem:$0x3F94];
	s0 =	simm.s32 @p1 $0x1  }
0x15: {  	[smem:$0x3FB1] =	sst s0;
	s0 =	simm.s32 @!p2 $0x0  }
0x16: {  	s3 =	sld [smem:$0x3FDB];
	s0 =	simm.s32 @p2 $0x1  }
0x17: {  	s4 =	simm.s32 $0x1BF5;
	[smem:$0x3FB3] =	sst s0  }
0x18: {  	s0 =	sld [smem:$0x3F96];
	_ =	swait.ge [sflag:s4], $0x0  }
0x19: {  	s7 =	sld [smem:$0x3F97]  }
0x1a: {  	s8 =	sadd.s32 $0xFFFFE003, lr  }
0x1b: {  	s9 =	sadd.s32 $0xFFFFFEF7, lr;
	s5 =	simm.s32 $0xFFFFFFFF;
	p2 =	slt.u32 s8, $0xFFFFF086  }
0x1c: {  	p1 =	slt.u32 s9, $0xF7A;
	s5 =	simm.s32 @!p2 $0x0  }
0x1d: {  	s5 =	simm.s32 @p1 $0x1;
	p0 =	seq.s32 s7, s2  }
0x1e: {  	s7 =	smul.u32 @!p0 $0xF7A, s2;
	p2 =	seq.s32 @!p0 s5, $0x0  }
0x1f: {  	s9 =	smul.u32 $0xF7A, s1;
	s8 =	simm.s32 @!p0 $0x1BF5;
	p2 =	por !p2, p0  }
0x20: {  	[sflag:s8] =	ssyncset.s32 @!p0 $0xFFFFF086;
	s6 =	sadd.s32 @!p0 s3, s7;
	s7 =	simm.s32 @!p0 $0x108  }
0x21: {  	s3 =	sadd.s32 s3, s9;
	s6 =	sadd.s32 @!p0 $0x88, s6;
	s7 =	simm.s32 @p2 $0x1082  }
0x22: {  	[simem:s7], [sflag:s8] =	dma.local @!p0 [hbm:s6], $0xF7A  }
0x23: {  	s9 =	sor.u32 $0xD0000000, s2;
	s6 =	simm.s32 $0x108;
	_ =	swait.ge @!p0 [sflag:s8], $0x0  }
0x24: {  	s3 =	sadd.s32 $0x88, s3;
	s6 =	simm.s32 @!p1 $0x1082;
	[sflag:s4] =	ssyncset.s32 $0xFFFFF086  }
0x25: {  	[simem:s6], [sflag:s4] =	dma.local [hbm:s3], $0xF7A  }
0x26: {  	[smem:$0x3F97] =	sst s1;
	(tag) =	ssettag s2;
	_ =	strace s9  }
0x27: {  	s1 =	sld [smem:$0x3FA7]  }
0x28: {  	s2 =	sld [smem:$0x3FA8]  }
0x29: {  	s4 =	sld [smem:$0x3FAA]  }
0x2a: {  	p0 =	seq.s32 s5, $0x0;
	s5 =	sld [smem:$0x3FAB]  }
0x2b: {  	s6 =	sld [smem:$0x3FAC]  }
0x2c: {  	s7 =	sld [smem:$0x3FAD]  }
0x2d: {  	s3 =	simm.s32 $0x108;
	s8 =	sld [smem:$0x3FAE]  }
0x2e: {  	s3 =	simm.s32 @!p0 $0x1082;
	s9 =	sld [smem:$0x3FAF]  }
0x2f: {  	lr =	sadd.s32 s0, s3;
	s0 =	sld [smem:$0x3FA6]  }
0x30: {  	s3 =	sld [smem:$0x3FA9]  }
0x31: {  	[smem:$0x3FB2] =	sst s10  }
0x32: {  	s10 =	sld [smem:$0x3FB0];
	_ =	sdelay $0x3  }
0x33: {  	p0 =	seq.s32 s10, $0x1;
	s10 =	sld [smem:$0x3FB2];
	_ =	sdelay $0x3  }
0x34: {  	[smem:$0x3FB2] =	sst s10  }
0x35: {  	s10 =	sld [smem:$0x3FB1];
	_ =	sdelay $0x3  }
0x36: {  	p1 =	seq.s32 s10, $0x1;
	s10 =	sld [smem:$0x3FB2];
	_ =	sdelay $0x3  }
0x37: {  	[smem:$0x3FB2] =	sst s10  }
0x38: {  	s10 =	sld [smem:$0x3FB3]  }
0x39: {  	_ = 	snop;
	(pc) =	sbr.ind lr, $3  }
0x3a: {  	_ = 	snop  }
0x3b: {  	_ = 	snop  }
0x3c: {  	p2 =	seq.s32 s10, $0x1;
	s10 =	sld [smem:$0x3FB2]  }
0x3d: {  	_ =	shalt  }
0x3e: {  	_ =	shalt  }
0x3f: {  	_ =	shalt  }
0x40: {  	_ =	shalt  }
0x41: {  	_ =	shalt  }
0x42: {  	_ =	shalt  }
0x43: {  	_ =	shalt  }
0x44: {  	_ =	shalt  }
0x45: {  	_ =	shalt  }
0x46: {  	_ =	shalt  }
0x47: {  	_ =	shalt  }
0x48: {  	_ =	shalt  }
0x49: {  	_ =	shalt  }
0x4a: {  	_ =	shalt  }
0x4b: {  	_ =	shalt  }
0x4c: {  	_ =	shalt  }
0x4d: {  	_ =	shalt  }
0x4e: {  	_ =	shalt  }
0x4f: {  	_ =	shalt  }
0x50: {  	_ =	shalt  }
0x51: {  	_ =	shalt  }
0x52: {  	_ =	shalt  }
0x53: {  	_ =	shalt  }
0x54: {  	_ =	shalt  }
0x55: {  	_ =	shalt  }
0x56: {  	_ =	shalt  }
0x57: {  	_ =	shalt  }
0x58: {  	_ =	shalt  }
0x59: {  	_ =	shalt  }
0x5a: {  	_ =	shalt  }
0x5b: {  	_ =	shalt  }
0x5c: {  	_ =	shalt  }
0x5d: {  	_ =	shalt  }
0x5e: {  	_ =	shalt  }
0x5f: {  	_ =	shalt  }
0x60: {  	_ =	shalt  }
0x61: {  	_ =	shalt  }
0x62: {  	_ =	shalt  }
0x63: {  	_ =	shalt  }
0x64: {  	_ =	shalt  }
0x65: {  	_ =	shalt  }
0x66: {  	_ =	shalt  }
0x67: {  	_ =	shalt  }
0x68: {  	_ =	shalt  }
0x69: {  	_ =	shalt  }
0x6a: {  	_ =	shalt  }
0x6b: {  	_ =	shalt  }
0x6c: {  	_ =	shalt  }
0x6d: {  	_ =	shalt  }
0x6e: {  	_ =	shalt  }
0x6f: {  	_ =	shalt  }
0x70: {  	_ =	shalt  }
0x71: {  	_ =	shalt  }
0x72: {  	_ =	shalt  }
0x73: {  	_ =	shalt  }
0x74: {  	_ =	shalt  }
0x75: {  	_ =	shalt  }
0x76: {  	_ =	shalt  }
0x77: {  	_ =	shalt  }
0x78: {  	_ =	shalt  }
0x79: {  	_ =	shalt  }
0x7a: {  	_ =	shalt  }
0x7b: {  	_ =	shalt  }
0x7c: {  	_ =	shalt  }
0x7d: {  	_ =	shalt  }
0x7e: {  	_ =	shalt  }
0x7f: {  	_ =	shalt  }
0x80: {  	_ =	shalt  }
0x81: {  	_ =	shalt  }
0x82: {  	_ =	shalt  }
0x83: {  	_ =	shalt  }
0x84: {  	_ =	shalt  }
0x85: {  	_ =	shalt  }
0x86: {  	_ =	shalt  }
0x87: {  	_ =	shalt  }
.Lfunc_end0:
.L_simem_size_0:
called_computation_lowered:
.L_overlay_start_0:
0x88: {  	s2 =	sld [smem:$0x3FD9]  }
0x89: {  	s3 =	sld [smem:$0x3FFE];
	_ =	sdelay $0x1  }
0x8a: {  	s1 =	srdreg.scid  }
0x8b: {  	s0 =	sand.u32 $0x1, s1  }
0x8c: {  	s17 =	sshll.u32 s0, $0xA;
	s2 =	sadd.s32 s3, s2  }
0x8d: {  	s2 =	sadd.s32 s2, s17  }
0x8e: {  	[smem:$0x3FBE] =	sst s2  }
0x8f: {  	_ = 	snop  }
0x90: {  	s2 =	sld [smem:$0x3FD0];
	(tm) =	ssettm $0x1  }
0x91: {  	s18 =	sld [smem:$0x3FFB];
	_ =	sdelay $0x3  }
0x92: {  	_ =	strace s18  }
0x93: {  	s3 =	sld [smem:$0x3FFC];
	_ =	sdelay $0x3  }
0x94: {  	_ =	strace s3  }
0x95: {  	s3 =	sld [smem:$0x3FFD];
	_ =	sdelay $0x3  }
0x96: {  	_ =	strace s3  }
0x97: {  	_ =	strace $0x8FFFFFFF  }
0x98: {  	s19 =	sld [smem:$0x3FDB];
	_ =	sdelay $0x1  }
0x99: {  	s4 =	simm.s32 $_scs_section_size  }
0x9a: {  	s5 =	simm.s32 $_size__tile_overlayer_lowered;
	s6 =	simm.s32 $_tile_overlayer_lowered  }
0x9b: {  	s22 =	simm.s32 $0x1BFF;
	s21 =	sshll.u32 s6, $0x1;
	s3 =	sadd.s32 s4, s19  }
0x9c: {  	s7 =	simm.s32 $0x0;
	s20 =	sshll.u32 s5, $0x1;
	s5 =	sadd.s32 s21, s3  }
0x9d: {  	[timem:s7], [sflag:s22] =	dma.local [hbm:s5], s20  }
0x9e: {  	_ =	swait.ge [sflag:s22], s20  }
0x9f: {  	s4 =	ssub.s32 $0x0, s20;
	[sflag:s22] =	ssyncset.done $0x0  }
0xa0: {  	[sflag:s22] =	ssyncadd.s32 s4;
	_ =	sdelay $0x1  }
0xa1: {  	s23 =	simm.s32 $0x1B8B  }
0xa2: {  	_ =	swait.ge [sflag:s23], $0x1  }
0xa3: {  	[sflag:s23] =	ssyncset.done $0x0  }
0xa4: {  	s25 =	simm.s32 $0x1B8E;
	s24 =	sld [smem:$0x3FFE];
	[sflag:s23] =	ssyncadd.s32 $0xFFFFFFFF  }
0xa5: {  	s26 =	simm.s32 $execute0_lowered;
	[smem:$0x3FD2] =	sst s25  }
0xa6: {  	s5 =	sshll.u32 s26, $0x1;
	_ =	strace $0x80000046;
	[dreg:$0x1] =	wrdreg $0xFFFFFFFF  }
0xa7: {  	s28 =	simm.s32 $_size_execute0_lowered;
	s3 =	sadd.s32 s3, s5;
	[dreg:$0x0] =	wrdreg $0x0  }
0xa8: {  	s5 =	sshll.u32 s28, $0x1;
	[dreg:$0x2] =	wrdreg s3  }
0xa9: {  	[dreg:$0x3] =	wrdreg s5  }
0xaa: {  	[dreg:$0x4] =	wrdreg $0xC0  }
0xab: {  	_ =	task [dreg:s7], $0x5FFFF  }
0xac: {  	[dreg:$0x1] =	wrdreg $0xFFFFFFFF  }
0xad: {  	[dreg:$0x0] =	wrdreg $0x60  }
0xae: {  	[dreg:$0x2] =	wrdreg s24  }
0xaf: {  	[dreg:$0x3] =	wrdreg s2  }
0xb0: {  	[dreg:$0x4] =	wrdreg $0x0  }
0xb1: {  	[dreg:$0x5] =	wrdreg $0x9  }
0xb2: {  	_ =	task.clear_ibuf [dreg:s7], $0x6FFFF;
	_ =	strace $0x90000046  }
0xb3: {  	s29 =	simm.s32 $0x9;
	_ =	strace $0x80000048  }
0xb4: {  	_ =	swait.ge [sflag:s29], $0x1  }
0xb5: {  	[sflag:s29] =	ssyncadd.s32 $0xFFFFFFFF  }
0xb6: {  	_ =	strace $0x90000048  }
0xb7: {  	_ =	sfence  }
0xb8: {  	s30 =	sld [smem:$0x0];
	_ =	sdelay $0x2  }
0xb9: {  	s31 =	sshll.u32 s1, $0xD;
	s1 =	sshrl.u32 s1, $0x2  }
0xba: {  	s3 =	sand.u32 $0x4000, s31;
	s1 =	sadd.s32 s1, s30  }
0xbb: {  	s0 =	sor.u32 s3, s0;
	s1 =	sshll.u32 s1, $0x11  }
0xbc: {  	s0 =	sor.u32 s1, s0  }
0xbd: {  	s0 =	sadd.s32 $0x8F2B, s0  }
0xbe: {  	[sflag:s0] =	ssyncadd.remote.s32 $0x1  }
0xbf: {  	_ =	sfence.sel $0xFFFF  }
0xc0: {  	[dreg:$0x0] =	wrdreg $0xFFFFFFFF;
	(pc) =	sbr.abs _section_cstart, $3  }
0xc1: {  	[dreg:$0x1] =	wrdreg $0xFFFFFFFF  }
0xc2: {  	_ =	task.clear_ibuf [dreg:s7], $0x2FFFF;
	_ =	strace $0x9FFFFFFF  }
0xc3: {  	(tm) =	ssettm $0x7FFFFFFF  }
tec
execute0_lowered:
.L_overlay_start_1:
0x0: {  	(tag) =	ssettag $0x1  }
0x1: {  	s0 =	rddreg [dreg:$0x0]  }
0x2: {  	s1 =	rddreg [dreg:$0x1]  }
0x3: {  	s2 =	rddreg [dreg:$0x2];
	s3 =	simm.s32 $0x0;
	s4 =	srdreg.scid  }
0x4: {  	s19 =	simm.s32 $0x18980;
	s20 =	simm.s32 $0x1;
	s22 =	simm.s32 $0x13880  }
0x5: {  	s23 =	simm.s32 $0x13900;
	s24 =	simm.s32 $0x50;
	s28 =	simm.s32 $0x0  }
0x6: {  	[smem:$0x7FF] =	sst s3;
	s5 =	sadd.s32 $0xE800, s0;
	s6 =	sadd.s32 $0x4A00, s0  }
0x7: {  	s7 =	sadd.s32 $0x18600, s0;
	s3 =	stileid.u32;
	s4 =	sand.u32 $0x1, s4  }
0x8: {  	s8 =	sadd.s32 $0x66A00, s0;
	s9 =	sadd.s32 $0x66C00, s0;
	s11 =	smul.u32 $0x4E000, s3  }
0x9: {  	s14 =	sadd.s32 $0x8DE00, s0;
	s17 =	sadd.s32 $0x124800, s2;
	s13 =	smul.u32 $0x2700, s3  }
0xa: {  	_ =	strace $0x80000047;
	s10 =	ssub.s32 $0x2, s4;
	s16 =	smul.u32 $0x138800, s4  }
0xb: {  	s4 =	sshll.u32 s4, $0x4;
	s26 =	smul.u32 $0x13800, s3;
	s12 =	sshrl.u32 s10, $0x1  }
0xc: {  	p0 =	seq.s32 s3, $0xF;
	s4 =	sor.u32 s3, s4;
	s15 =	ssub.s32 s10, s12  }
0xd: {  	s25 =	sshrl.u32 s11, $0x2;
	s10 =	sadd.s32 s9, s13;
	s11 =	sadd.s32 $0x8B500, s0  }
0xe: {  	s29 =	sadd.s32 s26, s16;
	s12 =	smul.u32 $0x2710, s4;
	s30 =	sshrl.u32 s16, $0x3  }
0xf: {  	s16 =	sshrl.u32 @p0 s17, $0x3;
	s26 =	simm.s32 $0x16180;
	s18 =	sadd.s32 s25, s2  }
0x10: {  	s0 =	sshrl.u32 s29, $0x3;
	s31 =	sadd.s32 s14, s30;
	s15 =	smax.u32 s15, $0x1  }
0x11: {  	s25 =	simm.s32 $0x13980;
	s13 =	sadd.s32 s14, s0;
	s0 =	sshll.u32 @!p0 s3, $0x6  }
0x12: {  	s14 =	sadd.s32 $0x24900, s31;
	s18 =	sshrl.u32 @!p0 s18, $0x3;
	s17 =	sor.u32 @!p0 $0x1C01, s0  }
.LBB2_1:
0x13: {  	s0 =	simm.s32 @p0 $0x1FC1  }
0x14: {  	[spmem:s16], [sflag:s0] =	dma.local @p0 [hbm:s11], $0x2800  }
0x15: {  	s0 =	simm.s32 @p0 $0x1  }
0x16: {  	_ =	swait.ge @p0 [sflag:s0], $0x2800  }
0x17: {  	[sflag:s0] =	ssyncset.done @p0 $0x0  }
0x18: {  	[sflag:s0] =	ssyncadd.s32 @p0 $0xFFFFD800;
	s0 =	simm.s32 @!p0 $0x1  }
0x19: {  	[spmem:s18], [sflag:s17] =	dma.local @!p0 [hbm:s10], $0x2700  }
0x1a: {  	_ =	swait.ge @!p0 [sflag:s0], $0x2700  }
0x1b: {  	[sflag:s0] =	ssyncset.done @!p0 $0x0  }
0x1c: {  	s31 =	simm.s32 $0x0;
	[sflag:s0] =	ssyncadd.s32 @!p0 $0xFFFFD900  }
0x1d: {  	[tilespmem:s19], [sflag:$0x1] =	stream.linear.gather [hbm4b:s9+s31], $0x2800, $0x38;
	[tilespmem:$0x1B200] =	vst v63  }
0x1e: {  	_ =	swait.ge [sflag:s20], $0x2800  }
0x1f: {  	[sflag:s20] =	ssyncset.done $0x0  }
0x20: {  	s3 =	simm.s32 $0x1B180;
	[sflag:s20] =	ssyncadd.s32 $0xFFFFD800  }
0x21: {  	[tilespmem:s3], [sflag:$0x1] =	stream.linear.gather [hbm4b:s8+s31], $0x80, $0x38;
	[tilespmem:$0x1B200] =	vst v63  }
0x22: {  	_ =	swait.ge [sflag:s20], $0x80  }
0x23: {  	[sflag:s20] =	ssyncset.done $0x0  }
0x24: {  	[sflag:s20] =	ssyncadd.s32 $0xFFFFFF80  }
0x25: {  	[bflag:$0x0] =	sbarrier.arrive $0xFFFF  }
0x26: {  	v0 =	vld [tilespmem:$0x1B180];
	_ =	sdelay $0x3  }
0x27: {  	s29 =	simm.s32 $0x0  }
.LBB2_2:
0x28: {  	s0 =	smul.u32 $0x50, s29;
	_ =	sdelay $0x1  }
0x29: {  	s0 =	sadd.s32 s12, s0  }
0x2a: {  	s0 =	sshrl.u32 s0, $0x3  }
0x2b: {  	s21 =	simm.s32 $0x0;
	s4 =	sadd.s32 s5, s0  }
0x2c: {  	[tilespmem:s22], [sflag:$0x1] =	stream.linear.gather [hbm4b:s4+s21], $0x50, $0x38;
	[tilespmem:$0x1B200] =	vst v63  }
0x2d: {  	_ =	swait.ge [sflag:s20], $0x50  }
0x2e: {  	[sflag:s20] =	ssyncset.done $0x0  }
0x2f: {  	s0 =	sadd.s32 s6, s0;
	[sflag:s20] =	ssyncadd.s32 $0xFFFFFFB0  }
0x30: {  	[tilespmem:s23], [sflag:$0x1] =	stream.linear.gather [hbm4b:s0+s21], $0x50, $0x38;
	[tilespmem:$0x1B200] =	vst v63  }
0x31: {  	_ =	swait.ge [sflag:s20], $0x50  }
0x32: {  	[sflag:s20] =	ssyncset.done $0x0  }
0x33: {  	[sflag:s20] =	ssyncadd.s32 $0xFFFFFFB0  }
0x34: {  	[tilespmem:s25], [sflag:$0x1] =	stream.indirect.gather [hbm4b:s1+s24], $0x80, s22, s24, $0xb8;
	[tilespmem:$0x1B200] =	vst v63  }
0x35: {  	_ =	swait.ge [sflag:s20], $0x2800  }
0x36: {  	[sflag:s20] =	ssyncset.done $0x0  }
0x37: {  	[sflag:s20] =	ssyncadd.s32 $0xFFFFD800  }
0x38: {  	[tilespmem:s26], [sflag:$0x1] =	stream.indirect.gather [hbm4b:s7+s24], $0x80, s23, s24, $0xb8;
	[tilespmem:$0x1B200] =	vst v63  }
0x39: {  	_ =	swait.ge [sflag:s20], $0x2800  }
0x3a: {  	[sflag:s20] =	ssyncset.done $0x0  }
0x3b: {  	s30 =	simm.s32 $0x0;
	[sflag:s20] =	ssyncadd.s32 $0xFFFFD800  }
0x3c: {  	v1 =	vld [tilespmem:s30+$0x13980]  }
0x3d: {  	v2 =	vld [tilespmem:s30+$0x16180];
	_ =	sdelay $0x1  }
0x3e: {  	s31 =	simm.s32 $0x80  }
0x3f: {  	v3 =	vld [tilespmem:s31+$0x13980]  }
0x40: {  	v4 =	vld [tilespmem:s31+$0x16180]  }
0x41: {  	v1 =	vadd.f32 v2, v1;
	_ =	sdelay $0x1  }
0x42: {  	v5 =	vmul.f32 $2.000000030e-01, v1  }
0x43: {  	vm0 =	vgt.f32 v1, $0.0e+00  }
0x44: {  	v3 =	vadd.f32 v4, v3;
	v1 =	vsel vm0, v1, v5  }
0x45: {  	s0 =	simm.s32 $0x100;
	v1 =	vsub.f32 v1, v0  }
0x46: {  	v2 =	vld [tilespmem:s0+$0x13980];
	v6 =	vmul.f32 $2.000000030e-01, v3  }
0x47: {  	v4 =	vld [tilespmem:s0+$0x16180];
	vm14 =	vgt.f32 v3, $0.0e+00;
	v1 =	vmul.f32 $1.442695020e+00, v1  }
0x48: {  	v3 =	vsel vm14, v3, v6  }
0x49: {  	v3 =	vsub.f32 v3, v0;
	(erf) = vpow2.f32 v1;
	_ =	sdelay $0x1  }
0x4a: {  	s4 =	simm.s32 $0x180;
	v3 =	vmul.f32 $1.442695020e+00, v3  }
0x4b: {  	v4 =	vadd.f32 v4, v2;
	v2 =	vld [tilespmem:s4+$0x16180]  }
0x4c: {  	v1 =	vld [tilespmem:s4+$0x13980];
	(erf) = vpow2.f32 v3  }
0x4d: {  	v5 =	vmul.f32 $2.000000030e-01, v4  }
0x4e: {  	vm15 =	vgt.f32 v4, $0.0e+00  }
0x4f: {  	s21 =	simm.s32 $0x800;
	v3 =	vsel vm15, v4, v5  }
.LBB2_3:
0x50: {  	s3 =	sshra.s32 s21, $0x2;
	v3 =	vsub.f32 v3, v0;
	p1 =	sne.s32 s21, $0x9E00  }
.Ltmp0:
0x51: {  	s21 =	sadd.s32 $0x200, s21;
	v4 =	vadd.f32 v2, v1;
	v1 =	vld [tilespmem:s3+$0x13980];
	v5 =	vpop (erf);
	(pc) =	sbr.rel @p1 .LBB2_3-.Ltmp0, $4  }
0x52: {  	v2 =	vld [tilespmem:s3+$0x16180];
	v3 =	vmul.f32 $1.442695020e+00, v3;
	[tilespmem:s30+$0x18980] =	vst v5;
	s30 =	smov.u32 s31;
	s31 =	smov.u32 s0;
	s0 =	smov.u32 s4  }
0x53: {  	s4 =	smov.u32 s3;
	v5 =	vmul.f32 $2.000000030e-01, v4  }
0x54: {  	vm0 =	vgt.f32 v4, $0.0e+00;
	(erf) = vpow2.f32 v3  }
0x55: {  	v3 =	vsel vm0, v4, v5  }
0x56: {  	_ = 	snop  }
0x57: {  	v1 =	vadd.f32 v2, v1;
	_ =	sdelay $0x1  }
0x58: {  	v2 =	vmul.f32 $2.000000030e-01, v1  }
0x59: {  	vm0 =	vgt.f32 v1, $0.0e+00  }
0x5a: {  	v3 =	vsub.f32 v3, v0;
	v1 =	vsel vm0, v1, v2  }
0x5b: {  	v1 =	vsub.f32 v1, v0  }
0x5c: {  	v2 =	vmul.f32 $1.442695020e+00, v3  }
0x5d: {  	v1 =	vmul.f32 $1.442695020e+00, v1  }
0x5e: {  	(erf) = vpow2.f32 v2  }
0x5f: {  	(erf) = vpow2.f32 v1;
	_ =	sdelay $0x5  }
0x60: {  	v1 =	vpop (erf)  }
0x61: {  	v2 =	vpop (erf);
	[tilespmem:s30+$0x18980] =	vst v1  }
0x62: {  	s29 =	sadd.s32 $0x1, s29;
	[tilespmem:s31+$0x18980] =	vst v2;
	v1 =	vpop (erf)  }
0x63: {  	p1 =	sne.s32 s29, $0x7D;
	[tilespmem:s0+$0x18980] =	vst v1;
	v1 =	vpop (erf)  }
.Ltmp1:
0x64: {  	[tilespmem:s4+$0x18980] =	vst v1;
	(pc) =	sbr.rel @p1 .LBB2_2-.Ltmp1, $4  }
0x65: {  	[spmem:s2] =	stream.indirect.scatter.add.f32 [tilespmem:s19], [sflag:$0x1], $0x80, s23, s24, $0xb8;
	[tilespmem:$0x1B200] =	vst v63  }
0x66: {  	_ =	swait.ge [sflag:s20], $0x2800  }
0x67: {  	[sflag:s20] =	ssyncset.done $0x0  }
0x68: {  	[sflag:s20] =	ssyncadd.s32 $0xFFFFD800  }
0x69: {  	[bflag:$0x0] =	sbarrier.arrive $0xFFFF;
	s0 =	simm.s32 @p0 $0x1FC1  }
0x6a: {  	[hbm:s14], [sflag:s0] =	dma.local @p0 [spmem:s16], $0x2800  }
0x6b: {  	s0 =	simm.s32 @p0 $0x1  }
0x6c: {  	s28 =	sadd.s32 $0x1, s28;
	_ =	swait.ge @p0 [sflag:s0], $0x2800  }
0x6d: {  	p1 =	sne.s32 s28, s15;
	[sflag:s0] =	ssyncset.done @p0 $0x0  }
.Ltmp2:
0x6e: {  	[sflag:s0] =	ssyncadd.s32 @p0 $0xFFFFD800;
	s0 =	simm.s32 @!p0 $0x1;
	(pc) =	sbr.rel @p1 .LBB2_1-.Ltmp2, $4  }
0x6f: {  	[hbm:s13], [sflag:s17] =	dma.local @!p0 [spmem:s18], $0x2700  }
0x70: {  	_ =	swait.ge @!p0 [sflag:s0], $0x2700  }
0x71: {  	[sflag:s0] =	ssyncset.done @!p0 $0x0  }
0x72: {  	[sflag:s0] =	ssyncadd.s32 @!p0 $0xFFFFD900  }
0x73: {  	_ =	sfence.sel $0x180000  }
0x74: {  	[bflag:$0x0] =	sbarrier.arrive $0xFFFF  }
0x75: {  	_ =	strace $0x90000047  }
0x76: {  	s0 =	stileid.u32;
	[bflag:$0x2] =	sbarrier.arrive $0xFFFF  }
0x77: {  	p0 =	sne.s32 s0, $0x0;
	s0 =	rddreg [dreg:$0x3]  }
0x78: {  	s0 =	sadd.s32 @!p0 $0x100000, s0  }
0x79: {  	[sflag:s0] =	ssyncadd.tile.s32 @!p0 $0x1;
	_ =	shalt  }
.Lfunc_end2:
_tile_overlayer_lowered:
.L_overlay_start_2:
0x7a: {  	(tag) =	ssettag $0x2  }
0x7b: {  	s0 =	rddreg [dreg:$0x0];
	s2 =	stileid.u32  }
0x7c: {  	s1 =	rddreg [dreg:$0x1];
	p0 =	sne.s32 s2, $0x0  }
0x7d: {  	s3 =	rddreg [dreg:$0x2];
	[bflag:$0x3] =	sbarrier.arrive $0xFFFF;
	s2 =	simm.s32 @!p0 $0x1C01  }
0x7e: {  	[timem:s3], [sflag:s2] =	dma.local @!p0 [hbm:s0], s1  }
0x7f: {  	s0 =	simm.s32 @!p0 $0x1  }
0x80: {  	_ =	swait.ge @!p0 [sflag:s0], s1  }
0x81: {  	s1 =	ssub.s32 @!p0 $0x0, s1;
	[sflag:s0] =	ssyncset.done @!p0 $0x0  }
0x82: {  	[sflag:s0] =	ssyncadd.s32 @!p0 s1  }
0x83: {  	[bflag:$0x3] =	sbarrier.arrive $0xFFFF  }
0x84: {  	_ =	shalt  }

// kernel: kernel.14.cloned.1.call-start
scs
__scs_entry_jumppad:
0x0: {  	(pc) =	sbr.rel $0x88, $3  }
0x1: {  	(tag) =	ssettag $0x0;
	lr =	simm.s32 $0x1  }
0x2: {  	[smem:$0x3F97] =	sst lr;
	_ =	strace $0xD0000000  }
0x3: {  	_ = 	snop  }
0x4: {  	_ = 	snop  }
0x5: {  	_ = 	snop  }
0x6: {  	_ = 	snop  }
0x7: {  	_ = 	snop  }
__scs_overlays_trampoline_lowered:
0x8: {  	[smem:$0x3FA6] =	sst s0  }
0x9: {  	[smem:$0x3FA7] =	sst s1  }
0xa: {  	[smem:$0x3FA8] =	sst s2  }
0xb: {  	[smem:$0x3FA9] =	sst s3  }
0xc: {  	[smem:$0x3FAA] =	sst s4  }
0xd: {  	[smem:$0x3FAB] =	sst s5  }
0xe: {  	[smem:$0x3FAC] =	sst s6  }
0xf: {  	[smem:$0x3FAD] =	sst s7  }
0x10: {  	[smem:$0x3FAE] =	sst s8  }
0x11: {  	[smem:$0x3FAF] =	sst s9;
	s0 =	simm.s32 @!p0 $0x0  }
0x12: {  	s1 =	sld [smem:$0x3F95];
	s0 =	simm.s32 @p0 $0x1  }
0x13: {  	[smem:$0x3FB0] =	sst s0;
	s0 =	simm.s32 @!p1 $0x0  }
0x14: {  	s2 =	sld [smem:$0x3F94];
	s0 =	simm.s32 @p1 $0x1  }
0x15: {  	[smem:$0x3FB1] =	sst s0;
	s0 =	simm.s32 @!p2 $0x0  }
0x16: {  	s3 =	sld [smem:$0x3FDB];
	s0 =	simm.s32 @p2 $0x1  }
0x17: {  	s4 =	simm.s32 $0x1BF5;
	[smem:$0x3FB3] =	sst s0  }
0x18: {  	s0 =	sld [smem:$0x3F96];
	_ =	swait.ge [sflag:s4], $0x0  }
0x19: {  	s7 =	sld [smem:$0x3F97]  }
0x1a: {  	s8 =	sadd.s32 $0xFFFFE003, lr  }
0x1b: {  	s9 =	sadd.s32 $0xFFFFFEF7, lr;
	s5 =	simm.s32 $0xFFFFFFFF;
	p2 =	slt.u32 s8, $0xFFFFF086  }
0x1c: {  	p1 =	slt.u32 s9, $0xF7A;
	s5 =	simm.s32 @!p2 $0x0  }
0x1d: {  	s5 =	simm.s32 @p1 $0x1;
	p0 =	seq.s32 s7, s2  }
0x1e: {  	s7 =	smul.u32 @!p0 $0xF7A, s2;
	p2 =	seq.s32 @!p0 s5, $0x0  }
0x1f: {  	s9 =	smul.u32 $0xF7A, s1;
	s8 =	simm.s32 @!p0 $0x1BF5;
	p2 =	por !p2, p0  }
0x20: {  	[sflag:s8] =	ssyncset.s32 @!p0 $0xFFFFF086;
	s6 =	sadd.s32 @!p0 s3, s7;
	s7 =	simm.s32 @!p0 $0x108  }
0x21: {  	s3 =	sadd.s32 s3, s9;
	s6 =	sadd.s32 @!p0 $0x88, s6;
	s7 =	simm.s32 @p2 $0x1082  }
0x22: {  	[simem:s7], [sflag:s8] =	dma.local @!p0 [hbm:s6], $0xF7A  }
0x23: {  	s9 =	sor.u32 $0xD0000000, s2;
	s6 =	simm.s32 $0x108;
	_ =	swait.ge @!p0 [sflag:s8], $0x0  }
0x24: {  	s3 =	sadd.s32 $0x88, s3;
	s6 =	simm.s32 @!p1 $0x1082;
	[sflag:s4] =	ssyncset.s32 $0xFFFFF086  }
0x25: {  	[simem:s6], [sflag:s4] =	dma.local [hbm:s3], $0xF7A  }
0x26: {  	[smem:$0x3F97] =	sst s1;
	(tag) =	ssettag s2;
	_ =	strace s9  }
0x27: {  	s1 =	sld [smem:$0x3FA7]  }
0x28: {  	s2 =	sld [smem:$0x3FA8]  }
0x29: {  	s4 =	sld [smem:$0x3FAA]  }
0x2a: {  	p0 =	seq.s32 s5, $0x0;
	s5 =	sld [smem:$0x3FAB]  }
0x2b: {  	s6 =	sld [smem:$0x3FAC]  }
0x2c: {  	s7 =	sld [smem:$0x3FAD]  }
0x2d: {  	s3 =	simm.s32 $0x108;
	s8 =	sld [smem:$0x3FAE]  }
0x2e: {  	s3 =	simm.s32 @!p0 $0x1082;
	s9 =	sld [smem:$0x3FAF]  }
0x2f: {  	lr =	sadd.s32 s0, s3;
	s0 =	sld [smem:$0x3FA6]  }
0x30: {  	s3 =	sld [smem:$0x3FA9]  }
0x31: {  	[smem:$0x3FB2] =	sst s10  }
0x32: {  	s10 =	sld [smem:$0x3FB0];
	_ =	sdelay $0x3  }
0x33: {  	p0 =	seq.s32 s10, $0x1;
	s10 =	sld [smem:$0x3FB2];
	_ =	sdelay $0x3  }
0x34: {  	[smem:$0x3FB2] =	sst s10  }
0x35: {  	s10 =	sld [smem:$0x3FB1];
	_ =	sdelay $0x3  }
0x36: {  	p1 =	seq.s32 s10, $0x1;
	s10 =	sld [smem:$0x3FB2];
	_ =	sdelay $0x3  }
0x37: {  	[smem:$0x3FB2] =	sst s10  }
0x38: {  	s10 =	sld [smem:$0x3FB3]  }
0x39: {  	_ = 	snop;
	(pc) =	sbr.ind lr, $3  }
0x3a: {  	_ = 	snop  }
0x3b: {  	_ = 	snop  }
0x3c: {  	p2 =	seq.s32 s10, $0x1;
	s10 =	sld [smem:$0x3FB2]  }
0x3d: {  	_ =	shalt  }
0x3e: {  	_ =	shalt  }
0x3f: {  	_ =	shalt  }
0x40: {  	_ =	shalt  }
0x41: {  	_ =	shalt  }
0x42: {  	_ =	shalt  }
0x43: {  	_ =	shalt  }
0x44: {  	_ =	shalt  }
0x45: {  	_ =	shalt  }
0x46: {  	_ =	shalt  }
0x47: {  	_ =	shalt  }
0x48: {  	_ =	shalt  }
0x49: {  	_ =	shalt  }
0x4a: {  	_ =	shalt  }
0x4b: {  	_ =	shalt  }
0x4c: {  	_ =	shalt  }
0x4d: {  	_ =	shalt  }
0x4e: {  	_ =	shalt  }
0x4f: {  	_ =	shalt  }
0x50: {  	_ =	shalt  }
0x51: {  	_ =	shalt  }
0x52: {  	_ =	shalt  }
0x53: {  	_ =	shalt  }
0x54: {  	_ =	shalt  }
0x55: {  	_ =	shalt  }
0x56: {  	_ =	shalt  }
0x57: {  	_ =	shalt  }
0x58: {  	_ =	shalt  }
0x59: {  	_ =	shalt  }
0x5a: {  	_ =	shalt  }
0x5b: {  	_ =	shalt  }
0x5c: {  	_ =	shalt  }
0x5d: {  	_ =	shalt  }
0x5e: {  	_ =	shalt  }
0x5f: {  	_ =	shalt  }
0x60: {  	_ =	shalt  }
0x61: {  	_ =	shalt  }
0x62: {  	_ =	shalt  }
0x63: {  	_ =	shalt  }
0x64: {  	_ =	shalt  }
0x65: {  	_ =	shalt  }
0x66: {  	_ =	shalt  }
0x67: {  	_ =	shalt  }
0x68: {  	_ =	shalt  }
0x69: {  	_ =	shalt  }
0x6a: {  	_ =	shalt  }
0x6b: {  	_ =	shalt  }
0x6c: {  	_ =	shalt  }
0x6d: {  	_ =	shalt  }
0x6e: {  	_ =	shalt  }
0x6f: {  	_ =	shalt  }
0x70: {  	_ =	shalt  }
0x71: {  	_ =	shalt  }
0x72: {  	_ =	shalt  }
0x73: {  	_ =	shalt  }
0x74: {  	_ =	shalt  }
0x75: {  	_ =	shalt  }
0x76: {  	_ =	shalt  }
0x77: {  	_ =	shalt  }
0x78: {  	_ =	shalt  }
0x79: {  	_ =	shalt  }
0x7a: {  	_ =	shalt  }
0x7b: {  	_ =	shalt  }
0x7c: {  	_ =	shalt  }
0x7d: {  	_ =	shalt  }
0x7e: {  	_ =	shalt  }
0x7f: {  	_ =	shalt  }
0x80: {  	_ =	shalt  }
0x81: {  	_ =	shalt  }
0x82: {  	_ =	shalt  }
0x83: {  	_ =	shalt  }
0x84: {  	_ =	shalt  }
0x85: {  	_ =	shalt  }
0x86: {  	_ =	shalt  }
0x87: {  	_ =	shalt  }
.Lfunc_end0:
.L_simem_size_0:
called_computation.1_lowered:
.L_overlay_start_0:
0x88: {  	s2 =	sld [smem:$0x3FD9]  }
0x89: {  	s3 =	sld [smem:$0x3FFE];
	_ =	sdelay $0x1  }
0x8a: {  	s1 =	srdreg.scid  }
0x8b: {  	s0 =	sand.u32 $0x1, s1  }
0x8c: {  	s17 =	sshll.u32 s0, $0xA;
	s2 =	sadd.s32 s3, s2  }
0x8d: {  	s2 =	sadd.s32 s2, s17  }
0x8e: {  	[smem:$0x3FBE] =	sst s2  }
0x8f: {  	_ = 	snop  }
0x90: {  	s2 =	sld [smem:$0x3FD0];
	(tm) =	ssettm $0x1  }
0x91: {  	s18 =	sld [smem:$0x3FFB];
	_ =	sdelay $0x3  }
0x92: {  	_ =	strace s18  }
0x93: {  	s3 =	sld [smem:$0x3FFC];
	_ =	sdelay $0x3  }
0x94: {  	_ =	strace s3  }
0x95: {  	s3 =	sld [smem:$0x3FFD];
	_ =	sdelay $0x3  }
0x96: {  	_ =	strace s3  }
0x97: {  	_ =	strace $0x8FFFFFFF  }
0x98: {  	s19 =	sld [smem:$0x3FDB];
	_ =	sdelay $0x1  }
0x99: {  	s4 =	simm.s32 $_scs_section_size  }
0x9a: {  	s5 =	simm.s32 $_size__tile_overlayer_lowered;
	s6 =	simm.s32 $_tile_overlayer_lowered  }
0x9b: {  	s22 =	simm.s32 $0x1BFF;
	s21 =	sshll.u32 s6, $0x1;
	s3 =	sadd.s32 s4, s19  }
0x9c: {  	s7 =	simm.s32 $0x0;
	s20 =	sshll.u32 s5, $0x1;
	s5 =	sadd.s32 s21, s3  }
0x9d: {  	[timem:s7], [sflag:s22] =	dma.local [hbm:s5], s20  }
0x9e: {  	_ =	swait.ge [sflag:s22], s20  }
0x9f: {  	s4 =	ssub.s32 $0x0, s20;
	[sflag:s22] =	ssyncset.done $0x0  }
0xa0: {  	[sflag:s22] =	ssyncadd.s32 s4;
	_ =	sdelay $0x1  }
0xa1: {  	s23 =	simm.s32 $0x1B8B  }
0xa2: {  	_ =	swait.ge [sflag:s23], $0x1  }
0xa3: {  	[sflag:s23] =	ssyncset.done $0x0  }
0xa4: {  	s25 =	simm.s32 $0x1B8E;
	s24 =	sld [smem:$0x3FFE];
	[sflag:s23] =	ssyncadd.s32 $0xFFFFFFFF  }
0xa5: {  	s26 =	simm.s32 $execute0_lowered;
	[smem:$0x3FD2] =	sst s25  }
0xa6: {  	s5 =	sshll.u32 s26, $0x1;
	_ =	strace $0x80000049;
	[dreg:$0x1] =	wrdreg $0xFFFFFFFF  }
0xa7: {  	s28 =	simm.s32 $_size_execute0_lowered;
	s3 =	sadd.s32 s3, s5;
	[dreg:$0x0] =	wrdreg $0x0  }
0xa8: {  	s5 =	sshll.u32 s28, $0x1;
	[dreg:$0x2] =	wrdreg s3  }
0xa9: {  	[dreg:$0x3] =	wrdreg s5  }
0xaa: {  	[dreg:$0x4] =	wrdreg $0xC0  }
0xab: {  	_ =	task [dreg:s7], $0x5FFFF  }
0xac: {  	[dreg:$0x1] =	wrdreg $0xFFFFFFFF  }
0xad: {  	[dreg:$0x0] =	wrdreg $0x60  }
0xae: {  	[dreg:$0x2] =	wrdreg s24  }
0xaf: {  	[dreg:$0x3] =	wrdreg s2  }
0xb0: {  	[dreg:$0x4] =	wrdreg $0x0  }
0xb1: {  	[dreg:$0x5] =	wrdreg $0x9  }
0xb2: {  	_ =	task.clear_ibuf [dreg:s7], $0x6FFFF;
	_ =	strace $0x90000049  }
0xb3: {  	s29 =	simm.s32 $0x9;
	_ =	strace $0x8000004B  }
0xb4: {  	_ =	swait.ge [sflag:s29], $0x1  }
0xb5: {  	[sflag:s29] =	ssyncadd.s32 $0xFFFFFFFF  }
0xb6: {  	_ =	strace $0x9000004B  }
0xb7: {  	_ =	sfence  }
0xb8: {  	s30 =	sld [smem:$0x0];
	_ =	sdelay $0x2  }
0xb9: {  	s31 =	sshll.u32 s1, $0xD;
	s1 =	sshrl.u32 s1, $0x2  }
0xba: {  	s3 =	sand.u32 $0x4000, s31;
	s1 =	sadd.s32 s1, s30  }
0xbb: {  	s0 =	sor.u32 s3, s0;
	s1 =	sshll.u32 s1, $0x11  }
0xbc: {  	s0 =	sor.u32 s1, s0  }
0xbd: {  	s0 =	sadd.s32 $0x8F2B, s0  }
0xbe: {  	[sflag:s0] =	ssyncadd.remote.s32 $0x1  }
0xbf: {  	_ =	sfence.sel $0xFFFF  }
0xc0: {  	[dreg:$0x0] =	wrdreg $0xFFFFFFFF;
	(pc) =	sbr.abs _section_cstart, $3  }
0xc1: {  	[dreg:$0x1] =	wrdreg $0xFFFFFFFF  }
0xc2: {  	_ =	task.clear_ibuf [dreg:s7], $0x2FFFF;
	_ =	strace $0x9FFFFFFF  }
0xc3: {  	(tm) =	ssettm $0x7FFFFFFF  }
tec
execute0_lowered:
.L_overlay_start_1:
0x0: {  	(tag) =	ssettag $0x1  }
0x1: {  	s0 =	rddreg [dreg:$0x0]  }
0x2: {  	s1 =	rddreg [dreg:$0x1]  }
0x3: {  	s2 =	rddreg [dreg:$0x2];
	s3 =	simm.s32 $0x0  }
0x4: {  	s14 =	stileid.u32;
	s23 =	srdreg.scid;
	s20 =	simm.s32 $0x1  }
0x5: {  	s21 =	simm.s32 $0x13880;
	s22 =	simm.s32 $0x13900;
	s28 =	simm.s32 $0x0  }
0x6: {  	[smem:$0x7FF] =	sst s3;
	s5 =	sadd.s32 $0xE800, s0;
	s6 =	sadd.s32 $0x4A00, s0  }
0x7: {  	s7 =	sadd.s32 $0x18600, s0;
	s4 =	smul.u32 $0x2700, s14;
	s3 =	sand.u32 $0x1, s23  }
0x8: {  	s8 =	sadd.s32 $0x66A00, s0;
	s9 =	sadd.s32 $0x3F800, s0;
	s11 =	smul.u32 $0x4E000, s14  }
0x9: {  	s13 =	sadd.s32 $0x8DE00, s0;
	s12 =	smul.u32 $0x13800, s14;
	p0 =	seq.s32 s14, $0xF  }
0xa: {  	s23 =	simm.s32 $0x50;
	_ =	strace $0x8000004A;
	[dreg:$0x4] =	wrdreg s8  }
0xb: {  	s24 =	ssub.s32 $0x2, s3;
	s25 =	smul.u32 $0x138800, s3;
	s3 =	sshll.u32 s3, $0x4  }
0xc: {  	s4 =	sadd.s32 s4, s0;
	s10 =	sshrl.u32 s24, $0x1;
	s11 =	sshrl.u32 s11, $0x2  }
0xd: {  	s3 =	sor.u32 s14, s3;
	s0 =	sadd.s32 $0x8B500, s0;
	s8 =	ssub.s32 s24, s10  }
0xe: {  	s11 =	sadd.s32 s11, s2;
	s4 =	sadd.s32 $0x66C00, s4;
	[dreg:$0x6] =	wrdreg s0  }
0xf: {  	s26 =	sadd.s32 s12, s25;
	s12 =	smul.u32 $0x2710, s3;
	s29 =	sshrl.u32 s25, $0x3  }
0x10: {  	s24 =	simm.s32 $0x18980;
	s25 =	simm.s32 $0x13980;
	[dreg:$0x5] =	wrdreg s4  }
0x11: {  	s4 =	sadd.s32 $0x124800, s2;
	s0 =	sshrl.u32 s26, $0x3;
	s31 =	smax.u32 s8, $0x1  }
0x12: {  	s30 =	sadd.s32 s13, s29;
	s0 =	sadd.s32 s13, s0;
	[dreg:$0x9] =	wrdreg s31  }
0x13: {  	s10 =	sshrl.u32 @!p0 s11, $0x3;
	[dreg:$0x7] =	wrdreg s0;
	s0 =	sadd.s32 $0x24900, s30  }
0x14: {  	s26 =	simm.s32 $0x16180;
	[dreg:$0x8] =	wrdreg s0;
	s0 =	sshll.u32 @!p0 s14, $0x6  }
0x15: {  	s4 =	sshrl.u32 @p0 s4, $0x3;
	[dreg:$0xa] =	wrdreg s10;
	s8 =	sor.u32 @!p0 $0x1C01, s0  }
.LBB2_1:
0x16: {  	s0 =	simm.s32 @p0 $0x1FC1;
	s3 =	rddreg [dreg:$0x6]  }
0x17: {  	[spmem:s4], [sflag:s0] =	dma.local @p0 [hbm:s3], $0x2800  }
0x18: {  	s0 =	simm.s32 @p0 $0x1  }
0x19: {  	_ =	swait.ge @p0 [sflag:s0], $0x2800  }
0x1a: {  	[sflag:s0] =	ssyncset.done @p0 $0x0  }
0x1b: {  	[sflag:s0] =	ssyncadd.s32 @p0 $0xFFFFD800;
	s0 =	rddreg [dreg:$0x5]  }
0x1c: {  	[spmem:s10], [sflag:s8] =	dma.local @!p0 [hbm:s0], $0x2700  }
0x1d: {  	s0 =	simm.s32 @!p0 $0x1  }
0x1e: {  	_ =	swait.ge @!p0 [sflag:s0], $0x2700  }
0x1f: {  	s19 =	simm.s32 $0x0;
	[sflag:s0] =	ssyncset.done @!p0 $0x0  }
0x20: {  	s31 =	simm.s32 $0x1B180;
	s30 =	rddreg [dreg:$0x4];
	[sflag:s0] =	ssyncadd.s32 @!p0 $0xFFFFD900  }
0x21: {  	[tilespmem:s31], [sflag:$0x1] =	stream.linear.gather [hbm4b:s30+s19], $0x80, $0x38;
	[tilespmem:$0x1B200] =	vst v63  }
0x22: {  	_ =	swait.ge [sflag:s20], $0x80  }
0x23: {  	[sflag:s20] =	ssyncset.done $0x0  }
0x24: {  	[sflag:s20] =	ssyncadd.s32 $0xFFFFFF80  }
0x25: {  	[bflag:$0x0] =	sbarrier.arrive $0xFFFF  }
0x26: {  	v0 =	vld [tilespmem:$0x1B180]  }
0x27: {  	s17 =	smov.u32 s4;
	s18 =	smov.u32 s8;
	s29 =	simm.s32 $0x0  }
.LBB2_2:
0x28: {  	s0 =	smul.u32 $0x50, s29;
	_ =	sdelay $0x1  }
0x29: {  	s0 =	sadd.s32 s12, s0  }
0x2a: {  	s0 =	sshrl.u32 s0, $0x3  }
0x2b: {  	s4 =	simm.s32 $0x0;
	s3 =	sadd.s32 s5, s0  }
0x2c: {  	[tilespmem:s21], [sflag:$0x1] =	stream.linear.gather [hbm4b:s3+s4], $0x50, $0x38;
	[tilespmem:$0x1B200] =	vst v63  }
0x2d: {  	_ =	swait.ge [sflag:s20], $0x50  }
0x2e: {  	[sflag:s20] =	ssyncset.done $0x0  }
0x2f: {  	s0 =	sadd.s32 s6, s0;
	[sflag:s20] =	ssyncadd.s32 $0xFFFFFFB0  }
0x30: {  	[tilespmem:s22], [sflag:$0x1] =	stream.linear.gather [hbm4b:s0+s4], $0x50, $0x38;
	[tilespmem:$0x1B200] =	vst v63  }
0x31: {  	_ =	swait.ge [sflag:s20], $0x50  }
0x32: {  	[sflag:s20] =	ssyncset.done $0x0  }
0x33: {  	[sflag:s20] =	ssyncadd.s32 $0xFFFFFFB0  }
0x34: {  	[tilespmem:s24], [sflag:$0x1] =	stream.indirect.gather [hbm4b:s9+s23], $0x80, s21, s23, $0xb8;
	[tilespmem:$0x1B200] =	vst v63  }
0x35: {  	_ =	swait.ge [sflag:s20], $0x2800  }
0x36: {  	[sflag:s20] =	ssyncset.done $0x0  }
0x37: {  	[sflag:s20] =	ssyncadd.s32 $0xFFFFD800  }
0x38: {  	[tilespmem:s25], [sflag:$0x1] =	stream.indirect.gather [hbm4b:s1+s23], $0x80, s21, s23, $0xb8;
	[tilespmem:$0x1B200] =	vst v63  }
0x39: {  	_ =	swait.ge [sflag:s20], $0x2800  }
0x3a: {  	[sflag:s20] =	ssyncset.done $0x0  }
0x3b: {  	[sflag:s20] =	ssyncadd.s32 $0xFFFFD800  }
0x3c: {  	[tilespmem:s26], [sflag:$0x1] =	stream.indirect.gather [hbm4b:s7+s23], $0x80, s22, s23, $0xb8;
	[tilespmem:$0x1B200] =	vst v63  }
0x3d: {  	_ =	swait.ge [sflag:s20], $0x2800  }
0x3e: {  	[sflag:s20] =	ssyncset.done $0x0  }
0x3f: {  	s0 =	simm.s32 $0x0;
	[sflag:s20] =	ssyncadd.s32 $0xFFFFD800  }
0x40: {  	v1 =	vld [tilespmem:s0+$0x16180]  }
0x41: {  	v2 =	vld [tilespmem:s0+$0x13980];
	_ =	sdelay $0x4  }
0x42: {  	v2 =	vadd.f32 v2, v1;
	_ =	sdelay $0x1  }
0x43: {  	v3 =	vmul.f32 $2.000000030e-01, v2  }
0x44: {  	vm0 =	vgt.f32 v2, $0.0e+00  }
0x45: {  	v2 =	vsel vm0, v2, v3  }
0x46: {  	v2 =	vsub.f32 v2, v0;
	_ =	sdelay $0x1  }
0x47: {  	v2 =	vmul.f32 $1.442695020e+00, v2;
	_ =	sdelay $0x1  }
0x48: {  	(v2sf) =	vpush v1, $0x8;
	(erf) = vpow2.f32 v2  }
0x49: {  	(v2sf) =	vpush v1, $0x9  }
0x4a: {  	(v2sf) =	vpush v1, $0xA  }
0x4b: {  	(v2sf) =	vpush v1, $0xB  }
0x4c: {  	(v2sf) =	vpush v1, $0xC  }
0x4d: {  	(v2sf) =	vpush v1, $0xD  }
0x4e: {  	s31 =	simm.s32 $0x80;
	(v2sf) =	vpush v1, $0xE  }
0x4f: {  	(v2sf) =	vpush v1, $0xF;
	v1 =	vld [tilespmem:s31+$0x13980]  }
0x50: {  	v2 =	vld [tilespmem:s31+$0x16180]  }
0x51: {  	v3 =	vpop (erf)  }
0x52: {  	(v2sf) =	vpush v3, $0x0  }
0x53: {  	(v2sf) =	vpush v3, $0x1  }
0x54: {  	(v2sf) =	vpush v3, $0x2  }
0x55: {  	v4 =	vadd.f32 v1, v2;
	(v2sf) =	vpush v3, $0x3  }
0x56: {  	(v2sf) =	vpush v3, $0x4  }
0x57: {  	v5 =	vmul.f32 $2.000000030e-01, v4;
	(v2sf) =	vpush v3, $0x5  }
0x58: {  	vm15 =	vgt.f32 v4, $0.0e+00;
	(v2sf) =	vpush v3, $0x6  }
0x59: {  	(v2sf) =	vpush v3, $0x7;
	v3 =	vsel vm15, v4, v5  }
0x5a: {  	v3 =	vsub.f32 v3, v0;
	_ =	sdelay $0x1  }
0x5b: {  	v3 =	vmul.f32 $1.442695020e+00, v3;
	_ =	sdelay $0x1  }
0x5c: {  	s30 =	simm.s32 $0x100;
	(erf) = vpow2.f32 v3  }
0x5d: {  	v1 =	vld [tilespmem:s30+$0x16180];
	s14 =	spop (v2sf)  }
0x5e: {  	s15 =	spop (v2sf);
	v5 =	vld [tilespmem:s30+$0x13980];
	(v2sf) =	vpush v2, $0x8  }
0x5f: {  	s13 =	spop (v2sf);
	(v2sf) =	vpush v2, $0x9  }
0x60: {  	s11 =	spop (v2sf);
	(v2sf) =	vpush v2, $0xA  }
0x61: {  	s8 =	spop (v2sf);
	(v2sf) =	vpush v2, $0xB  }
0x62: {  	s19 =	spop (v2sf);
	(v2sf) =	vpush v2, $0xC  }
0x63: {  	s3 =	spop (v2sf);
	v4 =	vld [tilespmem:s0+$0x18980];
	v5 =	vadd.f32 v5, v1;
	(v2sf) =	vpush v2, $0xD  }
0x64: {  	s10 =	simm.s32 $0x600;
	s4 =	spop (v2sf);
	v3 =	vld [tilespmem:s0+$0x18990];
	(v2sf) =	vpush v2, $0xE  }
.LBB2_3:
0x65: {  	p1 =	sne.s32 s10, $0x9E00;
	v6 =	vmul.f32 $2.000000030e-01, v5;
	v7 =	vpop (erf);
	(v2sf) =	vpush v2, $0xF;
	v8 =	vld [tilespmem:s0+$0x189A0];
	s16 =	spop (v2sf);
	v2 =	vmov v1  }
0x66: {  	vm0 =	vgt.f32 v5, $0.0e+00;
	(v2sf) =	vpush v7, $0x0;
	s14 =	smul.f32 s16, s14;
	v1 =	vld [tilespmem:s0+$0x189B0];
	s16 =	spop (v2sf)  }
0x67: {  	v5 =	vsel vm0, v5, v6;
	(v2sf) =	vpush v7, $0x1;
	s15 =	smul.f32 s16, s15;
	v6 =	vld [tilespmem:s0+$0x189C0];
	s16 =	spop (v2sf)  }
0x68: {  	v5 =	vsub.f32 v5, v0;
	(v2sf) =	vpush v7, $0x2;
	v4 =	vmul.f32 s14, v4;
	s13 =	smul.f32 s16, s13;
	v9 =	vld [tilespmem:s0+$0x189D0];
	s14 =	spop (v2sf)  }
0x69: {  	(v2sf) =	vpush v7, $0x3;
	v3 =	vmul.f32 s15, v3;
	s11 =	smul.f32 s14, s11;
	v10 =	vld [tilespmem:s0+$0x189E0];
	s14 =	spop (v2sf)  }
0x6a: {  	v5 =	vmul.f32 $1.442695020e+00, v5;
	(v2sf) =	vpush v7, $0x4;
	[tilespmem:s0+$0x18980] =	vst v4;
	v4 =	vmul.f32 s13, v8;
	s8 =	smul.f32 s14, s8;
	v8 =	vld [tilespmem:s0+$0x189F0];
	s13 =	spop (v2sf)  }
0x6b: {  	(v2sf) =	vpush v7, $0x5;
	[tilespmem:s0+$0x18990] =	vst v3;
	v3 =	vmul.f32 s11, v1;
	s11 =	smul.f32 s13, s19;
	s13 =	spop (v2sf)  }
0x6c: {  	s16 =	sshra.s32 s10, $0x2;
	(erf) = vpow2.f32 v5;
	(v2sf) =	vpush v7, $0x6;
	[tilespmem:s0+$0x189A0] =	vst v4;
	v4 =	vmul.f32 s8, v6;
	s3 =	smul.f32 s13, s3;
	s8 =	spop (v2sf)  }
0x6d: {  	v1 =	vld [tilespmem:s16+$0x16180];
	s14 =	spop (v2sf);
	(v2sf) =	vpush v7, $0x7;
	[tilespmem:s0+$0x189B0] =	vst v3;
	v3 =	vmul.f32 s11, v9;
	s4 =	smul.f32 s8, s4  }
0x6e: {  	v5 =	vld [tilespmem:s16+$0x13980];
	(v2sf) =	vpush v2, $0x8;
	s15 =	spop (v2sf);
	[tilespmem:s0+$0x189C0] =	vst v4;
	v4 =	vmul.f32 s3, v10  }
0x6f: {  	(v2sf) =	vpush v2, $0x9;
	s13 =	spop (v2sf);
	[tilespmem:s0+$0x189D0] =	vst v3;
	v3 =	vmul.f32 s4, v8  }
.Ltmp0:
0x70: {  	(v2sf) =	vpush v2, $0xA;
	s11 =	spop (v2sf);
	[tilespmem:s0+$0x189E0] =	vst v4;
	(pc) =	sbr.rel @p1 .LBB2_3-.Ltmp0, $4  }
0x71: {  	(v2sf) =	vpush v2, $0xB;
	s8 =	spop (v2sf);
	[tilespmem:s0+$0x189F0] =	vst v3;
	s0 =	smov.u32 s31;
	s31 =	smov.u32 s30  }
0x72: {  	s30 =	smov.u32 s16;
	(v2sf) =	vpush v2, $0xC;
	s19 =	spop (v2sf)  }
0x73: {  	v5 =	vadd.f32 v5, v1;
	(v2sf) =	vpush v2, $0xD;
	v4 =	vld [tilespmem:s0+$0x18980];
	s3 =	spop (v2sf)  }
0x74: {  	s10 =	sadd.s32 $0x200, s10;
	(v2sf) =	vpush v2, $0xE;
	v3 =	vld [tilespmem:s0+$0x18990];
	s4 =	spop (v2sf)  }
0x75: {  	v6 =	vmul.f32 $2.000000030e-01, v5;
	v7 =	vpop (erf);
	(v2sf) =	vpush v2, $0xF;
	s10 =	spop (v2sf)  }
0x76: {  	v2 =	vld [tilespmem:s0+$0x189A0];
	vm0 =	vgt.f32 v5, $0.0e+00;
	(v2sf) =	vpush v7, $0x0;
	s10 =	smul.f32 s10, s14;
	s14 =	spop (v2sf)  }
0x77: {  	v8 =	vld [tilespmem:s0+$0x189B0];
	v5 =	vsel vm0, v5, v6;
	(v2sf) =	vpush v7, $0x1;
	s16 =	spop (v2sf)  }
0x78: {  	v53 =	vld [tilespmem:s0+$0x189C0];
	s14 =	smul.f32 s14, s15;
	v5 =	vsub.f32 v5, v0;
	(v2sf) =	vpush v7, $0x2;
	s15 =	spop (v2sf)  }
0x79: {  	v9 =	vld [tilespmem:s0+$0x189D0];
	v4 =	vmul.f32 s10, v4;
	s13 =	smul.f32 s16, s13;
	(v2sf) =	vpush v7, $0x3;
	s16 =	spop (v2sf)  }
0x7a: {  	v10 =	vld [tilespmem:s0+$0x189E0];
	v3 =	vmul.f32 s14, v3;
	s10 =	smul.f32 s15, s11;
	v5 =	vmul.f32 $1.442695020e+00, v5;
	(v2sf) =	vpush v7, $0x4;
	s14 =	spop (v2sf)  }
0x7b: {  	v54 =	vld [tilespmem:s0+$0x189F0];
	[tilespmem:s0+$0x18980] =	vst v4;
	v2 =	vmul.f32 s13, v2;
	s8 =	smul.f32 s16, s8;
	(v2sf) =	vpush v7, $0x5;
	s16 =	spop (v2sf)  }
0x7c: {  	[tilespmem:s0+$0x18990] =	vst v3;
	v3 =	vmul.f32 s10, v8;
	s14 =	smul.f32 s14, s19;
	(erf) = vpow2.f32 v5;
	(v2sf) =	vpush v7, $0x6;
	s15 =	spop (v2sf)  }
0x7d: {  	[tilespmem:s0+$0x189A0] =	vst v2;
	v2 =	vmul.f32 s8, v53;
	s3 =	smul.f32 s16, s3;
	s16 =	spop (v2sf);
	(v2sf) =	vpush v7, $0x7  }
0x7e: {  	[tilespmem:s0+$0x189B0] =	vst v3;
	v3 =	vmul.f32 s14, v9;
	s4 =	smul.f32 s15, s4;
	(v2sf) =	vpush v1, $0x8;
	s10 =	spop (v2sf)  }
0x7f: {  	[tilespmem:s0+$0x189C0] =	vst v2;
	v2 =	vmul.f32 s3, v10;
	(v2sf) =	vpush v1, $0x9;
	s3 =	spop (v2sf)  }
0x80: {  	[tilespmem:s0+$0x189D0] =	vst v3;
	v3 =	vmul.f32 s4, v54;
	(v2sf) =	vpush v1, $0xA;
	s4 =	spop (v2sf)  }
0x81: {  	[tilespmem:s0+$0x189E0] =	vst v2;
	(v2sf) =	vpush v1, $0xB;
	s11 =	spop (v2sf)  }
0x82: {  	[tilespmem:s0+$0x189F0] =	vst v3;
	(v2sf) =	vpush v1, $0xC;
	s0 =	spop (v2sf)  }
0x83: {  	(v2sf) =	vpush v1, $0xD;
	s13 =	spop (v2sf)  }
0x84: {  	v2 =	vld [tilespmem:s31+$0x18980];
	(v2sf) =	vpush v1, $0xE;
	s14 =	spop (v2sf)  }
0x85: {  	v3 =	vld [tilespmem:s31+$0x18990];
	v55 =	vpop (erf);
	(v2sf) =	vpush v1, $0xF;
	s19 =	spop (v2sf)  }
0x86: {  	v1 =	vld [tilespmem:s31+$0x189A0];
	(v2sf) =	vpush v55, $0x0;
	s8 =	smul.f32 s19, s16;
	s16 =	spop (v2sf)  }
0x87: {  	v56 =	vld [tilespmem:s31+$0x189B0];
	s19 =	spop (v2sf);
	(v2sf) =	vpush v55, $0x1  }
0x88: {  	v57 =	vld [tilespmem:s31+$0x189C0];
	s10 =	smul.f32 s16, s10;
	s15 =	spop (v2sf);
	(v2sf) =	vpush v55, $0x2  }
0x89: {  	v58 =	vld [tilespmem:s31+$0x189D0];
	v2 =	vmul.f32 s8, v2;
	s3 =	smul.f32 s19, s3;
	s19 =	spop (v2sf);
	(v2sf) =	vpush v55, $0x3  }
0x8a: {  	v59 =	vld [tilespmem:s31+$0x189E0];
	v3 =	vmul.f32 s10, v3;
	s4 =	smul.f32 s15, s4;
	s10 =	spop (v2sf);
	(v2sf) =	vpush v55, $0x4  }
0x8b: {  	[tilespmem:s31+$0x18980] =	vst v2;
	v1 =	vmul.f32 s3, v1;
	s16 =	smul.f32 s19, s11;
	v2 =	vld [tilespmem:s31+$0x189F0];
	s19 =	spop (v2sf);
	(v2sf) =	vpush v55, $0x5  }
0x8c: {  	[tilespmem:s31+$0x18990] =	vst v3;
	v3 =	vmul.f32 s4, v56;
	s0 =	smul.f32 s10, s0;
	s11 =	spop (v2sf);
	(v2sf) =	vpush v55, $0x6  }
0x8d: {  	[tilespmem:s31+$0x189A0] =	vst v1;
	v1 =	vmul.f32 s16, v57;
	s13 =	smul.f32 s19, s13;
	s8 =	spop (v2sf);
	(v2sf) =	vpush v55, $0x7  }
0x8e: {  	[tilespmem:s31+$0x189B0] =	vst v3;
	v3 =	vmul.f32 s0, v58;
	s15 =	smul.f32 s11, s14;
	s16 =	spop (v2sf)  }
0x8f: {  	[tilespmem:s31+$0x189C0] =	vst v1;
	v1 =	vmul.f32 s13, v59;
	s3 =	spop (v2sf)  }
0x90: {  	[tilespmem:s31+$0x189D0] =	vst v3;
	v2 =	vmul.f32 s15, v2;
	s0 =	spop (v2sf)  }
0x91: {  	[tilespmem:s31+$0x189E0] =	vst v1;
	s10 =	spop (v2sf)  }
0x92: {  	[tilespmem:s31+$0x189F0] =	vst v2;
	s11 =	spop (v2sf)  }
0x93: {  	v1 =	vld [tilespmem:s30+$0x18980];
	s13 =	spop (v2sf)  }
0x94: {  	v2 =	vld [tilespmem:s30+$0x18990];
	s14 =	spop (v2sf)  }
0x95: {  	v3 =	vld [tilespmem:s30+$0x189A0];
	s19 =	spop (v2sf)  }
0x96: {  	v60 =	vld [tilespmem:s30+$0x189B0];
	s8 =	smul.f32 s19, s8;
	s31 =	spop (v2sf)  }
0x97: {  	v61 =	vld [tilespmem:s30+$0x189C0];
	s4 =	smul.f32 s31, s16;
	s16 =	spop (v2sf)  }
0x98: {  	v62 =	vld [tilespmem:s30+$0x189D0];
	v1 =	vmul.f32 s8, v1;
	s3 =	smul.f32 s16, s3;
	s19 =	spop (v2sf)  }
0x99: {  	v63 =	vld [tilespmem:s30+$0x189E0];
	v2 =	vmul.f32 s4, v2;
	s0 =	smul.f32 s19, s0;
	s31 =	spop (v2sf)  }
0x9a: {  	[tilespmem:s30+$0x18980] =	vst v1;
	v1 =	vmul.f32 s3, v3;
	s8 =	smul.f32 s31, s10;
	v3 =	vld [tilespmem:s30+$0x189F0];
	s10 =	spop (v2sf)  }
0x9b: {  	[tilespmem:s30+$0x18990] =	vst v2;
	v2 =	vmul.f32 s0, v60;
	s11 =	smul.f32 s10, s11;
	s15 =	spop (v2sf)  }
0x9c: {  	[tilespmem:s30+$0x189A0] =	vst v1;
	v1 =	vmul.f32 s8, v61;
	s16 =	smul.f32 s15, s13;
	s19 =	spop (v2sf)  }
0x9d: {  	[tilespmem:s30+$0x189B0] =	vst v2;
	v2 =	vmul.f32 s11, v62;
	s31 =	smul.f32 s19, s14  }
0x9e: {  	[tilespmem:s30+$0x189C0] =	vst v1;
	v1 =	vmul.f32 s16, v63  }
0x9f: {  	s29 =	sadd.s32 $0x1, s29;
	[tilespmem:s30+$0x189D0] =	vst v2;
	v2 =	vmul.f32 s31, v3  }
0xa0: {  	p1 =	sne.s32 s29, $0x7D;
	[tilespmem:s30+$0x189E0] =	vst v1  }
.Ltmp1:
0xa1: {  	[tilespmem:s30+$0x189F0] =	vst v2;
	(pc) =	sbr.rel @p1 .LBB2_2-.Ltmp1, $4  }
0xa2: {  	[spmem:s2] =	stream.indirect.scatter.add.f32 [tilespmem:s24], [sflag:$0x1], $0x80, s22, s23, $0xb8;
	[tilespmem:$0x1B200] =	vst v63  }
0xa3: {  	_ =	swait.ge [sflag:s20], $0x2800  }
0xa4: {  	[sflag:s20] =	ssyncset.done $0x0  }
0xa5: {  	[sflag:s20] =	ssyncadd.s32 $0xFFFFD800  }
0xa6: {  	[bflag:$0x0] =	sbarrier.arrive $0xFFFF  }
0xa7: {  	s0 =	simm.s32 @p0 $0x1FC1;
	s3 =	rddreg [dreg:$0x8]  }
0xa8: {  	[hbm:s3], [sflag:s0] =	dma.local @p0 [spmem:s17], $0x2800  }
0xa9: {  	s0 =	simm.s32 @p0 $0x1  }
0xaa: {  	_ =	swait.ge @p0 [sflag:s0], $0x2800  }
0xab: {  	[sflag:s0] =	ssyncset.done @p0 $0x0;
	s10 =	rddreg [dreg:$0xa]  }
0xac: {  	[sflag:s0] =	ssyncadd.s32 @p0 $0xFFFFD800;
	s0 =	rddreg [dreg:$0x7]  }
0xad: {  	[hbm:s0], [sflag:s18] =	dma.local @!p0 [spmem:s10], $0x2700  }
0xae: {  	s0 =	simm.s32 @!p0 $0x1  }
0xaf: {  	_ =	swait.ge @!p0 [sflag:s0], $0x2700  }
0xb0: {  	s28 =	sadd.s32 $0x1, s28;
	s31 =	rddreg [dreg:$0x9]  }
0xb1: {  	p1 =	sne.s32 s28, s31  }
.Ltmp2:
0xb2: {  	_ = 	snop;
	(pc) =	sbr.rel @p1 .LBB2_1-.Ltmp2, $3  }
0xb3: {  	_ =	sdelay $0x1  }
0xb4: {  	[sflag:s0] =	ssyncset.done @!p0 $0x0  }
0xb5: {  	s4 =	smov.u32 s17;
	s8 =	smov.u32 s18;
	[sflag:s0] =	ssyncadd.s32 @!p0 $0xFFFFD900  }
0xb6: {  	_ =	sfence.sel $0x180000  }
0xb7: {  	[bflag:$0x0] =	sbarrier.arrive $0xFFFF  }
0xb8: {  	_ =	strace $0x9000004A  }
0xb9: {  	s0 =	stileid.u32;
	[bflag:$0x2] =	sbarrier.arrive $0xFFFF  }
0xba: {  	p0 =	sne.s32 s0, $0x0;
	s0 =	rddreg [dreg:$0x3]  }
0xbb: {  	s0 =	sadd.s32 @!p0 $0x100000, s0  }
0xbc: {  	[sflag:s0] =	ssyncadd.tile.s32 @!p0 $0x1;
	_ =	shalt  }
.Lfunc_end2:
_tile_overlayer_lowered:
.L_overlay_start_2:
0xbd: {  	(tag) =	ssettag $0x2  }
0xbe: {  	s0 =	rddreg [dreg:$0x0];
	s2 =	stileid.u32  }
0xbf: {  	s1 =	rddreg [dreg:$0x1];
	p0 =	sne.s32 s2, $0x0  }
0xc0: {  	s3 =	rddreg [dreg:$0x2];
	[bflag:$0x3] =	sbarrier.arrive $0xFFFF;
	s2 =	simm.s32 @!p0 $0x1C01  }
0xc1: {  	[timem:s3], [sflag:s2] =	dma.local @!p0 [hbm:s0], s1  }
0xc2: {  	s0 =	simm.s32 @!p0 $0x1  }
0xc3: {  	_ =	swait.ge @!p0 [sflag:s0], s1  }
0xc4: {  	s1 =	ssub.s32 @!p0 $0x0, s1;
	[sflag:s0] =	ssyncset.done @!p0 $0x0  }
0xc5: {  	[sflag:s0] =	ssyncadd.s32 @!p0 s1  }
0xc6: {  	[bflag:$0x3] =	sbarrier.arrive $0xFFFF  }
0xc7: {  	_ =	shalt  }

// kernel: kernel.17.cloned.1.call-start
scs
__scs_entry_jumppad:
0x0: {  	(pc) =	sbr.rel $0x88, $3  }
0x1: {  	(tag) =	ssettag $0x0;
	lr =	simm.s32 $0x1  }
0x2: {  	[smem:$0x3F97] =	sst lr;
	_ =	strace $0xD0000000  }
0x3: {  	_ = 	snop  }
0x4: {  	_ = 	snop  }
0x5: {  	_ = 	snop  }
0x6: {  	_ = 	snop  }
0x7: {  	_ = 	snop  }
__scs_overlays_trampoline_lowered:
0x8: {  	[smem:$0x3FA6] =	sst s0  }
0x9: {  	[smem:$0x3FA7] =	sst s1  }
0xa: {  	[smem:$0x3FA8] =	sst s2  }
0xb: {  	[smem:$0x3FA9] =	sst s3  }
0xc: {  	[smem:$0x3FAA] =	sst s4  }
0xd: {  	[smem:$0x3FAB] =	sst s5  }
0xe: {  	[smem:$0x3FAC] =	sst s6  }
0xf: {  	[smem:$0x3FAD] =	sst s7  }
0x10: {  	[smem:$0x3FAE] =	sst s8  }
0x11: {  	[smem:$0x3FAF] =	sst s9;
	s0 =	simm.s32 @!p0 $0x0  }
0x12: {  	s1 =	sld [smem:$0x3F95];
	s0 =	simm.s32 @p0 $0x1  }
0x13: {  	[smem:$0x3FB0] =	sst s0;
	s0 =	simm.s32 @!p1 $0x0  }
0x14: {  	s2 =	sld [smem:$0x3F94];
	s0 =	simm.s32 @p1 $0x1  }
0x15: {  	[smem:$0x3FB1] =	sst s0;
	s0 =	simm.s32 @!p2 $0x0  }
0x16: {  	s3 =	sld [smem:$0x3FDB];
	s0 =	simm.s32 @p2 $0x1  }
0x17: {  	s4 =	simm.s32 $0x1BF5;
	[smem:$0x3FB3] =	sst s0  }
0x18: {  	s0 =	sld [smem:$0x3F96];
	_ =	swait.ge [sflag:s4], $0x0  }
0x19: {  	s7 =	sld [smem:$0x3F97]  }
0x1a: {  	s8 =	sadd.s32 $0xFFFFE003, lr  }
0x1b: {  	s9 =	sadd.s32 $0xFFFFFEF7, lr;
	s5 =	simm.s32 $0xFFFFFFFF;
	p2 =	slt.u32 s8, $0xFFFFF086  }
0x1c: {  	p1 =	slt.u32 s9, $0xF7A;
	s5 =	simm.s32 @!p2 $0x0  }
0x1d: {  	s5 =	simm.s32 @p1 $0x1;
	p0 =	seq.s32 s7, s2  }
0x1e: {  	s7 =	smul.u32 @!p0 $0xF7A, s2;
	p2 =	seq.s32 @!p0 s5, $0x0  }
0x1f: {  	s9 =	smul.u32 $0xF7A, s1;
	s8 =	simm.s32 @!p0 $0x1BF5;
	p2 =	por !p2, p0  }
0x20: {  	[sflag:s8] =	ssyncset.s32 @!p0 $0xFFFFF086;
	s6 =	sadd.s32 @!p0 s3, s7;
	s7 =	simm.s32 @!p0 $0x108  }
0x21: {  	s3 =	sadd.s32 s3, s9;
	s6 =	sadd.s32 @!p0 $0x88, s6;
	s7 =	simm.s32 @p2 $0x1082  }
0x22: {  	[simem:s7], [sflag:s8] =	dma.local @!p0 [hbm:s6], $0xF7A  }
0x23: {  	s9 =	sor.u32 $0xD0000000, s2;
	s6 =	simm.s32 $0x108;
	_ =	swait.ge @!p0 [sflag:s8], $0x0  }
0x24: {  	s3 =	sadd.s32 $0x88, s3;
	s6 =	simm.s32 @!p1 $0x1082;
	[sflag:s4] =	ssyncset.s32 $0xFFFFF086  }
0x25: {  	[simem:s6], [sflag:s4] =	dma.local [hbm:s3], $0xF7A  }
0x26: {  	[smem:$0x3F97] =	sst s1;
	(tag) =	ssettag s2;
	_ =	strace s9  }
0x27: {  	s1 =	sld [smem:$0x3FA7]  }
0x28: {  	s2 =	sld [smem:$0x3FA8]  }
0x29: {  	s4 =	sld [smem:$0x3FAA]  }
0x2a: {  	p0 =	seq.s32 s5, $0x0;
	s5 =	sld [smem:$0x3FAB]  }
0x2b: {  	s6 =	sld [smem:$0x3FAC]  }
0x2c: {  	s7 =	sld [smem:$0x3FAD]  }
0x2d: {  	s3 =	simm.s32 $0x108;
	s8 =	sld [smem:$0x3FAE]  }
0x2e: {  	s3 =	simm.s32 @!p0 $0x1082;
	s9 =	sld [smem:$0x3FAF]  }
0x2f: {  	lr =	sadd.s32 s0, s3;
	s0 =	sld [smem:$0x3FA6]  }
0x30: {  	s3 =	sld [smem:$0x3FA9]  }
0x31: {  	[smem:$0x3FB2] =	sst s10  }
0x32: {  	s10 =	sld [smem:$0x3FB0];
	_ =	sdelay $0x3  }
0x33: {  	p0 =	seq.s32 s10, $0x1;
	s10 =	sld [smem:$0x3FB2];
	_ =	sdelay $0x3  }
0x34: {  	[smem:$0x3FB2] =	sst s10  }
0x35: {  	s10 =	sld [smem:$0x3FB1];
	_ =	sdelay $0x3  }
0x36: {  	p1 =	seq.s32 s10, $0x1;
	s10 =	sld [smem:$0x3FB2];
	_ =	sdelay $0x3  }
0x37: {  	[smem:$0x3FB2] =	sst s10  }
0x38: {  	s10 =	sld [smem:$0x3FB3]  }
0x39: {  	_ = 	snop;
	(pc) =	sbr.ind lr, $3  }
0x3a: {  	_ = 	snop  }
0x3b: {  	_ = 	snop  }
0x3c: {  	p2 =	seq.s32 s10, $0x1;
	s10 =	sld [smem:$0x3FB2]  }
0x3d: {  	_ =	shalt  }
0x3e: {  	_ =	shalt  }
0x3f: {  	_ =	shalt  }
0x40: {  	_ =	shalt  }
0x41: {  	_ =	shalt  }
0x42: {  	_ =	shalt  }
0x43: {  	_ =	shalt  }
0x44: {  	_ =	shalt  }
0x45: {  	_ =	shalt  }
0x46: {  	_ =	shalt  }
0x47: {  	_ =	shalt  }
0x48: {  	_ =	shalt  }
0x49: {  	_ =	shalt  }
0x4a: {  	_ =	shalt  }
0x4b: {  	_ =	shalt  }
0x4c: {  	_ =	shalt  }
0x4d: {  	_ =	shalt  }
0x4e: {  	_ =	shalt  }
0x4f: {  	_ =	shalt  }
0x50: {  	_ =	shalt  }
0x51: {  	_ =	shalt  }
0x52: {  	_ =	shalt  }
0x53: {  	_ =	shalt  }
0x54: {  	_ =	shalt  }
0x55: {  	_ =	shalt  }
0x56: {  	_ =	shalt  }
0x57: {  	_ =	shalt  }
0x58: {  	_ =	shalt  }
0x59: {  	_ =	shalt  }
0x5a: {  	_ =	shalt  }
0x5b: {  	_ =	shalt  }
0x5c: {  	_ =	shalt  }
0x5d: {  	_ =	shalt  }
0x5e: {  	_ =	shalt  }
0x5f: {  	_ =	shalt  }
0x60: {  	_ =	shalt  }
0x61: {  	_ =	shalt  }
0x62: {  	_ =	shalt  }
0x63: {  	_ =	shalt  }
0x64: {  	_ =	shalt  }
0x65: {  	_ =	shalt  }
0x66: {  	_ =	shalt  }
0x67: {  	_ =	shalt  }
0x68: {  	_ =	shalt  }
0x69: {  	_ =	shalt  }
0x6a: {  	_ =	shalt  }
0x6b: {  	_ =	shalt  }
0x6c: {  	_ =	shalt  }
0x6d: {  	_ =	shalt  }
0x6e: {  	_ =	shalt  }
0x6f: {  	_ =	shalt  }
0x70: {  	_ =	shalt  }
0x71: {  	_ =	shalt  }
0x72: {  	_ =	shalt  }
0x73: {  	_ =	shalt  }
0x74: {  	_ =	shalt  }
0x75: {  	_ =	shalt  }
0x76: {  	_ =	shalt  }
0x77: {  	_ =	shalt  }
0x78: {  	_ =	shalt  }
0x79: {  	_ =	shalt  }
0x7a: {  	_ =	shalt  }
0x7b: {  	_ =	shalt  }
0x7c: {  	_ =	shalt  }
0x7d: {  	_ =	shalt  }
0x7e: {  	_ =	shalt  }
0x7f: {  	_ =	shalt  }
0x80: {  	_ =	shalt  }
0x81: {  	_ =	shalt  }
0x82: {  	_ =	shalt  }
0x83: {  	_ =	shalt  }
0x84: {  	_ =	shalt  }
0x85: {  	_ =	shalt  }
0x86: {  	_ =	shalt  }
0x87: {  	_ =	shalt  }
.Lfunc_end0:
.L_simem_size_0:
called_computation.2_lowered:
.L_overlay_start_0:
0x88: {  	s2 =	sld [smem:$0x3FD9]  }
0x89: {  	s3 =	sld [smem:$0x3FFE];
	_ =	sdelay $0x1  }
0x8a: {  	s1 =	srdreg.scid  }
0x8b: {  	s0 =	sand.u32 $0x1, s1  }
0x8c: {  	s17 =	sshll.u32 s0, $0xA;
	s2 =	sadd.s32 s3, s2  }
0x8d: {  	s2 =	sadd.s32 s2, s17  }
0x8e: {  	[smem:$0x3FBE] =	sst s2  }
0x8f: {  	_ = 	snop  }
0x90: {  	s2 =	sld [smem:$0x3FD0];
	(tm) =	ssettm $0x1  }
0x91: {  	s18 =	sld [smem:$0x3FFB];
	_ =	sdelay $0x3  }
0x92: {  	_ =	strace s18  }
0x93: {  	s3 =	sld [smem:$0x3FFC];
	_ =	sdelay $0x3  }
0x94: {  	_ =	strace s3  }
0x95: {  	s3 =	sld [smem:$0x3FFD];
	_ =	sdelay $0x3  }
0x96: {  	_ =	strace s3  }
0x97: {  	_ =	strace $0x8FFFFFFF  }
0x98: {  	s19 =	sld [smem:$0x3FDB];
	_ =	sdelay $0x1  }
0x99: {  	s4 =	simm.s32 $_scs_section_size  }
0x9a: {  	s5 =	simm.s32 $_size__tile_overlayer_lowered;
	s6 =	simm.s32 $_tile_overlayer_lowered  }
0x9b: {  	s22 =	simm.s32 $0x1BFF;
	s21 =	sshll.u32 s6, $0x1;
	s3 =	sadd.s32 s4, s19  }
0x9c: {  	s7 =	simm.s32 $0x0;
	s20 =	sshll.u32 s5, $0x1;
	s5 =	sadd.s32 s21, s3  }
0x9d: {  	[timem:s7], [sflag:s22] =	dma.local [hbm:s5], s20  }
0x9e: {  	_ =	swait.ge [sflag:s22], s20  }
0x9f: {  	s4 =	ssub.s32 $0x0, s20;
	[sflag:s22] =	ssyncset.done $0x0  }
0xa0: {  	[sflag:s22] =	ssyncadd.s32 s4;
	_ =	sdelay $0x1  }
0xa1: {  	s23 =	simm.s32 $0x1B8B  }
0xa2: {  	_ =	swait.ge [sflag:s23], $0x1  }
0xa3: {  	[sflag:s23] =	ssyncset.done $0x0  }
0xa4: {  	s25 =	simm.s32 $0x1B8E;
	s24 =	sld [smem:$0x3FFE];
	[sflag:s23] =	ssyncadd.s32 $0xFFFFFFFF  }
0xa5: {  	s26 =	simm.s32 $execute0_lowered;
	[smem:$0x3FD2] =	sst s25  }
0xa6: {  	s5 =	sshll.u32 s26, $0x1;
	_ =	strace $0x8000004C;
	[dreg:$0x1] =	wrdreg $0xFFFFFFFF  }
0xa7: {  	s28 =	simm.s32 $_size_execute0_lowered;
	s3 =	sadd.s32 s3, s5;
	[dreg:$0x0] =	wrdreg $0x0  }
0xa8: {  	s5 =	sshll.u32 s28, $0x1;
	[dreg:$0x2] =	wrdreg s3  }
0xa9: {  	[dreg:$0x3] =	wrdreg s5  }
0xaa: {  	[dreg:$0x4] =	wrdreg $0xC0  }
0xab: {  	_ =	task [dreg:s7], $0x5FFFF  }
0xac: {  	[dreg:$0x1] =	wrdreg $0xFFFFFFFF  }
0xad: {  	[dreg:$0x0] =	wrdreg $0x60  }
0xae: {  	[dreg:$0x2] =	wrdreg s24  }
0xaf: {  	[dreg:$0x3] =	wrdreg s2  }
0xb0: {  	[dreg:$0x4] =	wrdreg $0x0  }
0xb1: {  	[dreg:$0x5] =	wrdreg $0x9  }
0xb2: {  	_ =	task.clear_ibuf [dreg:s7], $0x6FFFF;
	_ =	strace $0x9000004C  }
0xb3: {  	s29 =	simm.s32 $0x9;
	_ =	strace $0x8000004E  }
0xb4: {  	_ =	swait.ge [sflag:s29], $0x1  }
0xb5: {  	[sflag:s29] =	ssyncadd.s32 $0xFFFFFFFF  }
0xb6: {  	_ =	strace $0x9000004E  }
0xb7: {  	_ =	sfence  }
0xb8: {  	s30 =	sld [smem:$0x0];
	_ =	sdelay $0x2  }
0xb9: {  	s31 =	sshll.u32 s1, $0xD;
	s1 =	sshrl.u32 s1, $0x2  }
0xba: {  	s3 =	sand.u32 $0x4000, s31;
	s1 =	sadd.s32 s1, s30  }
0xbb: {  	s0 =	sor.u32 s3, s0;
	s1 =	sshll.u32 s1, $0x11  }
0xbc: {  	s0 =	sor.u32 s1, s0  }
0xbd: {  	s0 =	sadd.s32 $0x8F2B, s0  }
0xbe: {  	[sflag:s0] =	ssyncadd.remote.s32 $0x1  }
0xbf: {  	_ =	sfence.sel $0xFFFF  }
0xc0: {  	[dreg:$0x0] =	wrdreg $0xFFFFFFFF;
	(pc) =	sbr.abs _section_cstart, $3  }
0xc1: {  	[dreg:$0x1] =	wrdreg $0xFFFFFFFF  }
0xc2: {  	_ =	task.clear_ibuf [dreg:s7], $0x2FFFF;
	_ =	strace $0x9FFFFFFF  }
0xc3: {  	(tm) =	ssettm $0x7FFFFFFF  }
tec
execute0_lowered:
.L_overlay_start_1:
0x0: {  	(tag) =	ssettag $0x1  }
0x1: {  	s0 =	rddreg [dreg:$0x0]  }
0x2: {  	s1 =	rddreg [dreg:$0x1]  }
0x3: {  	s2 =	rddreg [dreg:$0x2];
	s3 =	simm.s32 $0x0;
	s4 =	srdreg.scid  }
0x4: {  	s19 =	simm.s32 $0x18980;
	s20 =	simm.s32 $0x1;
	s22 =	simm.s32 $0x13880  }
0x5: {  	s23 =	simm.s32 $0x13900;
	s24 =	simm.s32 $0x50;
	s28 =	simm.s32 $0x0  }
0x6: {  	[smem:$0x7FF] =	sst s3;
	s5 =	sadd.s32 $0xE800, s0;
	s6 =	sadd.s32 $0x4A00, s0  }
0x7: {  	s7 =	sadd.s32 $0x18600, s0;
	s3 =	stileid.u32;
	s4 =	sand.u32 $0x1, s4  }
0x8: {  	s8 =	sadd.s32 $0x66A00, s0;
	s9 =	sadd.s32 $0x66C00, s0;
	s11 =	smul.u32 $0x4E000, s3  }
0x9: {  	s14 =	sadd.s32 $0x8DE00, s0;
	s17 =	sadd.s32 $0x124800, s2;
	s13 =	smul.u32 $0x2700, s3  }
0xa: {  	_ =	strace $0x8000004D;
	s10 =	ssub.s32 $0x2, s4;
	s16 =	smul.u32 $0x138800, s4  }
0xb: {  	s4 =	sshll.u32 s4, $0x4;
	s26 =	smul.u32 $0x13800, s3;
	s12 =	sshrl.u32 s10, $0x1  }
0xc: {  	p0 =	seq.s32 s3, $0xF;
	s4 =	sor.u32 s3, s4;
	s15 =	ssub.s32 s10, s12  }
0xd: {  	s25 =	sshrl.u32 s11, $0x2;
	s10 =	sadd.s32 s9, s13;
	s11 =	sadd.s32 $0x8B500, s0  }
0xe: {  	s29 =	sadd.s32 s26, s16;
	s12 =	smul.u32 $0x2710, s4;
	s30 =	sshrl.u32 s16, $0x3  }
0xf: {  	s16 =	sshrl.u32 @p0 s17, $0x3;
	s26 =	simm.s32 $0x16180;
	s18 =	sadd.s32 s25, s2  }
0x10: {  	s0 =	sshrl.u32 s29, $0x3;
	s31 =	sadd.s32 s14, s30;
	s15 =	smax.u32 s15, $0x1  }
0x11: {  	s25 =	simm.s32 $0x13980;
	s13 =	sadd.s32 s14, s0;
	s0 =	sshll.u32 @!p0 s3, $0x6  }
0x12: {  	s14 =	sadd.s32 $0x24900, s31;
	s18 =	sshrl.u32 @!p0 s18, $0x3;
	s17 =	sor.u32 @!p0 $0x1C01, s0  }
.LBB2_1:
0x13: {  	s0 =	simm.s32 @p0 $0x1FC1  }
0x14: {  	[spmem:s16], [sflag:s0] =	dma.local @p0 [hbm:s11], $0x2800  }
0x15: {  	s0 =	simm.s32 @p0 $0x1  }
0x16: {  	_ =	swait.ge @p0 [sflag:s0], $0x2800  }
0x17: {  	[sflag:s0] =	ssyncset.done @p0 $0x0  }
0x18: {  	[sflag:s0] =	ssyncadd.s32 @p0 $0xFFFFD800;
	s0 =	simm.s32 @!p0 $0x1  }
0x19: {  	[spmem:s18], [sflag:s17] =	dma.local @!p0 [hbm:s10], $0x2700  }
0x1a: {  	_ =	swait.ge @!p0 [sflag:s0], $0x2700  }
0x1b: {  	[sflag:s0] =	ssyncset.done @!p0 $0x0  }
0x1c: {  	s31 =	simm.s32 $0x0;
	[sflag:s0] =	ssyncadd.s32 @!p0 $0xFFFFD900  }
0x1d: {  	[tilespmem:s19], [sflag:$0x1] =	stream.linear.gather [hbm4b:s9+s31], $0x2800, $0x38;
	[tilespmem:$0x1B200] =	vst v63  }
0x1e: {  	_ =	swait.ge [sflag:s20], $0x2800  }
0x1f: {  	[sflag:s20] =	ssyncset.done $0x0  }
0x20: {  	s3 =	simm.s32 $0x1B180;
	[sflag:s20] =	ssyncadd.s32 $0xFFFFD800  }
0x21: {  	[tilespmem:s3], [sflag:$0x1] =	stream.linear.gather [hbm4b:s8+s31], $0x80, $0x38;
	[tilespmem:$0x1B200] =	vst v63  }
0x22: {  	_ =	swait.ge [sflag:s20], $0x80  }
0x23: {  	[sflag:s20] =	ssyncset.done $0x0  }
0x24: {  	[sflag:s20] =	ssyncadd.s32 $0xFFFFFF80  }
0x25: {  	[bflag:$0x0] =	sbarrier.arrive $0xFFFF  }
0x26: {  	v0 =	vld [tilespmem:$0x1B180];
	_ =	sdelay $0x3  }
0x27: {  	s29 =	simm.s32 $0x0  }
.LBB2_2:
0x28: {  	s0 =	smul.u32 $0x50, s29;
	_ =	sdelay $0x1  }
0x29: {  	s0 =	sadd.s32 s12, s0  }
0x2a: {  	s0 =	sshrl.u32 s0, $0x3  }
0x2b: {  	s21 =	simm.s32 $0x0;
	s4 =	sadd.s32 s5, s0  }
0x2c: {  	[tilespmem:s22], [sflag:$0x1] =	stream.linear.gather [hbm4b:s4+s21], $0x50, $0x38;
	[tilespmem:$0x1B200] =	vst v63  }
0x2d: {  	_ =	swait.ge [sflag:s20], $0x50  }
0x2e: {  	[sflag:s20] =	ssyncset.done $0x0  }
0x2f: {  	s0 =	sadd.s32 s6, s0;
	[sflag:s20] =	ssyncadd.s32 $0xFFFFFFB0  }
0x30: {  	[tilespmem:s23], [sflag:$0x1] =	stream.linear.gather [hbm4b:s0+s21], $0x50, $0x38;
	[tilespmem:$0x1B200] =	vst v63  }
0x31: {  	_ =	swait.ge [sflag:s20], $0x50  }
0x32: {  	[sflag:s20] =	ssyncset.done $0x0  }
0x33: {  	[sflag:s20] =	ssyncadd.s32 $0xFFFFFFB0  }
0x34: {  	[tilespmem:s25], [sflag:$0x1] =	stream.indirect.gather [hbm4b:s1+s24], $0x80, s22, s24, $0xb8;
	[tilespmem:$0x1B200] =	vst v63  }
0x35: {  	_ =	swait.ge [sflag:s20], $0x2800  }
0x36: {  	[sflag:s20] =	ssyncset.done $0x0  }
0x37: {  	[sflag:s20] =	ssyncadd.s32 $0xFFFFD800  }
0x38: {  	[tilespmem:s26], [sflag:$0x1] =	stream.indirect.gather [hbm4b:s7+s24], $0x80, s23, s24, $0xb8;
	[tilespmem:$0x1B200] =	vst v63  }
0x39: {  	_ =	swait.ge [sflag:s20], $0x2800  }
0x3a: {  	[sflag:s20] =	ssyncset.done $0x0  }
0x3b: {  	s30 =	simm.s32 $0x0;
	[sflag:s20] =	ssyncadd.s32 $0xFFFFD800  }
0x3c: {  	v1 =	vld [tilespmem:s30+$0x13980]  }
0x3d: {  	v2 =	vld [tilespmem:s30+$0x16180];
	_ =	sdelay $0x1  }
0x3e: {  	s31 =	simm.s32 $0x80  }
0x3f: {  	v3 =	vld [tilespmem:s31+$0x13980]  }
0x40: {  	v4 =	vld [tilespmem:s31+$0x16180]  }
0x41: {  	v1 =	vadd.f32 v2, v1;
	_ =	sdelay $0x1  }
0x42: {  	v5 =	vmul.f32 $2.000000030e-01, v1  }
0x43: {  	vm0 =	vgt.f32 v1, $0.0e+00  }
0x44: {  	v3 =	vadd.f32 v4, v3;
	v1 =	vsel vm0, v1, v5  }
0x45: {  	s0 =	simm.s32 $0x100;
	v1 =	vsub.f32 v1, v0  }
0x46: {  	v2 =	vld [tilespmem:s0+$0x13980];
	v6 =	vmul.f32 $2.000000030e-01, v3  }
0x47: {  	v4 =	vld [tilespmem:s0+$0x16180];
	vm14 =	vgt.f32 v3, $0.0e+00;
	v1 =	vmul.f32 $1.442695020e+00, v1  }
0x48: {  	v3 =	vsel vm14, v3, v6  }
0x49: {  	v3 =	vsub.f32 v3, v0;
	(erf) = vpow2.f32 v1;
	_ =	sdelay $0x1  }
0x4a: {  	s4 =	simm.s32 $0x180;
	v3 =	vmul.f32 $1.442695020e+00, v3  }
0x4b: {  	v4 =	vadd.f32 v4, v2;
	v2 =	vld [tilespmem:s4+$0x16180]  }
0x4c: {  	v1 =	vld [tilespmem:s4+$0x13980];
	(erf) = vpow2.f32 v3  }
0x4d: {  	v5 =	vmul.f32 $2.000000030e-01, v4  }
0x4e: {  	vm15 =	vgt.f32 v4, $0.0e+00  }
0x4f: {  	s21 =	simm.s32 $0x800;
	v3 =	vsel vm15, v4, v5  }
.LBB2_3:
0x50: {  	s3 =	sshra.s32 s21, $0x2;
	v3 =	vsub.f32 v3, v0;
	p1 =	sne.s32 s21, $0x9E00  }
.Ltmp0:
0x51: {  	s21 =	sadd.s32 $0x200, s21;
	v4 =	vadd.f32 v2, v1;
	v1 =	vld [tilespmem:s3+$0x13980];
	v5 =	vpop (erf);
	(pc) =	sbr.rel @p1 .LBB2_3-.Ltmp0, $4  }
0x52: {  	v2 =	vld [tilespmem:s3+$0x16180];
	v3 =	vmul.f32 $1.442695020e+00, v3;
	[tilespmem:s30+$0x18980] =	vst v5;
	s30 =	smov.u32 s31;
	s31 =	smov.u32 s0;
	s0 =	smov.u32 s4  }
0x53: {  	s4 =	smov.u32 s3;
	v5 =	vmul.f32 $2.000000030e-01, v4  }
0x54: {  	vm0 =	vgt.f32 v4, $0.0e+00;
	(erf) = vpow2.f32 v3  }
0x55: {  	v3 =	vsel vm0, v4, v5  }
0x56: {  	_ = 	snop  }
0x57: {  	v1 =	vadd.f32 v2, v1;
	_ =	sdelay $0x1  }
0x58: {  	v2 =	vmul.f32 $2.000000030e-01, v1  }
0x59: {  	vm0 =	vgt.f32 v1, $0.0e+00  }
0x5a: {  	v3 =	vsub.f32 v3, v0;
	v1 =	vsel vm0, v1, v2  }
0x5b: {  	v1 =	vsub.f32 v1, v0  }
0x5c: {  	v2 =	vmul.f32 $1.442695020e+00, v3  }
0x5d: {  	v1 =	vmul.f32 $1.442695020e+00, v1  }
0x5e: {  	(erf) = vpow2.f32 v2  }
0x5f: {  	(erf) = vpow2.f32 v1;
	_ =	sdelay $0x5  }
0x60: {  	v1 =	vpop (erf)  }
0x61: {  	v2 =	vpop (erf);
	[tilespmem:s30+$0x18980] =	vst v1  }
0x62: {  	s29 =	sadd.s32 $0x1, s29;
	[tilespmem:s31+$0x18980] =	vst v2;
	v1 =	vpop (erf)  }
0x63: {  	p1 =	sne.s32 s29, $0x7D;
	[tilespmem:s0+$0x18980] =	vst v1;
	v1 =	vpop (erf)  }
.Ltmp1:
0x64: {  	[tilespmem:s4+$0x18980] =	vst v1;
	(pc) =	sbr.rel @p1 .LBB2_2-.Ltmp1, $4  }
0x65: {  	[spmem:s2] =	stream.indirect.scatter.add.f32 [tilespmem:s19], [sflag:$0x1], $0x80, s23, s24, $0xb8;
	[tilespmem:$0x1B200] =	vst v63  }
0x66: {  	_ =	swait.ge [sflag:s20], $0x2800  }
0x67: {  	[sflag:s20] =	ssyncset.done $0x0  }
0x68: {  	[sflag:s20] =	ssyncadd.s32 $0xFFFFD800  }
0x69: {  	[bflag:$0x0] =	sbarrier.arrive $0xFFFF;
	s0 =	simm.s32 @p0 $0x1FC1  }
0x6a: {  	[hbm:s14], [sflag:s0] =	dma.local @p0 [spmem:s16], $0x2800  }
0x6b: {  	s0 =	simm.s32 @p0 $0x1  }
0x6c: {  	s28 =	sadd.s32 $0x1, s28;
	_ =	swait.ge @p0 [sflag:s0], $0x2800  }
0x6d: {  	p1 =	sne.s32 s28, s15;
	[sflag:s0] =	ssyncset.done @p0 $0x0  }
.Ltmp2:
0x6e: {  	[sflag:s0] =	ssyncadd.s32 @p0 $0xFFFFD800;
	s0 =	simm.s32 @!p0 $0x1;
	(pc) =	sbr.rel @p1 .LBB2_1-.Ltmp2, $4  }
0x6f: {  	[hbm:s13], [sflag:s17] =	dma.local @!p0 [spmem:s18], $0x2700  }
0x70: {  	_ =	swait.ge @!p0 [sflag:s0], $0x2700  }
0x71: {  	[sflag:s0] =	ssyncset.done @!p0 $0x0  }
0x72: {  	[sflag:s0] =	ssyncadd.s32 @!p0 $0xFFFFD900  }
0x73: {  	_ =	sfence.sel $0x180000  }
0x74: {  	[bflag:$0x0] =	sbarrier.arrive $0xFFFF  }
0x75: {  	_ =	strace $0x9000004D  }
0x76: {  	s0 =	stileid.u32;
	[bflag:$0x2] =	sbarrier.arrive $0xFFFF  }
0x77: {  	p0 =	sne.s32 s0, $0x0;
	s0 =	rddreg [dreg:$0x3]  }
0x78: {  	s0 =	sadd.s32 @!p0 $0x100000, s0  }
0x79: {  	[sflag:s0] =	ssyncadd.tile.s32 @!p0 $0x1;
	_ =	shalt  }
.Lfunc_end2:
_tile_overlayer_lowered:
.L_overlay_start_2:
0x7a: {  	(tag) =	ssettag $0x2  }
0x7b: {  	s0 =	rddreg [dreg:$0x0];
	s2 =	stileid.u32  }
0x7c: {  	s1 =	rddreg [dreg:$0x1];
	p0 =	sne.s32 s2, $0x0  }
0x7d: {  	s3 =	rddreg [dreg:$0x2];
	[bflag:$0x3] =	sbarrier.arrive $0xFFFF;
	s2 =	simm.s32 @!p0 $0x1C01  }
0x7e: {  	[timem:s3], [sflag:s2] =	dma.local @!p0 [hbm:s0], s1  }
0x7f: {  	s0 =	simm.s32 @!p0 $0x1  }
0x80: {  	_ =	swait.ge @!p0 [sflag:s0], s1  }
0x81: {  	s1 =	ssub.s32 @!p0 $0x0, s1;
	[sflag:s0] =	ssyncset.done @!p0 $0x0  }
0x82: {  	[sflag:s0] =	ssyncadd.s32 @!p0 s1  }
0x83: {  	[bflag:$0x3] =	sbarrier.arrive $0xFFFF  }
0x84: {  	_ =	shalt  }

// kernel: kernel.20.cloned.1.call-start
scs
__scs_entry_jumppad:
0x0: {  	(pc) =	sbr.rel $0x88, $3  }
0x1: {  	(tag) =	ssettag $0x0;
	lr =	simm.s32 $0x1  }
0x2: {  	[smem:$0x3F97] =	sst lr;
	_ =	strace $0xD0000000  }
0x3: {  	_ = 	snop  }
0x4: {  	_ = 	snop  }
0x5: {  	_ = 	snop  }
0x6: {  	_ = 	snop  }
0x7: {  	_ = 	snop  }
__scs_overlays_trampoline_lowered:
0x8: {  	[smem:$0x3FA6] =	sst s0  }
0x9: {  	[smem:$0x3FA7] =	sst s1  }
0xa: {  	[smem:$0x3FA8] =	sst s2  }
0xb: {  	[smem:$0x3FA9] =	sst s3  }
0xc: {  	[smem:$0x3FAA] =	sst s4  }
0xd: {  	[smem:$0x3FAB] =	sst s5  }
0xe: {  	[smem:$0x3FAC] =	sst s6  }
0xf: {  	[smem:$0x3FAD] =	sst s7  }
0x10: {  	[smem:$0x3FAE] =	sst s8  }
0x11: {  	[smem:$0x3FAF] =	sst s9;
	s0 =	simm.s32 @!p0 $0x0  }
0x12: {  	s1 =	sld [smem:$0x3F95];
	s0 =	simm.s32 @p0 $0x1  }
0x13: {  	[smem:$0x3FB0] =	sst s0;
	s0 =	simm.s32 @!p1 $0x0  }
0x14: {  	s2 =	sld [smem:$0x3F94];
	s0 =	simm.s32 @p1 $0x1  }
0x15: {  	[smem:$0x3FB1] =	sst s0;
	s0 =	simm.s32 @!p2 $0x0  }
0x16: {  	s3 =	sld [smem:$0x3FDB];
	s0 =	simm.s32 @p2 $0x1  }
0x17: {  	s4 =	simm.s32 $0x1BF5;
	[smem:$0x3FB3] =	sst s0  }
0x18: {  	s0 =	sld [smem:$0x3F96];
	_ =	swait.ge [sflag:s4], $0x0  }
0x19: {  	s7 =	sld [smem:$0x3F97]  }
0x1a: {  	s8 =	sadd.s32 $0xFFFFE003, lr  }
0x1b: {  	s9 =	sadd.s32 $0xFFFFFEF7, lr;
	s5 =	simm.s32 $0xFFFFFFFF;
	p2 =	slt.u32 s8, $0xFFFFF086  }
0x1c: {  	p1 =	slt.u32 s9, $0xF7A;
	s5 =	simm.s32 @!p2 $0x0  }
0x1d: {  	s5 =	simm.s32 @p1 $0x1;
	p0 =	seq.s32 s7, s2  }
0x1e: {  	s7 =	smul.u32 @!p0 $0xF7A, s2;
	p2 =	seq.s32 @!p0 s5, $0x0  }
0x1f: {  	s9 =	smul.u32 $0xF7A, s1;
	s8 =	simm.s32 @!p0 $0x1BF5;
	p2 =	por !p2, p0  }
0x20: {  	[sflag:s8] =	ssyncset.s32 @!p0 $0xFFFFF086;
	s6 =	sadd.s32 @!p0 s3, s7;
	s7 =	simm.s32 @!p0 $0x108  }
0x21: {  	s3 =	sadd.s32 s3, s9;
	s6 =	sadd.s32 @!p0 $0x88, s6;
	s7 =	simm.s32 @p2 $0x1082  }
0x22: {  	[simem:s7], [sflag:s8] =	dma.local @!p0 [hbm:s6], $0xF7A  }
0x23: {  	s9 =	sor.u32 $0xD0000000, s2;
	s6 =	simm.s32 $0x108;
	_ =	swait.ge @!p0 [sflag:s8], $0x0  }
0x24: {  	s3 =	sadd.s32 $0x88, s3;
	s6 =	simm.s32 @!p1 $0x1082;
	[sflag:s4] =	ssyncset.s32 $0xFFFFF086  }
0x25: {  	[simem:s6], [sflag:s4] =	dma.local [hbm:s3], $0xF7A  }
0x26: {  	[smem:$0x3F97] =	sst s1;
	(tag) =	ssettag s2;
	_ =	strace s9  }
0x27: {  	s1 =	sld [smem:$0x3FA7]  }
0x28: {  	s2 =	sld [smem:$0x3FA8]  }
0x29: {  	s4 =	sld [smem:$0x3FAA]  }
0x2a: {  	p0 =	seq.s32 s5, $0x0;
	s5 =	sld [smem:$0x3FAB]  }
0x2b: {  	s6 =	sld [smem:$0x3FAC]  }
0x2c: {  	s7 =	sld [smem:$0x3FAD]  }
0x2d: {  	s3 =	simm.s32 $0x108;
	s8 =	sld [smem:$0x3FAE]  }
0x2e: {  	s3 =	simm.s32 @!p0 $0x1082;
	s9 =	sld [smem:$0x3FAF]  }
0x2f: {  	lr =	sadd.s32 s0, s3;
	s0 =	sld [smem:$0x3FA6]  }
0x30: {  	s3 =	sld [smem:$0x3FA9]  }
0x31: {  	[smem:$0x3FB2] =	sst s10  }
0x32: {  	s10 =	sld [smem:$0x3FB0];
	_ =	sdelay $0x3  }
0x33: {  	p0 =	seq.s32 s10, $0x1;
	s10 =	sld [smem:$0x3FB2];
	_ =	sdelay $0x3  }
0x34: {  	[smem:$0x3FB2] =	sst s10  }
0x35: {  	s10 =	sld [smem:$0x3FB1];
	_ =	sdelay $0x3  }
0x36: {  	p1 =	seq.s32 s10, $0x1;
	s10 =	sld [smem:$0x3FB2];
	_ =	sdelay $0x3  }
0x37: {  	[smem:$0x3FB2] =	sst s10  }
0x38: {  	s10 =	sld [smem:$0x3FB3]  }
0x39: {  	_ = 	snop;
	(pc) =	sbr.ind lr, $3  }
0x3a: {  	_ = 	snop  }
0x3b: {  	_ = 	snop  }
0x3c: {  	p2 =	seq.s32 s10, $0x1;
	s10 =	sld [smem:$0x3FB2]  }
0x3d: {  	_ =	shalt  }
0x3e: {  	_ =	shalt  }
0x3f: {  	_ =	shalt  }
0x40: {  	_ =	shalt  }
0x41: {  	_ =	shalt  }
0x42: {  	_ =	shalt  }
0x43: {  	_ =	shalt  }
0x44: {  	_ =	shalt  }
0x45: {  	_ =	shalt  }
0x46: {  	_ =	shalt  }
0x47: {  	_ =	shalt  }
0x48: {  	_ =	shalt  }
0x49: {  	_ =	shalt  }
0x4a: {  	_ =	shalt  }
0x4b: {  	_ =	shalt  }
0x4c: {  	_ =	shalt  }
0x4d: {  	_ =	shalt  }
0x4e: {  	_ =	shalt  }
0x4f: {  	_ =	shalt  }
0x50: {  	_ =	shalt  }
0x51: {  	_ =	shalt  }
0x52: {  	_ =	shalt  }
0x53: {  	_ =	shalt  }
0x54: {  	_ =	shalt  }
0x55: {  	_ =	shalt  }
0x56: {  	_ =	shalt  }
0x57: {  	_ =	shalt  }
0x58: {  	_ =	shalt  }
0x59: {  	_ =	shalt  }
0x5a: {  	_ =	shalt  }
0x5b: {  	_ =	shalt  }
0x5c: {  	_ =	shalt  }
0x5d: {  	_ =	shalt  }
0x5e: {  	_ =	shalt  }
0x5f: {  	_ =	shalt  }
0x60: {  	_ =	shalt  }
0x61: {  	_ =	shalt  }
0x62: {  	_ =	shalt  }
0x63: {  	_ =	shalt  }
0x64: {  	_ =	shalt  }
0x65: {  	_ =	shalt  }
0x66: {  	_ =	shalt  }
0x67: {  	_ =	shalt  }
0x68: {  	_ =	shalt  }
0x69: {  	_ =	shalt  }
0x6a: {  	_ =	shalt  }
0x6b: {  	_ =	shalt  }
0x6c: {  	_ =	shalt  }
0x6d: {  	_ =	shalt  }
0x6e: {  	_ =	shalt  }
0x6f: {  	_ =	shalt  }
0x70: {  	_ =	shalt  }
0x71: {  	_ =	shalt  }
0x72: {  	_ =	shalt  }
0x73: {  	_ =	shalt  }
0x74: {  	_ =	shalt  }
0x75: {  	_ =	shalt  }
0x76: {  	_ =	shalt  }
0x77: {  	_ =	shalt  }
0x78: {  	_ =	shalt  }
0x79: {  	_ =	shalt  }
0x7a: {  	_ =	shalt  }
0x7b: {  	_ =	shalt  }
0x7c: {  	_ =	shalt  }
0x7d: {  	_ =	shalt  }
0x7e: {  	_ =	shalt  }
0x7f: {  	_ =	shalt  }
0x80: {  	_ =	shalt  }
0x81: {  	_ =	shalt  }
0x82: {  	_ =	shalt  }
0x83: {  	_ =	shalt  }
0x84: {  	_ =	shalt  }
0x85: {  	_ =	shalt  }
0x86: {  	_ =	shalt  }
0x87: {  	_ =	shalt  }
.Lfunc_end0:
.L_simem_size_0:
called_computation.3_lowered:
.L_overlay_start_0:
0x88: {  	s2 =	sld [smem:$0x3FD9]  }
0x89: {  	s3 =	sld [smem:$0x3FFE];
	_ =	sdelay $0x1  }
0x8a: {  	s1 =	srdreg.scid  }
0x8b: {  	s0 =	sand.u32 $0x1, s1  }
0x8c: {  	s17 =	sshll.u32 s0, $0xA;
	s2 =	sadd.s32 s3, s2  }
0x8d: {  	s2 =	sadd.s32 s2, s17  }
0x8e: {  	[smem:$0x3FBE] =	sst s2  }
0x8f: {  	_ = 	snop  }
0x90: {  	s2 =	sld [smem:$0x3FD0];
	(tm) =	ssettm $0x1  }
0x91: {  	s18 =	sld [smem:$0x3FFB];
	_ =	sdelay $0x3  }
0x92: {  	_ =	strace s18  }
0x93: {  	s3 =	sld [smem:$0x3FFC];
	_ =	sdelay $0x3  }
0x94: {  	_ =	strace s3  }
0x95: {  	s3 =	sld [smem:$0x3FFD];
	_ =	sdelay $0x3  }
0x96: {  	_ =	strace s3  }
0x97: {  	_ =	strace $0x8FFFFFFF  }
0x98: {  	s19 =	sld [smem:$0x3FDB];
	_ =	sdelay $0x1  }
0x99: {  	s4 =	simm.s32 $_scs_section_size  }
0x9a: {  	s5 =	simm.s32 $_size__tile_overlayer_lowered;
	s6 =	simm.s32 $_tile_overlayer_lowered  }
0x9b: {  	s22 =	simm.s32 $0x1BFF;
	s21 =	sshll.u32 s6, $0x1;
	s3 =	sadd.s32 s4, s19  }
0x9c: {  	s7 =	simm.s32 $0x0;
	s20 =	sshll.u32 s5, $0x1;
	s5 =	sadd.s32 s21, s3  }
0x9d: {  	[timem:s7], [sflag:s22] =	dma.local [hbm:s5], s20  }
0x9e: {  	_ =	swait.ge [sflag:s22], s20  }
0x9f: {  	s4 =	ssub.s32 $0x0, s20;
	[sflag:s22] =	ssyncset.done $0x0  }
0xa0: {  	[sflag:s22] =	ssyncadd.s32 s4;
	_ =	sdelay $0x1  }
0xa1: {  	s23 =	simm.s32 $0x1B8B  }
0xa2: {  	_ =	swait.ge [sflag:s23], $0x1  }
0xa3: {  	[sflag:s23] =	ssyncset.done $0x0  }
0xa4: {  	s25 =	simm.s32 $0x1B8E;
	s24 =	sld [smem:$0x3FFE];
	[sflag:s23] =	ssyncadd.s32 $0xFFFFFFFF  }
0xa5: {  	s26 =	simm.s32 $execute0_lowered;
	[smem:$0x3FD2] =	sst s25  }
0xa6: {  	s5 =	sshll.u32 s26, $0x1;
	_ =	strace $0x8000004F;
	[dreg:$0x1] =	wrdreg $0xFFFFFFFF  }
0xa7: {  	s28 =	simm.s32 $_size_execute0_lowered;
	s3 =	sadd.s32 s3, s5;
	[dreg:$0x0] =	wrdreg $0x0  }
0xa8: {  	s5 =	sshll.u32 s28, $0x1;
	[dreg:$0x2] =	wrdreg s3  }
0xa9: {  	[dreg:$0x3] =	wrdreg s5  }
0xaa: {  	[dreg:$0x4] =	wrdreg $0xC0  }
0xab: {  	_ =	task [dreg:s7], $0x5FFFF  }
0xac: {  	[dreg:$0x1] =	wrdreg $0xFFFFFFFF  }
0xad: {  	[dreg:$0x0] =	wrdreg $0x60  }
0xae: {  	[dreg:$0x2] =	wrdreg s24  }
0xaf: {  	[dreg:$0x3] =	wrdreg s2  }
0xb0: {  	[dreg:$0x4] =	wrdreg $0x0  }
0xb1: {  	[dreg:$0x5] =	wrdreg $0x9  }
0xb2: {  	_ =	task.clear_ibuf [dreg:s7], $0x6FFFF;
	_ =	strace $0x9000004F  }
0xb3: {  	s29 =	simm.s32 $0x9;
	_ =	strace $0x80000051  }
0xb4: {  	_ =	swait.ge [sflag:s29], $0x1  }
0xb5: {  	[sflag:s29] =	ssyncadd.s32 $0xFFFFFFFF  }
0xb6: {  	_ =	strace $0x90000051  }
0xb7: {  	_ =	sfence  }
0xb8: {  	s30 =	sld [smem:$0x0];
	_ =	sdelay $0x2  }
0xb9: {  	s31 =	sshll.u32 s1, $0xD;
	s1 =	sshrl.u32 s1, $0x2  }
0xba: {  	s3 =	sand.u32 $0x4000, s31;
	s1 =	sadd.s32 s1, s30  }
0xbb: {  	s0 =	sor.u32 s3, s0;
	s1 =	sshll.u32 s1, $0x11  }
0xbc: {  	s0 =	sor.u32 s1, s0  }
0xbd: {  	s0 =	sadd.s32 $0x8F2B, s0  }
0xbe: {  	[sflag:s0] =	ssyncadd.remote.s32 $0x1  }
0xbf: {  	_ =	sfence.sel $0xFFFF  }
0xc0: {  	[dreg:$0x0] =	wrdreg $0xFFFFFFFF;
	(pc) =	sbr.abs _section_cstart, $3  }
0xc1: {  	[dreg:$0x1] =	wrdreg $0xFFFFFFFF  }
0xc2: {  	_ =	task.clear_ibuf [dreg:s7], $0x2FFFF;
	_ =	strace $0x9FFFFFFF  }
0xc3: {  	(tm) =	ssettm $0x7FFFFFFF  }
tec
execute0_lowered:
.L_overlay_start_1:
0x0: {  	(tag) =	ssettag $0x1  }
0x1: {  	s0 =	rddreg [dreg:$0x0]  }
0x2: {  	s1 =	rddreg [dreg:$0x1]  }
0x3: {  	s2 =	rddreg [dreg:$0x2];
	s3 =	simm.s32 $0x0  }
0x4: {  	s14 =	stileid.u32;
	s23 =	srdreg.scid;
	s20 =	simm.s32 $0x1  }
0x5: {  	s21 =	simm.s32 $0x13880;
	s22 =	simm.s32 $0x13900;
	s28 =	simm.s32 $0x0  }
0x6: {  	[smem:$0x7FF] =	sst s3;
	s5 =	sadd.s32 $0xE800, s0;
	s6 =	sadd.s32 $0x4A00, s0  }
0x7: {  	s7 =	sadd.s32 $0x18600, s0;
	s4 =	smul.u32 $0x2700, s14;
	s3 =	sand.u32 $0x1, s23  }
0x8: {  	s8 =	sadd.s32 $0x66A00, s0;
	s9 =	sadd.s32 $0x3F800, s0;
	s11 =	smul.u32 $0x4E000, s14  }
0x9: {  	s13 =	sadd.s32 $0x8DE00, s0;
	s12 =	smul.u32 $0x13800, s14;
	p0 =	seq.s32 s14, $0xF  }
0xa: {  	s23 =	simm.s32 $0x50;
	_ =	strace $0x80000050;
	[dreg:$0x4] =	wrdreg s8  }
0xb: {  	s24 =	ssub.s32 $0x2, s3;
	s25 =	smul.u32 $0x138800, s3;
	s3 =	sshll.u32 s3, $0x4  }
0xc: {  	s4 =	sadd.s32 s4, s0;
	s10 =	sshrl.u32 s24, $0x1;
	s11 =	sshrl.u32 s11, $0x2  }
0xd: {  	s3 =	sor.u32 s14, s3;
	s0 =	sadd.s32 $0x8B500, s0;
	s8 =	ssub.s32 s24, s10  }
0xe: {  	s11 =	sadd.s32 s11, s2;
	s4 =	sadd.s32 $0x66C00, s4;
	[dreg:$0x6] =	wrdreg s0  }
0xf: {  	s26 =	sadd.s32 s12, s25;
	s12 =	smul.u32 $0x2710, s3;
	s29 =	sshrl.u32 s25, $0x3  }
0x10: {  	s24 =	simm.s32 $0x18980;
	s25 =	simm.s32 $0x13980;
	[dreg:$0x5] =	wrdreg s4  }
0x11: {  	s4 =	sadd.s32 $0x124800, s2;
	s0 =	sshrl.u32 s26, $0x3;
	s31 =	smax.u32 s8, $0x1  }
0x12: {  	s30 =	sadd.s32 s13, s29;
	s0 =	sadd.s32 s13, s0;
	[dreg:$0x9] =	wrdreg s31  }
0x13: {  	s10 =	sshrl.u32 @!p0 s11, $0x3;
	[dreg:$0x7] =	wrdreg s0;
	s0 =	sadd.s32 $0x24900, s30  }
0x14: {  	s26 =	simm.s32 $0x16180;
	[dreg:$0x8] =	wrdreg s0;
	s0 =	sshll.u32 @!p0 s14, $0x6  }
0x15: {  	s4 =	sshrl.u32 @p0 s4, $0x3;
	[dreg:$0xa] =	wrdreg s10;
	s8 =	sor.u32 @!p0 $0x1C01, s0  }
.LBB2_1:
0x16: {  	s0 =	simm.s32 @p0 $0x1FC1;
	s3 =	rddreg [dreg:$0x6]  }
0x17: {  	[spmem:s4], [sflag:s0] =	dma.local @p0 [hbm:s3], $0x2800  }
0x18: {  	s0 =	simm.s32 @p0 $0x1  }
0x19: {  	_ =	swait.ge @p0 [sflag:s0], $0x2800  }
0x1a: {  	[sflag:s0] =	ssyncset.done @p0 $0x0  }
0x1b: {  	[sflag:s0] =	ssyncadd.s32 @p0 $0xFFFFD800;
	s0 =	rddreg [dreg:$0x5]  }
0x1c: {  	[spmem:s10], [sflag:s8] =	dma.local @!p0 [hbm:s0], $0x2700  }
0x1d: {  	s0 =	simm.s32 @!p0 $0x1  }
0x1e: {  	_ =	swait.ge @!p0 [sflag:s0], $0x2700  }
0x1f: {  	s19 =	simm.s32 $0x0;
	[sflag:s0] =	ssyncset.done @!p0 $0x0  }
0x20: {  	s31 =	simm.s32 $0x1B180;
	s30 =	rddreg [dreg:$0x4];
	[sflag:s0] =	ssyncadd.s32 @!p0 $0xFFFFD900  }
0x21: {  	[tilespmem:s31], [sflag:$0x1] =	stream.linear.gather [hbm4b:s30+s19], $0x80, $0x38;
	[tilespmem:$0x1B200] =	vst v63  }
0x22: {  	_ =	swait.ge [sflag:s20], $0x80  }
0x23: {  	[sflag:s20] =	ssyncset.done $0x0  }
0x24: {  	[sflag:s20] =	ssyncadd.s32 $0xFFFFFF80  }
0x25: {  	[bflag:$0x0] =	sbarrier.arrive $0xFFFF  }
0x26: {  	v0 =	vld [tilespmem:$0x1B180]  }
0x27: {  	s17 =	smov.u32 s4;
	s18 =	smov.u32 s8;
	s29 =	simm.s32 $0x0  }
.LBB2_2:
0x28: {  	s0 =	smul.u32 $0x50, s29;
	_ =	sdelay $0x1  }
0x29: {  	s0 =	sadd.s32 s12, s0  }
0x2a: {  	s0 =	sshrl.u32 s0, $0x3  }
0x2b: {  	s4 =	simm.s32 $0x0;
	s3 =	sadd.s32 s5, s0  }
0x2c: {  	[tilespmem:s21], [sflag:$0x1] =	stream.linear.gather [hbm4b:s3+s4], $0x50, $0x38;
	[tilespmem:$0x1B200] =	vst v63  }
0x2d: {  	_ =	swait.ge [sflag:s20], $0x50  }
0x2e: {  	[sflag:s20] =	ssyncset.done $0x0  }
0x2f: {  	s0 =	sadd.s32 s6, s0;
	[sflag:s20] =	ssyncadd.s32 $0xFFFFFFB0  }
0x30: {  	[tilespmem:s22], [sflag:$0x1] =	stream.linear.gather [hbm4b:s0+s4], $0x50, $0x38;
	[tilespmem:$0x1B200] =	vst v63  }
0x31: {  	_ =	swait.ge [sflag:s20], $0x50  }
0x32: {  	[sflag:s20] =	ssyncset.done $0x0  }
0x33: {  	[sflag:s20] =	ssyncadd.s32 $0xFFFFFFB0  }
0x34: {  	[tilespmem:s24], [sflag:$0x1] =	stream.indirect.gather [hbm4b:s9+s23], $0x80, s21, s23, $0xb8;
	[tilespmem:$0x1B200] =	vst v63  }
0x35: {  	_ =	swait.ge [sflag:s20], $0x2800  }
0x36: {  	[sflag:s20] =	ssyncset.done $0x0  }
0x37: {  	[sflag:s20] =	ssyncadd.s32 $0xFFFFD800  }
0x38: {  	[tilespmem:s25], [sflag:$0x1] =	stream.indirect.gather [hbm4b:s1+s23], $0x80, s21, s23, $0xb8;
	[tilespmem:$0x1B200] =	vst v63  }
0x39: {  	_ =	swait.ge [sflag:s20], $0x2800  }
0x3a: {  	[sflag:s20] =	ssyncset.done $0x0  }
0x3b: {  	[sflag:s20] =	ssyncadd.s32 $0xFFFFD800  }
0x3c: {  	[tilespmem:s26], [sflag:$0x1] =	stream.indirect.gather [hbm4b:s7+s23], $0x80, s22, s23, $0xb8;
	[tilespmem:$0x1B200] =	vst v63  }
0x3d: {  	_ =	swait.ge [sflag:s20], $0x2800  }
0x3e: {  	[sflag:s20] =	ssyncset.done $0x0  }
0x3f: {  	s0 =	simm.s32 $0x0;
	[sflag:s20] =	ssyncadd.s32 $0xFFFFD800  }
0x40: {  	v1 =	vld [tilespmem:s0+$0x16180]  }
0x41: {  	v2 =	vld [tilespmem:s0+$0x13980];
	_ =	sdelay $0x4  }
0x42: {  	v2 =	vadd.f32 v2, v1;
	_ =	sdelay $0x1  }
0x43: {  	v3 =	vmul.f32 $2.000000030e-01, v2  }
0x44: {  	vm0 =	vgt.f32 v2, $0.0e+00  }
0x45: {  	v2 =	vsel vm0, v2, v3  }
0x46: {  	v2 =	vsub.f32 v2, v0;
	_ =	sdelay $0x1  }
0x47: {  	v2 =	vmul.f32 $1.442695020e+00, v2;
	_ =	sdelay $0x1  }
0x48: {  	(v2sf) =	vpush v1, $0x8;
	(erf) = vpow2.f32 v2  }
0x49: {  	(v2sf) =	vpush v1, $0x9  }
0x4a: {  	(v2sf) =	vpush v1, $0xA  }
0x4b: {  	(v2sf) =	vpush v1, $0xB  }
0x4c: {  	(v2sf) =	vpush v1, $0xC  }
0x4d: {  	(v2sf) =	vpush v1, $0xD  }
0x4e: {  	s31 =	simm.s32 $0x80;
	(v2sf) =	vpush v1, $0xE  }
0x4f: {  	(v2sf) =	vpush v1, $0xF;
	v1 =	vld [tilespmem:s31+$0x13980]  }
0x50: {  	v2 =	vld [tilespmem:s31+$0x16180]  }
0x51: {  	v3 =	vpop (erf)  }
0x52: {  	(v2sf) =	vpush v3, $0x0  }
0x53: {  	(v2sf) =	vpush v3, $0x1  }
0x54: {  	(v2sf) =	vpush v3, $0x2  }
0x55: {  	v4 =	vadd.f32 v1, v2;
	(v2sf) =	vpush v3, $0x3  }
0x56: {  	(v2sf) =	vpush v3, $0x4  }
0x57: {  	v5 =	vmul.f32 $2.000000030e-01, v4;
	(v2sf) =	vpush v3, $0x5  }
0x58: {  	vm15 =	vgt.f32 v4, $0.0e+00;
	(v2sf) =	vpush v3, $0x6  }
0x59: {  	(v2sf) =	vpush v3, $0x7;
	v3 =	vsel vm15, v4, v5  }
0x5a: {  	v3 =	vsub.f32 v3, v0;
	_ =	sdelay $0x1  }
0x5b: {  	v3 =	vmul.f32 $1.442695020e+00, v3;
	_ =	sdelay $0x1  }
0x5c: {  	s30 =	simm.s32 $0x100;
	(erf) = vpow2.f32 v3  }
0x5d: {  	v1 =	vld [tilespmem:s30+$0x16180];
	s14 =	spop (v2sf)  }
0x5e: {  	s15 =	spop (v2sf);
	v5 =	vld [tilespmem:s30+$0x13980];
	(v2sf) =	vpush v2, $0x8  }
0x5f: {  	s13 =	spop (v2sf);
	(v2sf) =	vpush v2, $0x9  }
0x60: {  	s11 =	spop (v2sf);
	(v2sf) =	vpush v2, $0xA  }
0x61: {  	s8 =	spop (v2sf);
	(v2sf) =	vpush v2, $0xB  }
0x62: {  	s19 =	spop (v2sf);
	(v2sf) =	vpush v2, $0xC  }
0x63: {  	s3 =	spop (v2sf);
	v4 =	vld [tilespmem:s0+$0x18980];
	v5 =	vadd.f32 v5, v1;
	(v2sf) =	vpush v2, $0xD  }
0x64: {  	s10 =	simm.s32 $0x600;
	s4 =	spop (v2sf);
	v3 =	vld [tilespmem:s0+$0x18990];
	(v2sf) =	vpush v2, $0xE  }
.LBB2_3:
0x65: {  	p1 =	sne.s32 s10, $0x9E00;
	v6 =	vmul.f32 $2.000000030e-01, v5;
	v7 =	vpop (erf);
	(v2sf) =	vpush v2, $0xF;
	v8 =	vld [tilespmem:s0+$0x189A0];
	s16 =	spop (v2sf);
	v2 =	vmov v1  }
0x66: {  	vm0 =	vgt.f32 v5, $0.0e+00;
	(v2sf) =	vpush v7, $0x0;
	s14 =	smul.f32 s16, s14;
	v1 =	vld [tilespmem:s0+$0x189B0];
	s16 =	spop (v2sf)  }
0x67: {  	v5 =	vsel vm0, v5, v6;
	(v2sf) =	vpush v7, $0x1;
	s15 =	smul.f32 s16, s15;
	v6 =	vld [tilespmem:s0+$0x189C0];
	s16 =	spop (v2sf)  }
0x68: {  	v5 =	vsub.f32 v5, v0;
	(v2sf) =	vpush v7, $0x2;
	v4 =	vmul.f32 s14, v4;
	s13 =	smul.f32 s16, s13;
	v9 =	vld [tilespmem:s0+$0x189D0];
	s14 =	spop (v2sf)  }
0x69: {  	(v2sf) =	vpush v7, $0x3;
	v3 =	vmul.f32 s15, v3;
	s11 =	smul.f32 s14, s11;
	v10 =	vld [tilespmem:s0+$0x189E0];
	s14 =	spop (v2sf)  }
0x6a: {  	v5 =	vmul.f32 $1.442695020e+00, v5;
	(v2sf) =	vpush v7, $0x4;
	[tilespmem:s0+$0x18980] =	vst v4;
	v4 =	vmul.f32 s13, v8;
	s8 =	smul.f32 s14, s8;
	v8 =	vld [tilespmem:s0+$0x189F0];
	s13 =	spop (v2sf)  }
0x6b: {  	(v2sf) =	vpush v7, $0x5;
	[tilespmem:s0+$0x18990] =	vst v3;
	v3 =	vmul.f32 s11, v1;
	s11 =	smul.f32 s13, s19;
	s13 =	spop (v2sf)  }
0x6c: {  	s16 =	sshra.s32 s10, $0x2;
	(erf) = vpow2.f32 v5;
	(v2sf) =	vpush v7, $0x6;
	[tilespmem:s0+$0x189A0] =	vst v4;
	v4 =	vmul.f32 s8, v6;
	s3 =	smul.f32 s13, s3;
	s8 =	spop (v2sf)  }
0x6d: {  	v1 =	vld [tilespmem:s16+$0x16180];
	s14 =	spop (v2sf);
	(v2sf) =	vpush v7, $0x7;
	[tilespmem:s0+$0x189B0] =	vst v3;
	v3 =	vmul.f32 s11, v9;
	s4 =	smul.f32 s8, s4  }
0x6e: {  	v5 =	vld [tilespmem:s16+$0x13980];
	(v2sf) =	vpush v2, $0x8;
	s15 =	spop (v2sf);
	[tilespmem:s0+$0x189C0] =	vst v4;
	v4 =	vmul.f32 s3, v10  }
0x6f: {  	(v2sf) =	vpush v2, $0x9;
	s13 =	spop (v2sf);
	[tilespmem:s0+$0x189D0] =	vst v3;
	v3 =	vmul.f32 s4, v8  }
.Ltmp0:
0x70: {  	(v2sf) =	vpush v2, $0xA;
	s11 =	spop (v2sf);
	[tilespmem:s0+$0x189E0] =	vst v4;
	(pc) =	sbr.rel @p1 .LBB2_3-.Ltmp0, $4  }
0x71: {  	(v2sf) =	vpush v2, $0xB;
	s8 =	spop (v2sf);
	[tilespmem:s0+$0x189F0] =	vst v3;
	s0 =	smov.u32 s31;
	s31 =	smov.u32 s30  }
0x72: {  	s30 =	smov.u32 s16;
	(v2sf) =	vpush v2, $0xC;
	s19 =	spop (v2sf)  }
0x73: {  	v5 =	vadd.f32 v5, v1;
	(v2sf) =	vpush v2, $0xD;
	v4 =	vld [tilespmem:s0+$0x18980];
	s3 =	spop (v2sf)  }
0x74: {  	s10 =	sadd.s32 $0x200, s10;
	(v2sf) =	vpush v2, $0xE;
	v3 =	vld [tilespmem:s0+$0x18990];
	s4 =	spop (v2sf)  }
0x75: {  	v6 =	vmul.f32 $2.000000030e-01, v5;
	v7 =	vpop (erf);
	(v2sf) =	vpush v2, $0xF;
	s10 =	spop (v2sf)  }
0x76: {  	v2 =	vld [tilespmem:s0+$0x189A0];
	vm0 =	vgt.f32 v5, $0.0e+00;
	(v2sf) =	vpush v7, $0x0;
	s10 =	smul.f32 s10, s14;
	s14 =	spop (v2sf)  }
0x77: {  	v8 =	vld [tilespmem:s0+$0x189B0];
	v5 =	vsel vm0, v5, v6;
	(v2sf) =	vpush v7, $0x1;
	s16 =	spop (v2sf)  }
0x78: {  	v53 =	vld [tilespmem:s0+$0x189C0];
	s14 =	smul.f32 s14, s15;
	v5 =	vsub.f32 v5, v0;
	(v2sf) =	vpush v7, $0x2;
	s15 =	spop (v2sf)  }
0x79: {  	v9 =	vld [tilespmem:s0+$0x189D0];
	v4 =	vmul.f32 s10, v4;
	s13 =	smul.f32 s16, s13;
	(v2sf) =	vpush v7, $0x3;
	s16 =	spop (v2sf)  }
0x7a: {  	v10 =	vld [tilespmem:s0+$0x189E0];
	v3 =	vmul.f32 s14, v3;
	s10 =	smul.f32 s15, s11;
	v5 =	vmul.f32 $1.442695020e+00, v5;
	(v2sf) =	vpush v7, $0x4;
	s14 =	spop (v2sf)  }
0x7b: {  	v54 =	vld [tilespmem:s0+$0x189F0];
	[tilespmem:s0+$0x18980] =	vst v4;
	v2 =	vmul.f32 s13, v2;
	s8 =	smul.f32 s16, s8;
	(v2sf) =	vpush v7, $0x5;
	s16 =	spop (v2sf)  }
0x7c: {  	[tilespmem:s0+$0x18990] =	vst v3;
	v3 =	vmul.f32 s10, v8;
	s14 =	smul.f32 s14, s19;
	(erf) = vpow2.f32 v5;
	(v2sf) =	vpush v7, $0x6;
	s15 =	spop (v2sf)  }
0x7d: {  	[tilespmem:s0+$0x189A0] =	vst v2;
	v2 =	vmul.f32 s8, v53;
	s3 =	smul.f32 s16, s3;
	s16 =	spop (v2sf);
	(v2sf) =	vpush v7, $0x7  }
0x7e: {  	[tilespmem:s0+$0x189B0] =	vst v3;
	v3 =	vmul.f32 s14, v9;
	s4 =	smul.f32 s15, s4;
	(v2sf) =	vpush v1, $0x8;
	s10 =	spop (v2sf)  }
0x7f: {  	[tilespmem:s0+$0x189C0] =	vst v2;
	v2 =	vmul.f32 s3, v10;
	(v2sf) =	vpush v1, $0x9;
	s3 =	spop (v2sf)  }
0x80: {  	[tilespmem:s0+$0x189D0] =	vst v3;
	v3 =	vmul.f32 s4, v54;
	(v2sf) =	vpush v1, $0xA;
	s4 =	spop (v2sf)  }
0x81: {  	[tilespmem:s0+$0x189E0] =	vst v2;
	(v2sf) =	vpush v1, $0xB;
	s11 =	spop (v2sf)  }
0x82: {  	[tilespmem:s0+$0x189F0] =	vst v3;
	(v2sf) =	vpush v1, $0xC;
	s0 =	spop (v2sf)  }
0x83: {  	(v2sf) =	vpush v1, $0xD;
	s13 =	spop (v2sf)  }
0x84: {  	v2 =	vld [tilespmem:s31+$0x18980];
	(v2sf) =	vpush v1, $0xE;
	s14 =	spop (v2sf)  }
0x85: {  	v3 =	vld [tilespmem:s31+$0x18990];
	v55 =	vpop (erf);
	(v2sf) =	vpush v1, $0xF;
	s19 =	spop (v2sf)  }
0x86: {  	v1 =	vld [tilespmem:s31+$0x189A0];
	(v2sf) =	vpush v55, $0x0;
	s8 =	smul.f32 s19, s16;
	s16 =	spop (v2sf)  }
0x87: {  	v56 =	vld [tilespmem:s31+$0x189B0];
	s19 =	spop (v2sf);
	(v2sf) =	vpush v55, $0x1  }
0x88: {  	v57 =	vld [tilespmem:s31+$0x189C0];
	s10 =	smul.f32 s16, s10;
	s15 =	spop (v2sf);
	(v2sf) =	vpush v55, $0x2  }
0x89: {  	v58 =	vld [tilespmem:s31+$0x189D0];
	v2 =	vmul.f32 s8, v2;
	s3 =	smul.f32 s19, s3;
	s19 =	spop (v2sf);
	(v2sf) =	vpush v55, $0x3  }
0x8a: {  	v59 =	vld [tilespmem:s31+$0x189E0];
	v3 =	vmul.f32 s10, v3;
	s4 =	smul.f32 s15, s4;
	s10 =	spop (v2sf);
	(v2sf) =	vpush v55, $0x4  }
0x8b: {  	[tilespmem:s31+$0x18980] =	vst v2;
	v1 =	vmul.f32 s3, v1;
	s16 =	smul.f32 s19, s11;
	v2 =	vld [tilespmem:s31+$0x189F0];
	s19 =	spop (v2sf);
	(v2sf) =	vpush v55, $0x5  }
0x8c: {  	[tilespmem:s31+$0x18990] =	vst v3;
	v3 =	vmul.f32 s4, v56;
	s0 =	smul.f32 s10, s0;
	s11 =	spop (v2sf);
	(v2sf) =	vpush v55, $0x6  }
0x8d: {  	[tilespmem:s31+$0x189A0] =	vst v1;
	v1 =	vmul.f32 s16, v57;
	s13 =	smul.f32 s19, s13;
	s8 =	spop (v2sf);
	(v2sf) =	vpush v55, $0x7  }
0x8e: {  	[tilespmem:s31+$0x189B0] =	vst v3;
	v3 =	vmul.f32 s0, v58;
	s15 =	smul.f32 s11, s14;
	s16 =	spop (v2sf)  }
0x8f: {  	[tilespmem:s31+$0x189C0] =	vst v1;
	v1 =	vmul.f32 s13, v59;
	s3 =	spop (v2sf)  }
0x90: {  	[tilespmem:s31+$0x189D0] =	vst v3;
	v2 =	vmul.f32 s15, v2;
	s0 =	spop (v2sf)  }
0x91: {  	[tilespmem:s31+$0x189E0] =	vst v1;
	s10 =	spop (v2sf)  }
0x92: {  	[tilespmem:s31+$0x189F0] =	vst v2;
	s11 =	spop (v2sf)  }
0x93: {  	v1 =	vld [tilespmem:s30+$0x18980];
	s13 =	spop (v2sf)  }
0x94: {  	v2 =	vld [tilespmem:s30+$0x18990];
	s14 =	spop (v2sf)  }
0x95: {  	v3 =	vld [tilespmem:s30+$0x189A0];
	s19 =	spop (v2sf)  }
0x96: {  	v60 =	vld [tilespmem:s30+$0x189B0];
	s8 =	smul.f32 s19, s8;
	s31 =	spop (v2sf)  }
0x97: {  	v61 =	vld [tilespmem:s30+$0x189C0];
	s4 =	smul.f32 s31, s16;
	s16 =	spop (v2sf)  }
0x98: {  	v62 =	vld [tilespmem:s30+$0x189D0];
	v1 =	vmul.f32 s8, v1;
	s3 =	smul.f32 s16, s3;
	s19 =	spop (v2sf)  }
0x99: {  	v63 =	vld [tilespmem:s30+$0x189E0];
	v2 =	vmul.f32 s4, v2;
	s0 =	smul.f32 s19, s0;
	s31 =	spop (v2sf)  }
0x9a: {  	[tilespmem:s30+$0x18980] =	vst v1;
	v1 =	vmul.f32 s3, v3;
	s8 =	smul.f32 s31, s10;
	v3 =	vld [tilespmem:s30+$0x189F0];
	s10 =	spop (v2sf)  }
0x9b: {  	[tilespmem:s30+$0x18990] =	vst v2;
	v2 =	vmul.f32 s0, v60;
	s11 =	smul.f32 s10, s11;
	s15 =	spop (v2sf)  }
0x9c: {  	[tilespmem:s30+$0x189A0] =	vst v1;
	v1 =	vmul.f32 s8, v61;
	s16 =	smul.f32 s15, s13;
	s19 =	spop (v2sf)  }
0x9d: {  	[tilespmem:s30+$0x189B0] =	vst v2;
	v2 =	vmul.f32 s11, v62;
	s31 =	smul.f32 s19, s14  }
0x9e: {  	[tilespmem:s30+$0x189C0] =	vst v1;
	v1 =	vmul.f32 s16, v63  }
0x9f: {  	s29 =	sadd.s32 $0x1, s29;
	[tilespmem:s30+$0x189D0] =	vst v2;
	v2 =	vmul.f32 s31, v3  }
0xa0: {  	p1 =	sne.s32 s29, $0x7D;
	[tilespmem:s30+$0x189E0] =	vst v1  }
.Ltmp1:
0xa1: {  	[tilespmem:s30+$0x189F0] =	vst v2;
	(pc) =	sbr.rel @p1 .LBB2_2-.Ltmp1, $4  }
0xa2: {  	[spmem:s2] =	stream.indirect.scatter.add.f32 [tilespmem:s24], [sflag:$0x1], $0x80, s22, s23, $0xb8;
	[tilespmem:$0x1B200] =	vst v63  }
0xa3: {  	_ =	swait.ge [sflag:s20], $0x2800  }
0xa4: {  	[sflag:s20] =	ssyncset.done $0x0  }
0xa5: {  	[sflag:s20] =	ssyncadd.s32 $0xFFFFD800  }
0xa6: {  	[bflag:$0x0] =	sbarrier.arrive $0xFFFF  }
0xa7: {  	s0 =	simm.s32 @p0 $0x1FC1;
	s3 =	rddreg [dreg:$0x8]  }
0xa8: {  	[hbm:s3], [sflag:s0] =	dma.local @p0 [spmem:s17], $0x2800  }
0xa9: {  	s0 =	simm.s32 @p0 $0x1  }
0xaa: {  	_ =	swait.ge @p0 [sflag:s0], $0x2800  }
0xab: {  	[sflag:s0] =	ssyncset.done @p0 $0x0;
	s10 =	rddreg [dreg:$0xa]  }
0xac: {  	[sflag:s0] =	ssyncadd.s32 @p0 $0xFFFFD800;
	s0 =	rddreg [dreg:$0x7]  }
0xad: {  	[hbm:s0], [sflag:s18] =	dma.local @!p0 [spmem:s10], $0x2700  }
0xae: {  	s0 =	simm.s32 @!p0 $0x1  }
0xaf: {  	_ =	swait.ge @!p0 [sflag:s0], $0x2700  }
0xb0: {  	s28 =	sadd.s32 $0x1, s28;
	s31 =	rddreg [dreg:$0x9]  }
0xb1: {  	p1 =	sne.s32 s28, s31  }
.Ltmp2:
0xb2: {  	_ = 	snop;
	(pc) =	sbr.rel @p1 .LBB2_1-.Ltmp2, $3  }
0xb3: {  	_ =	sdelay $0x1  }
0xb4: {  	[sflag:s0] =	ssyncset.done @!p0 $0x0  }
0xb5: {  	s4 =	smov.u32 s17;
	s8 =	smov.u32 s18;
	[sflag:s0] =	ssyncadd.s32 @!p0 $0xFFFFD900  }
0xb6: {  	_ =	sfence.sel $0x180000  }
0xb7: {  	[bflag:$0x0] =	sbarrier.arrive $0xFFFF  }
0xb8: {  	_ =	strace $0x90000050  }
0xb9: {  	s0 =	stileid.u32;
	[bflag:$0x2] =	sbarrier.arrive $0xFFFF  }
0xba: {  	p0 =	sne.s32 s0, $0x0;
	s0 =	rddreg [dreg:$0x3]  }
0xbb: {  	s0 =	sadd.s32 @!p0 $0x100000, s0  }
0xbc: {  	[sflag:s0] =	ssyncadd.tile.s32 @!p0 $0x1;
	_ =	shalt  }
.Lfunc_end2:
_tile_overlayer_lowered:
.L_overlay_start_2:
0xbd: {  	(tag) =	ssettag $0x2  }
0xbe: {  	s0 =	rddreg [dreg:$0x0];
	s2 =	stileid.u32  }
0xbf: {  	s1 =	rddreg [dreg:$0x1];
	p0 =	sne.s32 s2, $0x0  }
0xc0: {  	s3 =	rddreg [dreg:$0x2];
	[bflag:$0x3] =	sbarrier.arrive $0xFFFF;
	s2 =	simm.s32 @!p0 $0x1C01  }
0xc1: {  	[timem:s3], [sflag:s2] =	dma.local @!p0 [hbm:s0], s1  }
0xc2: {  	s0 =	simm.s32 @!p0 $0x1  }
0xc3: {  	_ =	swait.ge @!p0 [sflag:s0], s1  }
0xc4: {  	s1 =	ssub.s32 @!p0 $0x0, s1;
	[sflag:s0] =	ssyncset.done @!p0 $0x0  }
0xc5: {  	[sflag:s0] =	ssyncadd.s32 @!p0 s1  }
0xc6: {  	[bflag:$0x3] =	sbarrier.arrive $0xFFFF  }
0xc7: {  	_ =	shalt  }

</sc_bundles>
